<compile_context>
chip_gen: v7x
topology: tpu7x:2x2x1
jax: 0.10.2.dev20260603
libtpu: 0.0.44.dev20260713+nightly
codegen_flags: <defaults>
</compile_context>

<pallas_src>
import jax
import jax.numpy as jnp
from jax import lax
from jax.experimental import pallas as pl
from jax.experimental.pallas import tpu as pltpu
from jax.experimental.pallas import tpu_sc as plsc

N = 10000
E = 320000
D = 128
C = 40

NC = 2
NS = 16
H = D // NC
K = 128
NBLK = E // K
BPT = NBLK // NS
TAIL0 = BPT * NS
CHUNKS = BPT
NBUF = 4
GROUPS = CHUNKS // 2
N_PAD = 10240
ROWS_PER_TILE = N_PAD // NS
ZROWS = 128


def _sc_segment_sum_body(xview_hbm, eidx_hbm, out_sums, out_cnt,
                         idx_e, bufs, ones, zbuf, zcnt,
                         shared_sums, shared_cnt, gsems, ssems, csems):
    cid = lax.axis_index("c")
    sid = lax.axis_index("s")

    def zrow_body(i, _):
        for j in range(H // 16):
            zbuf[i, pl.ds(j * 16, 16)] = jnp.zeros((16,), jnp.float32)
        return 0
    lax.fori_loop(0, ZROWS, zrow_body, 0)

    def zcnt_body(i, _):
        zcnt[pl.ds(pl.multiple_of(i * 16, 16), 16)] = jnp.zeros((16,), jnp.float32)
        return 0
    lax.fori_loop(0, ROWS_PER_TILE // 16, zcnt_body, 0)

    for j in range(128 // 16):
        ones[pl.ds(j * 16, 16)] = jnp.ones((16,), jnp.float32)

    for k in range(ROWS_PER_TILE // ZROWS):
        pltpu.sync_copy(zbuf, shared_sums.at[pl.ds(sid * ROWS_PER_TILE + k * ZROWS, ZROWS)])
    pltpu.sync_copy(zcnt, shared_cnt.at[pl.ds(sid * ROWS_PER_TILE, ROWS_PER_TILE)])

    pltpu.sync_copy(eidx_hbm.at[pl.ds(sid * BPT, BPT)], idx_e.at[pl.ds(0, BPT)])

    @pl.when(sid < 4)
    def _():
        pltpu.sync_copy(eidx_hbm.at[pl.ds(TAIL0 + sid, 1)], idx_e.at[pl.ds(BPT, 1)])

    plsc.subcore_barrier()

    cidv = jnp.full((16,), cid, jnp.int32)

    def prep_row(j):
        for t in range(K // 16):
            v = idx_e[j, 0, pl.ds(16 * t, 16)]
            idx_e[j, 0, pl.ds(16 * t, 16)] = v + v + cidv

    def gather_start(j, b):
        prep_row(j)
        pltpu.async_copy(xview_hbm.at[idx_e.at[j, 0]], bufs[b], gsems[b])

    def gather_wait(j, b):
        pltpu.make_async_copy(
            xview_hbm.at[idx_e.at[j, 0]], bufs[b], gsems[b]).wait()

    def scatter_start(j, b):
        pltpu.async_copy(bufs[b], shared_sums.at[idx_e.at[j, 1]], ssems[b],
                         add=True)

    def scatter_wait(j, b):
        pltpu.make_async_copy(
            bufs[b], shared_sums.at[idx_e.at[j, 1]], ssems[b]).wait()

    def count_start(j, b):
        pltpu.async_copy(ones, shared_cnt.at[idx_e.at[j, 1]],
                         csems[b], add=True)

    def count_wait(j, b):
        pltpu.make_async_copy(
            ones, shared_cnt.at[idx_e.at[j, 1]], csems[b]).wait()

    chunks_t = lax.select(sid < 4, jnp.int32(BPT + 1), jnp.int32(BPT))

    for b in range(NBUF):
        gather_start(b, b)

    def group(g, base):
        for i in range(2):
            j = 2 * g + i
            b = base + i
            gather_wait(j, b)
            scatter_start(j, b)

            @pl.when(cid == i % 2)
            def _():
                count_start(j, b)

        for i in range(2):
            j = 2 * g + i
            b = base + i
            scatter_wait(j, b)

            @pl.when(cid == i % 2)
            def _():
                count_wait(j, b)

            @pl.when(j + NBUF < chunks_t)
            def _():
                gather_start(j + NBUF, b)

    def pair_body(gg, _):
        group(2 * gg, 0)
        group(2 * gg + 1, 2)
        return 0
    lax.fori_loop(0, GROUPS // 2, pair_body, 0)

    @pl.when(sid < 4)
    def _():
        gather_wait(BPT, 0)
        scatter_start(BPT, 0)

        @pl.when(cid == 0)
        def _():
            count_start(BPT, 0)

        scatter_wait(BPT, 0)

        @pl.when(cid == 0)
        def _():
            count_wait(BPT, 0)

    plsc.subcore_barrier()

    for k in range(ROWS_PER_TILE // ZROWS):
        r0 = sid * ROWS_PER_TILE + k * ZROWS
        pltpu.sync_copy(shared_sums.at[pl.ds(r0, ZROWS)],
                        out_sums.at[cid, pl.ds(r0, ZROWS)])
    pltpu.sync_copy(shared_cnt.at[pl.ds(sid * ROWS_PER_TILE, ROWS_PER_TILE)],
                    out_cnt.at[cid, pl.ds(sid * ROWS_PER_TILE, ROWS_PER_TILE)])


@jax.jit
def _sc_segment_sum(xview, eidx):
    mesh = plsc.VectorSubcoreMesh(core_axis_name="c", subcore_axis_name="s")
    f = pl.kernel(
        _sc_segment_sum_body,
        out_type=[
            jax.ShapeDtypeStruct((NC, N_PAD, H), jnp.float32),
            jax.ShapeDtypeStruct((NC, N_PAD), jnp.float32),
        ],
        mesh=mesh,
        compiler_params=pltpu.CompilerParams(use_tc_tiling_on_sc=False),
        scratch_types=[
            pltpu.VMEM((BPT + 1, 2, K), jnp.int32),
            [pltpu.VMEM((K, H), jnp.float32) for _ in range(NBUF)],
            pltpu.VMEM((128,), jnp.float32),
            pltpu.VMEM((ZROWS, H), jnp.float32),
            pltpu.VMEM((ROWS_PER_TILE,), jnp.float32),
            pltpu.VMEM_SHARED((N_PAD, H), jnp.float32),
            pltpu.VMEM_SHARED((N_PAD,), jnp.float32),
            [pltpu.SemaphoreType.DMA for _ in range(NBUF)],
            [pltpu.SemaphoreType.DMA for _ in range(NBUF)],
            [pltpu.SemaphoreType.DMA for _ in range(NBUF)],
        ],
    )
    return f(xview, eidx)


def _dense_body(x_ref, pl_ref, pr_ref, cnt_ref, wes_ref, went_ref, wenb_ref,
                be_ref, wc_ref, bc_ref, out_ref):
    cnt = cnt_ref[0, :] + cnt_ref[1, :]
    inv = 1.0 / jnp.maximum(cnt, 1.0)
    agg = (pl_ref[0] * inv[:, None]) @ went_ref[...] \
        + (pr_ref[0] * inv[:, None]) @ wenb_ref[...]
    h = x_ref[...] @ wes_ref[...] + agg + be_ref[...]
    h = jax.nn.gelu(h)
    logits = h @ wc_ref[...] + bc_ref[...]
    out_ref[...] = jax.nn.softmax(jax.nn.gelu(logits), axis=-1).T


def _dense(x, psums, pcnt, wes, went, wenb, be, wc, bc):
    B = 5120
    grid = (2,)
    return pl.pallas_call(
        _dense_body,
        grid=grid,
        in_specs=[
            pl.BlockSpec((B, D), lambda i: (i, 0)),
            pl.BlockSpec((1, B, H), lambda i: (0, i, 0)),
            pl.BlockSpec((1, B, H), lambda i: (1, i, 0)),
            pl.BlockSpec((NC, B), lambda i: (0, i)),
            pl.BlockSpec((D, D), lambda i: (0, 0)),
            pl.BlockSpec((H, D), lambda i: (0, 0)),
            pl.BlockSpec((H, D), lambda i: (0, 0)),
            pl.BlockSpec((1, D), lambda i: (0, 0)),
            pl.BlockSpec((D, C), lambda i: (0, 0)),
            pl.BlockSpec((1, C), lambda i: (0, 0)),
        ],
        out_specs=pl.BlockSpec((C, B), lambda i: (0, i)),
        out_shape=jax.ShapeDtypeStruct((C, N), jnp.float32),
    )(x, psums, psums, pcnt, wes, went, wenb, be, wc, bc)


def kernel(x, edge_index, W_env_self, W_env_nbr, b_env, W_act_self,
           W_act_nbr, b_act, W_cls, b_cls):
    xview = x.reshape(2 * N, H)
    eidx = edge_index.reshape(2, NBLK, K).transpose(1, 0, 2)
    psums, pcnt = _sc_segment_sum(xview, eidx)

    be = b_env.reshape(1, D)
    bc = b_cls.reshape(1, C)

    return _dense(x, psums, pcnt, W_env_self,
                  W_env_nbr[:H], W_env_nbr[H:], be, W_cls, bc).T

# --- scband reference (transcript-rebuilt; emitter-appended) ---
"""Pipeline reference for scband-hco-gnn-node-classifier-30434138259863 (READ-ONLY COPY).

The authoritative reference and input builder live on the scoring server;
editing this copy changes nothing except your own understanding.
"""

import jax, jax.numpy as jnp
import numpy as np

N = 10000
E = 320000
D = 128
C = 40
NUM_ITERATIONS = 1


def _segment_mean(msgs, dst, num_nodes):
    s = jax.ops.segment_sum(msgs, dst, num_segments=num_nodes)
    cnt = jax.ops.segment_sum(jnp.ones((msgs.shape[0], 1), msgs.dtype), dst, num_segments=num_nodes)
    return s / jnp.clip(cnt, 1.0, None)


def _gumbel_softmax_hard(logits, key, tau=1.0):
    u = jax.random.uniform(key, logits.shape, dtype=logits.dtype)
    g = -jnp.log(-jnp.log(u + 1e-20) + 1e-20)
    y = jax.nn.softmax((logits + g) / tau, axis=-1)
    idx = jnp.argmax(y, axis=-1)
    y_hard = jax.nn.one_hot(idx, logits.shape[-1], dtype=y.dtype)
    # straight-through estimator
    return y_hard + y - jax.lax.stop_gradient(y)


def setup_inputs(seed: int = 0) -> dict:
    key = jax.random.key(seed)
    ks = jax.random.split(key, 12)
    x = jax.random.normal(ks[0], (N, D), dtype=jnp.float32)
    edge_index = jax.random.randint(ks[1], (2, E), 0, N, dtype=jnp.int32)
    s = 1.0 / np.sqrt(D)
    W_env_self = jax.random.normal(ks[2], (D, D), dtype=jnp.float32) * s
    W_env_nbr = jax.random.normal(ks[3], (D, D), dtype=jnp.float32) * s
    b_env = jnp.zeros((D,), dtype=jnp.float32)
    W_act_self = jax.random.normal(ks[4], (D, 4), dtype=jnp.float32) * s
    W_act_nbr = jax.random.normal(ks[5], (D, 4), dtype=jnp.float32) * s
    b_act = jnp.zeros((4,), dtype=jnp.float32)
    W_cls = jax.random.normal(ks[6], (D, C), dtype=jnp.float32) * s
    b_cls = jnp.zeros((C,), dtype=jnp.float32)
    return {
        "x": x,
        "edge_index": edge_index,
        "W_env_self": W_env_self,
        "W_env_nbr": W_env_nbr,
        "b_env": b_env,
        "W_act_self": W_act_self,
        "W_act_nbr": W_act_nbr,
        "b_act": b_act,
        "W_cls": W_cls,
        "b_cls": b_cls,
    }


def reference(x, edge_index, W_env_self, W_env_nbr, b_env, W_act_self, W_act_nbr, b_act, W_cls, b_cls):
    src = edge_index[0]
    dst = edge_index[1]
    n = x.shape[0]
    # initial action: all nodes take action 0 (listen + broadcast)
    action = jnp.zeros((n, 4), dtype=x.dtype).at[:, 0].set(1.0)
    gkey = jax.random.key(42)
    for i in range(NUM_ITERATIONS):
        # environment network: action-gated mean message passing
        listen = (action[:, 0] + action[:, 1])[:, None]
        broadcast = (action[:, 0] + action[:, 2])[:, None]
        msgs = jnp.take(broadcast * x, src, axis=0) @ W_env_nbr
        agg = _segment_mean(msgs, dst, n)
        x = jax.nn.gelu(x @ W_env_self + listen * agg + b_env)
        # action network: mean-aggregated GNN producing 4 action logits
        msgs_a = jnp.take(x, src, axis=0) @ W_act_nbr
        agg_a = _segment_mean(msgs_a, dst, n)
        p_i = x @ W_act_self + agg_a + b_act
        action = _gumbel_softmax_hard(p_i, jax.random.fold_in(gkey, i))
    out = x @ W_cls + b_cls
    # dropout is identity in eval; module applies GELU then softmax
    out = jax.nn.gelu(out)
    return jax.nn.softmax(out, axis=1)

if __name__ == "__main__":
    import jax
    _d = setup_inputs()
    print(jax.jit(kernel)(*tuple(_d.values())))

</pallas_src>

<mosaic_0001>
#map = affine_map<(d0, d1) -> (0, 0)>
#map1 = affine_map<(d0, d1) -> (0, 0, 0)>
module attributes {stable_mosaic.version = 14 : i64} {
  func.func @_sc_segment_sum_body(%arg0: i32, %arg1: i32, %arg2: memref<20000x64xf32, #tpu.memory_space<hbm>>, %arg3: memref<2500x2x128xi32, #tpu.memory_space<hbm>>, %arg4: memref<2x10240x64xf32, #tpu.memory_space<hbm>>, %arg5: memref<2x10240xf32, #tpu.memory_space<hbm>>, %arg6: memref<157x2x128xi32, #tpu.memory_space<vmem>>, %arg7: memref<128x64xf32, #tpu.memory_space<vmem>>, %arg8: memref<128x64xf32, #tpu.memory_space<vmem>>, %arg9: memref<128x64xf32, #tpu.memory_space<vmem>>, %arg10: memref<128x64xf32, #tpu.memory_space<vmem>>, %arg11: memref<128xf32, #tpu.memory_space<vmem>>, %arg12: memref<128x64xf32, #tpu.memory_space<vmem>>, %arg13: memref<640xf32, #tpu.memory_space<vmem>>, %arg14: memref<10240x64xf32, #tpu.memory_space<vmem_shared>>, %arg15: memref<10240xf32, #tpu.memory_space<vmem_shared>>, %arg16: memref<!tpu.dma_semaphore, #tpu.memory_space<semaphore_mem>>, %arg17: memref<!tpu.dma_semaphore, #tpu.memory_space<semaphore_mem>>, %arg18: memref<!tpu.dma_semaphore, #tpu.memory_space<semaphore_mem>>, %arg19: memref<!tpu.dma_semaphore, #tpu.memory_space<semaphore_mem>>, %arg20: memref<!tpu.dma_semaphore, #tpu.memory_space<semaphore_mem>>, %arg21: memref<!tpu.dma_semaphore, #tpu.memory_space<semaphore_mem>>, %arg22: memref<!tpu.dma_semaphore, #tpu.memory_space<semaphore_mem>>, %arg23: memref<!tpu.dma_semaphore, #tpu.memory_space<semaphore_mem>>, %arg24: memref<!tpu.dma_semaphore, #tpu.memory_space<semaphore_mem>>, %arg25: memref<!tpu.dma_semaphore, #tpu.memory_space<semaphore_mem>>, %arg26: memref<!tpu.dma_semaphore, #tpu.memory_space<semaphore_mem>>, %arg27: memref<!tpu.dma_semaphore, #tpu.memory_space<semaphore_mem>>) attributes {dimension_semantics = [#tpu.dimension_semantics<core_parallel>, #tpu.dimension_semantics<subcore_parallel>], iteration_bounds = array<i64: 2, 16>, scalar_prefetch = 0 : i64, scratch_operands = 22 : i64, tpu.core_type = #tpu.core_type<sc_vector_subcore>, window_params = [{transform_indices = #map}, {transform_indices = #map1}, {transform_indices = #map1}, {transform_indices = #map}]} {
    %scan3A = arith.constant 0 : i32
    %scan3A_0 = arith.constant 0 : i32
    %scan3A_1 = arith.constant 128 : i32
    %scan3A_2 = arith.addi %scan3A_0, %scan3A_1 : i32
    %scan3A_3 = arith.constant 1 : i32
    %scan3A_4 = scf.for %scan3A_699 = %scan3A_0 to %scan3A_2 step %scan3A_3 iter_args(%scan3A_700 = %scan3A) -> (i32)  : i32 {
      %broadcast_in_dim3A_701 = arith.constant 0.000000e+00 : f32
      %broadcast_in_dim3A_702 = vector.broadcast %broadcast_in_dim3A_701 : f32 to vector<16xf32>
      %swap3A_703 = arith.index_cast %scan3A_699 : i32 to index
      %swap3A_704 = arith.constant 0 : index
      %swap3A_705 = tpu.vector_load %arg12[%swap3A_703, %swap3A_704] {strides = array<i32>} : memref<128x64xf32, #tpu.memory_space<vmem>>, vector<1x16xf32>,
      %swap3A_706 = vector.shape_cast %swap3A_705 : vector<1x16xf32> to vector<16xf32>
      %swap3A_707 = vector.shape_cast %broadcast_in_dim3A_702 : vector<16xf32> to vector<1x16xf32>
      tpu.vector_store %arg12[%swap3A_703, %swap3A_704], %swap3A_707 {strides = array<i32>} : memref<128x64xf32, #tpu.memory_space<vmem>>, vector<1x16xf32>,
      %broadcast_in_dim3A_708 = arith.constant 0.000000e+00 : f32
      %broadcast_in_dim3A_709 = vector.broadcast %broadcast_in_dim3A_708 : f32 to vector<16xf32>
      %swap3A_710 = arith.index_cast %scan3A_699 : i32 to index
      %swap3A_711 = arith.constant 16 : index
      %swap3A_712 = tpu.vector_load %arg12[%swap3A_710, %swap3A_711] {strides = array<i32>} : memref<128x64xf32, #tpu.memory_space<vmem>>, vector<1x16xf32>,
      %swap3A_713 = vector.shape_cast %swap3A_712 : vector<1x16xf32> to vector<16xf32>
      %swap3A_714 = vector.shape_cast %broadcast_in_dim3A_709 : vector<16xf32> to vector<1x16xf32>
      tpu.vector_store %arg12[%swap3A_710, %swap3A_711], %swap3A_714 {strides = array<i32>} : memref<128x64xf32, #tpu.memory_space<vmem>>, vector<1x16xf32>,
      %broadcast_in_dim3A_715 = arith.constant 0.000000e+00 : f32
      %broadcast_in_dim3A_716 = vector.broadcast %broadcast_in_dim3A_715 : f32 to vector<16xf32>
      %swap3A_717 = arith.index_cast %scan3A_699 : i32 to index
      %swap3A_718 = arith.constant 32 : index
      %swap3A_719 = tpu.vector_load %arg12[%swap3A_717, %swap3A_718] {strides = array<i32>} : memref<128x64xf32, #tpu.memory_space<vmem>>, vector<1x16xf32>,
      %swap3A_720 = vector.shape_cast %swap3A_719 : vector<1x16xf32> to vector<16xf32>
      %swap3A_721 = vector.shape_cast %broadcast_in_dim3A_716 : vector<16xf32> to vector<1x16xf32>
      tpu.vector_store %arg12[%swap3A_717, %swap3A_718], %swap3A_721 {strides = array<i32>} : memref<128x64xf32, #tpu.memory_space<vmem>>, vector<1x16xf32>,
      %broadcast_in_dim3A_722 = arith.constant 0.000000e+00 : f32
      %broadcast_in_dim3A_723 = vector.broadcast %broadcast_in_dim3A_722 : f32 to vector<16xf32>
      %swap3A_724 = arith.index_cast %scan3A_699 : i32 to index
      %swap3A_725 = arith.constant 48 : index
      %swap3A_726 = tpu.vector_load %arg12[%swap3A_724, %swap3A_725] {strides = array<i32>} : memref<128x64xf32, #tpu.memory_space<vmem>>, vector<1x16xf32>,
      %swap3A_727 = vector.shape_cast %swap3A_726 : vector<1x16xf32> to vector<16xf32>
      %swap3A_728 = vector.shape_cast %broadcast_in_dim3A_723 : vector<16xf32> to vector<1x16xf32>
      tpu.vector_store %arg12[%swap3A_724, %swap3A_725], %swap3A_728 {strides = array<i32>} : memref<128x64xf32, #tpu.memory_space<vmem>>, vector<1x16xf32>,
      %scan3A_729 = arith.constant 0 : i32
      scf.yield %scan3A_729 : i32
    }
    %scan3A_5 = arith.constant 128 : i32
    %scan3A_6 = arith.constant 0 : i32
    %scan3A_7 = arith.constant 0 : i32
    %scan3A_8 = arith.constant 40 : i32
    %scan3A_9 = arith.addi %scan3A_7, %scan3A_8 : i32
    %scan3A_10 = arith.constant 1 : i32
    %scan3A_11 = scf.for %scan3A_699 = %scan3A_7 to %scan3A_9 step %scan3A_10 iter_args(%scan3A_700 = %scan3A_6) -> (i32)  : i32 {
      %broadcast_in_dim3A_701 = arith.constant 0.000000e+00 : f32
      %broadcast_in_dim3A_702 = vector.broadcast %broadcast_in_dim3A_701 : f32 to vector<16xf32>
      %mul3A_703 = arith.constant 16 : i32
      %mul3A_704 = arith.muli %scan3A_699, %mul3A_703 : i32
      %multiple_of3A = tpu.assume_multiple %mul3A_704, 16 : i32
      %swap3A_705 = arith.index_cast %multiple_of3A : i32 to index
      %swap3A_706 = tpu.vector_load %arg13[%swap3A_705] {strides = array<i32>} : memref<640xf32, #tpu.memory_space<vmem>>, vector<16xf32>,
      %swap3A_707 = vector.shape_cast %swap3A_706 : vector<16xf32> to vector<16xf32>
      %swap3A_708 = vector.shape_cast %broadcast_in_dim3A_702 : vector<16xf32> to vector<16xf32>
      tpu.vector_store %arg13[%swap3A_705], %swap3A_708 {strides = array<i32>} : memref<640xf32, #tpu.memory_space<vmem>>, vector<16xf32>,
      %scan3A_709 = arith.constant 0 : i32
      scf.yield %scan3A_709 : i32
    }
    %scan3A_12 = arith.constant 40 : i32
    %broadcast_in_dim3A = arith.constant 1.000000e+00 : f32
    %broadcast_in_dim3A_13 = vector.broadcast %broadcast_in_dim3A : f32 to vector<16xf32>
    %swap3A = arith.constant 0 : index
    %swap3A_14 = tpu.vector_load %arg11[%swap3A] {strides = array<i32>} : memref<128xf32, #tpu.memory_space<vmem>>, vector<16xf32>,
    %swap3A_15 = vector.shape_cast %swap3A_14 : vector<16xf32> to vector<16xf32>
    %swap3A_16 = vector.shape_cast %broadcast_in_dim3A_13 : vector<16xf32> to vector<16xf32>
    tpu.vector_store %arg11[%swap3A], %swap3A_16 {strides = array<i32>} : memref<128xf32, #tpu.memory_space<vmem>>, vector<16xf32>,
    %broadcast_in_dim3A_17 = arith.constant 1.000000e+00 : f32
    %broadcast_in_dim3A_18 = vector.broadcast %broadcast_in_dim3A_17 : f32 to vector<16xf32>
    %swap3A_19 = arith.constant 16 : index
    %swap3A_20 = tpu.vector_load %arg11[%swap3A_19] {strides = array<i32>} : memref<128xf32, #tpu.memory_space<vmem>>, vector<16xf32>,
    %swap3A_21 = vector.shape_cast %swap3A_20 : vector<16xf32> to vector<16xf32>
    %swap3A_22 = vector.shape_cast %broadcast_in_dim3A_18 : vector<16xf32> to vector<16xf32>
    tpu.vector_store %arg11[%swap3A_19], %swap3A_22 {strides = array<i32>} : memref<128xf32, #tpu.memory_space<vmem>>, vector<16xf32>,
    %broadcast_in_dim3A_23 = arith.constant 1.000000e+00 : f32
    %broadcast_in_dim3A_24 = vector.broadcast %broadcast_in_dim3A_23 : f32 to vector<16xf32>
    %swap3A_25 = arith.constant 32 : index
    %swap3A_26 = tpu.vector_load %arg11[%swap3A_25] {strides = array<i32>} : memref<128xf32, #tpu.memory_space<vmem>>, vector<16xf32>,
    %swap3A_27 = vector.shape_cast %swap3A_26 : vector<16xf32> to vector<16xf32>
    %swap3A_28 = vector.shape_cast %broadcast_in_dim3A_24 : vector<16xf32> to vector<16xf32>
    tpu.vector_store %arg11[%swap3A_25], %swap3A_28 {strides = array<i32>} : memref<128xf32, #tpu.memory_space<vmem>>, vector<16xf32>,
    %broadcast_in_dim3A_29 = arith.constant 1.000000e+00 : f32
    %broadcast_in_dim3A_30 = vector.broadcast %broadcast_in_dim3A_29 : f32 to vector<16xf32>
    %swap3A_31 = arith.constant 48 : index
    %swap3A_32 = tpu.vector_load %arg11[%swap3A_31] {strides = array<i32>} : memref<128xf32, #tpu.memory_space<vmem>>, vector<16xf32>,
    %swap3A_33 = vector.shape_cast %swap3A_32 : vector<16xf32> to vector<16xf32>
    %swap3A_34 = vector.shape_cast %broadcast_in_dim3A_30 : vector<16xf32> to vector<16xf32>
    tpu.vector_store %arg11[%swap3A_31], %swap3A_34 {strides = array<i32>} : memref<128xf32, #tpu.memory_space<vmem>>, vector<16xf32>,
    %broadcast_in_dim3A_35 = arith.constant 1.000000e+00 : f32
    %broadcast_in_dim3A_36 = vector.broadcast %broadcast_in_dim3A_35 : f32 to vector<16xf32>
    %swap3A_37 = arith.constant 64 : index
    %swap3A_38 = tpu.vector_load %arg11[%swap3A_37] {strides = array<i32>} : memref<128xf32, #tpu.memory_space<vmem>>, vector<16xf32>,
    %swap3A_39 = vector.shape_cast %swap3A_38 : vector<16xf32> to vector<16xf32>
    %swap3A_40 = vector.shape_cast %broadcast_in_dim3A_36 : vector<16xf32> to vector<16xf32>
    tpu.vector_store %arg11[%swap3A_37], %swap3A_40 {strides = array<i32>} : memref<128xf32, #tpu.memory_space<vmem>>, vector<16xf32>,
    %broadcast_in_dim3A_41 = arith.constant 1.000000e+00 : f32
    %broadcast_in_dim3A_42 = vector.broadcast %broadcast_in_dim3A_41 : f32 to vector<16xf32>
    %swap3A_43 = arith.constant 80 : index
    %swap3A_44 = tpu.vector_load %arg11[%swap3A_43] {strides = array<i32>} : memref<128xf32, #tpu.memory_space<vmem>>, vector<16xf32>,
    %swap3A_45 = vector.shape_cast %swap3A_44 : vector<16xf32> to vector<16xf32>
    %swap3A_46 = vector.shape_cast %broadcast_in_dim3A_42 : vector<16xf32> to vector<16xf32>
    tpu.vector_store %arg11[%swap3A_43], %swap3A_46 {strides = array<i32>} : memref<128xf32, #tpu.memory_space<vmem>>, vector<16xf32>,
    %broadcast_in_dim3A_47 = arith.constant 1.000000e+00 : f32
    %broadcast_in_dim3A_48 = vector.broadcast %broadcast_in_dim3A_47 : f32 to vector<16xf32>
    %swap3A_49 = arith.constant 96 : index
    %swap3A_50 = tpu.vector_load %arg11[%swap3A_49] {strides = array<i32>} : memref<128xf32, #tpu.memory_space<vmem>>, vector<16xf32>,
    %swap3A_51 = vector.shape_cast %swap3A_50 : vector<16xf32> to vector<16xf32>
    %swap3A_52 = vector.shape_cast %broadcast_in_dim3A_48 : vector<16xf32> to vector<16xf32>
    tpu.vector_store %arg11[%swap3A_49], %swap3A_52 {strides = array<i32>} : memref<128xf32, #tpu.memory_space<vmem>>, vector<16xf32>,
    %broadcast_in_dim3A_53 = arith.constant 1.000000e+00 : f32
    %broadcast_in_dim3A_54 = vector.broadcast %broadcast_in_dim3A_53 : f32 to vector<16xf32>
    %swap3A_55 = arith.constant 112 : index
    %swap3A_56 = tpu.vector_load %arg11[%swap3A_55] {strides = array<i32>} : memref<128xf32, #tpu.memory_space<vmem>>, vector<16xf32>,
    %swap3A_57 = vector.shape_cast %swap3A_56 : vector<16xf32> to vector<16xf32>
    %swap3A_58 = vector.shape_cast %broadcast_in_dim3A_54 : vector<16xf32> to vector<16xf32>
    tpu.vector_store %arg11[%swap3A_55], %swap3A_58 {strides = array<i32>} : memref<128xf32, #tpu.memory_space<vmem>>, vector<16xf32>,
    %mul3A = arith.constant 640 : i32
    %mul3A_59 = arith.muli %arg1, %mul3A : i32
    %add3A = arith.constant 0 : i32
    %add3A_60 = arith.addi %mul3A_59, %add3A : i32
    "tpu.region"() ({
      %run_scoped3A = tpu.sem_alloc : memref<!tpu.dma_semaphore, #tpu.memory_space<semaphore_mem>>
      %dma_start3A_699 = arith.constant 0 : i32
      %dma_start3A_700 = tpu.memref_slice %arg14[%add3A_60, %dma_start3A_699] : memref<10240x64xf32, #tpu.memory_space<vmem_shared>> -> memref<128x64xf32, #tpu.memory_space<vmem_shared>>
      %dma_start3A_701 = arith.constant 0 : i32
      %dma_start3A_702 = tpu.memref_slice %arg14[%add3A_60, %dma_start3A_701] : memref<10240x64xf32, #tpu.memory_space<vmem_shared>> -> memref<128x64xf32, #tpu.memory_space<vmem_shared>>
      tpu.enqueue_dma source(%arg12 : memref<128x64xf32, #tpu.memory_space<vmem>>) target(%dma_start3A_702 : memref<128x64xf32, #tpu.memory_space<vmem_shared>>) target_semaphore(%run_scoped3A : memref<!tpu.dma_semaphore, #tpu.memory_space<semaphore_mem>>)
      %dma_wait3A = arith.constant 0 : i32
      %dma_wait3A_703 = tpu.memref_slice %arg14[%add3A_60, %dma_wait3A] : memref<10240x64xf32, #tpu.memory_space<vmem_shared>> -> memref<128x64xf32, #tpu.memory_space<vmem_shared>>
      %dma_wait3A_704 = arith.constant 0 : i32
      %dma_wait3A_705 = tpu.memref_slice %arg14[%add3A_60, %dma_wait3A_704] : memref<10240x64xf32, #tpu.memory_space<vmem_shared>> -> memref<128x64xf32, #tpu.memory_space<vmem_shared>>
      tpu.wait_dma2 semaphore(%run_scoped3A : memref<!tpu.dma_semaphore, #tpu.memory_space<semaphore_mem>>) src(%arg12 : memref<128x64xf32, #tpu.memory_space<vmem>>) dst(%dma_wait3A_705 : memref<128x64xf32, #tpu.memory_space<vmem_shared>>)
      tpu.yield
    }) : () -> ()
    %mul3A_61 = arith.constant 640 : i32
    %mul3A_62 = arith.muli %arg1, %mul3A_61 : i32
    %add3A_63 = arith.constant 128 : i32
    %add3A_64 = arith.addi %mul3A_62, %add3A_63 : i32
    "tpu.region"() ({
      %run_scoped3A = tpu.sem_alloc : memref<!tpu.dma_semaphore, #tpu.memory_space<semaphore_mem>>
      %dma_start3A_699 = arith.constant 0 : i32
      %dma_start3A_700 = tpu.memref_slice %arg14[%add3A_64, %dma_start3A_699] : memref<10240x64xf32, #tpu.memory_space<vmem_shared>> -> memref<128x64xf32, #tpu.memory_space<vmem_shared>>
      %dma_start3A_701 = arith.constant 0 : i32
      %dma_start3A_702 = tpu.memref_slice %arg14[%add3A_64, %dma_start3A_701] : memref<10240x64xf32, #tpu.memory_space<vmem_shared>> -> memref<128x64xf32, #tpu.memory_space<vmem_shared>>
      tpu.enqueue_dma source(%arg12 : memref<128x64xf32, #tpu.memory_space<vmem>>) target(%dma_start3A_702 : memref<128x64xf32, #tpu.memory_space<vmem_shared>>) target_semaphore(%run_scoped3A : memref<!tpu.dma_semaphore, #tpu.memory_space<semaphore_mem>>)
      %dma_wait3A = arith.constant 0 : i32
      %dma_wait3A_703 = tpu.memref_slice %arg14[%add3A_64, %dma_wait3A] : memref<10240x64xf32, #tpu.memory_space<vmem_shared>> -> memref<128x64xf32, #tpu.memory_space<vmem_shared>>
      %dma_wait3A_704 = arith.constant 0 : i32
      %dma_wait3A_705 = tpu.memref_slice %arg14[%add3A_64, %dma_wait3A_704] : memref<10240x64xf32, #tpu.memory_space<vmem_shared>> -> memref<128x64xf32, #tpu.memory_space<vmem_shared>>
      tpu.wait_dma2 semaphore(%run_scoped3A : memref<!tpu.dma_semaphore, #tpu.memory_space<semaphore_mem>>) src(%arg12 : memref<128x64xf32, #tpu.memory_space<vmem>>) dst(%dma_wait3A_705 : memref<128x64xf32, #tpu.memory_space<vmem_shared>>)
      tpu.yield
    }) : () -> ()
    %mul3A_65 = arith.constant 640 : i32
    %mul3A_66 = arith.muli %arg1, %mul3A_65 : i32
    %add3A_67 = arith.constant 256 : i32
    %add3A_68 = arith.addi %mul3A_66, %add3A_67 : i32
    "tpu.region"() ({
      %run_scoped3A = tpu.sem_alloc : memref<!tpu.dma_semaphore, #tpu.memory_space<semaphore_mem>>
      %dma_start3A_699 = arith.constant 0 : i32
      %dma_start3A_700 = tpu.memref_slice %arg14[%add3A_68, %dma_start3A_699] : memref<10240x64xf32, #tpu.memory_space<vmem_shared>> -> memref<128x64xf32, #tpu.memory_space<vmem_shared>>
      %dma_start3A_701 = arith.constant 0 : i32
      %dma_start3A_702 = tpu.memref_slice %arg14[%add3A_68, %dma_start3A_701] : memref<10240x64xf32, #tpu.memory_space<vmem_shared>> -> memref<128x64xf32, #tpu.memory_space<vmem_shared>>
      tpu.enqueue_dma source(%arg12 : memref<128x64xf32, #tpu.memory_space<vmem>>) target(%dma_start3A_702 : memref<128x64xf32, #tpu.memory_space<vmem_shared>>) target_semaphore(%run_scoped3A : memref<!tpu.dma_semaphore, #tpu.memory_space<semaphore_mem>>)
      %dma_wait3A = arith.constant 0 : i32
      %dma_wait3A_703 = tpu.memref_slice %arg14[%add3A_68, %dma_wait3A] : memref<10240x64xf32, #tpu.memory_space<vmem_shared>> -> memref<128x64xf32, #tpu.memory_space<vmem_shared>>
      %dma_wait3A_704 = arith.constant 0 : i32
      %dma_wait3A_705 = tpu.memref_slice %arg14[%add3A_68, %dma_wait3A_704] : memref<10240x64xf32, #tpu.memory_space<vmem_shared>> -> memref<128x64xf32, #tpu.memory_space<vmem_shared>>
      tpu.wait_dma2 semaphore(%run_scoped3A : memref<!tpu.dma_semaphore, #tpu.memory_space<semaphore_mem>>) src(%arg12 : memref<128x64xf32, #tpu.memory_space<vmem>>) dst(%dma_wait3A_705 : memref<128x64xf32, #tpu.memory_space<vmem_shared>>)
      tpu.yield
    }) : () -> ()
    %mul3A_69 = arith.constant 640 : i32
    %mul3A_70 = arith.muli %arg1, %mul3A_69 : i32
    %add3A_71 = arith.constant 384 : i32
    %add3A_72 = arith.addi %mul3A_70, %add3A_71 : i32
    "tpu.region"() ({
      %run_scoped3A = tpu.sem_alloc : memref<!tpu.dma_semaphore, #tpu.memory_space<semaphore_mem>>
      %dma_start3A_699 = arith.constant 0 : i32
      %dma_start3A_700 = tpu.memref_slice %arg14[%add3A_72, %dma_start3A_699] : memref<10240x64xf32, #tpu.memory_space<vmem_shared>> -> memref<128x64xf32, #tpu.memory_space<vmem_shared>>
      %dma_start3A_701 = arith.constant 0 : i32
      %dma_start3A_702 = tpu.memref_slice %arg14[%add3A_72, %dma_start3A_701] : memref<10240x64xf32, #tpu.memory_space<vmem_shared>> -> memref<128x64xf32, #tpu.memory_space<vmem_shared>>
      tpu.enqueue_dma source(%arg12 : memref<128x64xf32, #tpu.memory_space<vmem>>) target(%dma_start3A_702 : memref<128x64xf32, #tpu.memory_space<vmem_shared>>) target_semaphore(%run_scoped3A : memref<!tpu.dma_semaphore, #tpu.memory_space<semaphore_mem>>)
      %dma_wait3A = arith.constant 0 : i32
      %dma_wait3A_703 = tpu.memref_slice %arg14[%add3A_72, %dma_wait3A] : memref<10240x64xf32, #tpu.memory_space<vmem_shared>> -> memref<128x64xf32, #tpu.memory_space<vmem_shared>>
      %dma_wait3A_704 = arith.constant 0 : i32
      %dma_wait3A_705 = tpu.memref_slice %arg14[%add3A_72, %dma_wait3A_704] : memref<10240x64xf32, #tpu.memory_space<vmem_shared>> -> memref<128x64xf32, #tpu.memory_space<vmem_shared>>
      tpu.wait_dma2 semaphore(%run_scoped3A : memref<!tpu.dma_semaphore, #tpu.memory_space<semaphore_mem>>) src(%arg12 : memref<128x64xf32, #tpu.memory_space<vmem>>) dst(%dma_wait3A_705 : memref<128x64xf32, #tpu.memory_space<vmem_shared>>)
      tpu.yield
    }) : () -> ()
    %mul3A_73 = arith.constant 640 : i32
    %mul3A_74 = arith.muli %arg1, %mul3A_73 : i32
    %add3A_75 = arith.constant 512 : i32
    %add3A_76 = arith.addi %mul3A_74, %add3A_75 : i32
    "tpu.region"() ({
      %run_scoped3A = tpu.sem_alloc : memref<!tpu.dma_semaphore, #tpu.memory_space<semaphore_mem>>
      %dma_start3A_699 = arith.constant 0 : i32
      %dma_start3A_700 = tpu.memref_slice %arg14[%add3A_76, %dma_start3A_699] : memref<10240x64xf32, #tpu.memory_space<vmem_shared>> -> memref<128x64xf32, #tpu.memory_space<vmem_shared>>
      %dma_start3A_701 = arith.constant 0 : i32
      %dma_start3A_702 = tpu.memref_slice %arg14[%add3A_76, %dma_start3A_701] : memref<10240x64xf32, #tpu.memory_space<vmem_shared>> -> memref<128x64xf32, #tpu.memory_space<vmem_shared>>
      tpu.enqueue_dma source(%arg12 : memref<128x64xf32, #tpu.memory_space<vmem>>) target(%dma_start3A_702 : memref<128x64xf32, #tpu.memory_space<vmem_shared>>) target_semaphore(%run_scoped3A : memref<!tpu.dma_semaphore, #tpu.memory_space<semaphore_mem>>)
      %dma_wait3A = arith.constant 0 : i32
      %dma_wait3A_703 = tpu.memref_slice %arg14[%add3A_76, %dma_wait3A] : memref<10240x64xf32, #tpu.memory_space<vmem_shared>> -> memref<128x64xf32, #tpu.memory_space<vmem_shared>>
      %dma_wait3A_704 = arith.constant 0 : i32
      %dma_wait3A_705 = tpu.memref_slice %arg14[%add3A_76, %dma_wait3A_704] : memref<10240x64xf32, #tpu.memory_space<vmem_shared>> -> memref<128x64xf32, #tpu.memory_space<vmem_shared>>
      tpu.wait_dma2 semaphore(%run_scoped3A : memref<!tpu.dma_semaphore, #tpu.memory_space<semaphore_mem>>) src(%arg12 : memref<128x64xf32, #tpu.memory_space<vmem>>) dst(%dma_wait3A_705 : memref<128x64xf32, #tpu.memory_space<vmem_shared>>)
      tpu.yield
    }) : () -> ()
    %mul3A_77 = arith.constant 640 : i32
    %mul3A_78 = arith.muli %arg1, %mul3A_77 : i32
    "tpu.region"() ({
      %run_scoped3A = tpu.sem_alloc : memref<!tpu.dma_semaphore, #tpu.memory_space<semaphore_mem>>
      %dma_start3A_699 = tpu.memref_slice %arg15[%mul3A_78] : memref<10240xf32, #tpu.memory_space<vmem_shared>> -> memref<640xf32, #tpu.memory_space<vmem_shared>>
      %dma_start3A_700 = tpu.memref_slice %arg15[%mul3A_78] : memref<10240xf32, #tpu.memory_space<vmem_shared>> -> memref<640xf32, #tpu.memory_space<vmem_shared>>
      tpu.enqueue_dma source(%arg13 : memref<640xf32, #tpu.memory_space<vmem>>) target(%dma_start3A_700 : memref<640xf32, #tpu.memory_space<vmem_shared>>) target_semaphore(%run_scoped3A : memref<!tpu.dma_semaphore, #tpu.memory_space<semaphore_mem>>)
      %dma_wait3A = tpu.memref_slice %arg15[%mul3A_78] : memref<10240xf32, #tpu.memory_space<vmem_shared>> -> memref<640xf32, #tpu.memory_space<vmem_shared>>
      %dma_wait3A_701 = tpu.memref_slice %arg15[%mul3A_78] : memref<10240xf32, #tpu.memory_space<vmem_shared>> -> memref<640xf32, #tpu.memory_space<vmem_shared>>
      tpu.wait_dma2 semaphore(%run_scoped3A : memref<!tpu.dma_semaphore, #tpu.memory_space<semaphore_mem>>) src(%arg13 : memref<640xf32, #tpu.memory_space<vmem>>) dst(%dma_wait3A_701 : memref<640xf32, #tpu.memory_space<vmem_shared>>)
      tpu.yield
    }) : () -> ()
    %mul3A_79 = arith.constant 156 : i32
    %mul3A_80 = arith.muli %arg1, %mul3A_79 : i32
    "tpu.region"() ({
      %run_scoped3A = tpu.sem_alloc : memref<!tpu.dma_semaphore, #tpu.memory_space<semaphore_mem>>
      %dma_start3A_699 = arith.constant 0 : i32
      %dma_start3A_700 = arith.constant 0 : i32
      %dma_start3A_701 = arith.constant 0 : i32
      %dma_start3A_702 = tpu.memref_slice %arg6[%dma_start3A_699, %dma_start3A_700, %dma_start3A_701] : memref<157x2x128xi32, #tpu.memory_space<vmem>> -> memref<156x2x128xi32, #tpu.memory_space<vmem>>
      %dma_start3A_703 = arith.constant 0 : i32
      %dma_start3A_704 = arith.constant 0 : i32
      %dma_start3A_705 = tpu.memref_slice %arg3[%mul3A_80, %dma_start3A_703, %dma_start3A_704] : memref<2500x2x128xi32, #tpu.memory_space<hbm>> -> memref<156x2x128xi32, #tpu.memory_space<hbm>>
      %dma_start3A_706 = arith.constant 0 : i32
      %dma_start3A_707 = arith.constant 0 : i32
      %dma_start3A_708 = arith.constant 0 : i32
      %dma_start3A_709 = tpu.memref_slice %arg6[%dma_start3A_706, %dma_start3A_707, %dma_start3A_708] : memref<157x2x128xi32, #tpu.memory_space<vmem>> -> memref<156x2x128xi32, #tpu.memory_space<vmem>>
      %dma_start3A_710 = arith.constant 0 : i32
      %dma_start3A_711 = arith.constant 0 : i32
      %dma_start3A_712 = tpu.memref_slice %arg3[%mul3A_80, %dma_start3A_710, %dma_start3A_711] : memref<2500x2x128xi32, #tpu.memory_space<hbm>> -> memref<156x2x128xi32, #tpu.memory_space<hbm>>
      tpu.enqueue_dma source(%dma_start3A_712 : memref<156x2x128xi32, #tpu.memory_space<hbm>>) target(%dma_start3A_709 : memref<156x2x128xi32, #tpu.memory_space<vmem>>) target_semaphore(%run_scoped3A : memref<!tpu.dma_semaphore, #tpu.memory_space<semaphore_mem>>)
      %dma_wait3A = arith.constant 0 : i32
      %dma_wait3A_713 = arith.constant 0 : i32
      %dma_wait3A_714 = arith.constant 0 : i32
      %dma_wait3A_715 = tpu.memref_slice %arg6[%dma_wait3A, %dma_wait3A_713, %dma_wait3A_714] : memref<157x2x128xi32, #tpu.memory_space<vmem>> -> memref<156x2x128xi32, #tpu.memory_space<vmem>>
      %dma_wait3A_716 = arith.constant 0 : i32
      %dma_wait3A_717 = arith.constant 0 : i32
      %dma_wait3A_718 = tpu.memref_slice %arg3[%mul3A_80, %dma_wait3A_716, %dma_wait3A_717] : memref<2500x2x128xi32, #tpu.memory_space<hbm>> -> memref<156x2x128xi32, #tpu.memory_space<hbm>>
      %dma_wait3A_719 = arith.constant 0 : i32
      %dma_wait3A_720 = arith.constant 0 : i32
      %dma_wait3A_721 = arith.constant 0 : i32
      %dma_wait3A_722 = tpu.memref_slice %arg6[%dma_wait3A_719, %dma_wait3A_720, %dma_wait3A_721] : memref<157x2x128xi32, #tpu.memory_space<vmem>> -> memref<156x2x128xi32, #tpu.memory_space<vmem>>
      %dma_wait3A_723 = arith.constant 0 : i32
      %dma_wait3A_724 = arith.constant 0 : i32
      %dma_wait3A_725 = tpu.memref_slice %arg3[%mul3A_80, %dma_wait3A_723, %dma_wait3A_724] : memref<2500x2x128xi32, #tpu.memory_space<hbm>> -> memref<156x2x128xi32, #tpu.memory_space<hbm>>
      tpu.wait_dma2 semaphore(%run_scoped3A : memref<!tpu.dma_semaphore, #tpu.memory_space<semaphore_mem>>) src(%dma_wait3A_725 : memref<156x2x128xi32, #tpu.memory_space<hbm>>) dst(%dma_wait3A_722 : memref<156x2x128xi32, #tpu.memory_space<vmem>>)
      tpu.yield
    }) : () -> ()
    %lt3A = arith.constant 4 : i32
    %lt3A_81 = arith.cmpi slt, %arg1, %lt3A : i32
    %convert_element_type3A = arith.extui %lt3A_81 : i1 to i32
    %cond3A = arith.constant 0 : i32
    %cond3A_82 = arith.cmpi ne, %convert_element_type3A, %cond3A : i32
    scf.if %cond3A_82 {
      %add3A_699 = arith.constant 2496 : i32
      %add3A_700 = arith.addi %add3A_699, %arg1 : i32
      "tpu.region"() ({
        %run_scoped3A = tpu.sem_alloc : memref<!tpu.dma_semaphore, #tpu.memory_space<semaphore_mem>>
        %dma_start3A_701 = arith.constant 156 : i32
        %dma_start3A_702 = arith.constant 0 : i32
        %dma_start3A_703 = arith.constant 0 : i32
        %dma_start3A_704 = tpu.memref_slice %arg6[%dma_start3A_701, %dma_start3A_702, %dma_start3A_703] : memref<157x2x128xi32, #tpu.memory_space<vmem>> -> memref<1x2x128xi32, #tpu.memory_space<vmem>>
        %dma_start3A_705 = arith.constant 0 : i32
        %dma_start3A_706 = arith.constant 0 : i32
        %dma_start3A_707 = tpu.memref_slice %arg3[%add3A_700, %dma_start3A_705, %dma_start3A_706] : memref<2500x2x128xi32, #tpu.memory_space<hbm>> -> memref<1x2x128xi32, #tpu.memory_space<hbm>>
        %dma_start3A_708 = arith.constant 156 : i32
        %dma_start3A_709 = arith.constant 0 : i32
        %dma_start3A_710 = arith.constant 0 : i32
        %dma_start3A_711 = tpu.memref_slice %arg6[%dma_start3A_708, %dma_start3A_709, %dma_start3A_710] : memref<157x2x128xi32, #tpu.memory_space<vmem>> -> memref<1x2x128xi32, #tpu.memory_space<vmem>>
        %dma_start3A_712 = arith.constant 0 : i32
        %dma_start3A_713 = arith.constant 0 : i32
        %dma_start3A_714 = tpu.memref_slice %arg3[%add3A_700, %dma_start3A_712, %dma_start3A_713] : memref<2500x2x128xi32, #tpu.memory_space<hbm>> -> memref<1x2x128xi32, #tpu.memory_space<hbm>>
        tpu.enqueue_dma source(%dma_start3A_714 : memref<1x2x128xi32, #tpu.memory_space<hbm>>) target(%dma_start3A_711 : memref<1x2x128xi32, #tpu.memory_space<vmem>>) target_semaphore(%run_scoped3A : memref<!tpu.dma_semaphore, #tpu.memory_space<semaphore_mem>>)
        %dma_wait3A = arith.constant 156 : i32
        %dma_wait3A_715 = arith.constant 0 : i32
        %dma_wait3A_716 = arith.constant 0 : i32
        %dma_wait3A_717 = tpu.memref_slice %arg6[%dma_wait3A, %dma_wait3A_715, %dma_wait3A_716] : memref<157x2x128xi32, #tpu.memory_space<vmem>> -> memref<1x2x128xi32, #tpu.memory_space<vmem>>
        %dma_wait3A_718 = arith.constant 0 : i32
        %dma_wait3A_719 = arith.constant 0 : i32
        %dma_wait3A_720 = tpu.memref_slice %arg3[%add3A_700, %dma_wait3A_718, %dma_wait3A_719] : memref<2500x2x128xi32, #tpu.memory_space<hbm>> -> memref<1x2x128xi32, #tpu.memory_space<hbm>>
        %dma_wait3A_721 = arith.constant 156 : i32
        %dma_wait3A_722 = arith.constant 0 : i32
        %dma_wait3A_723 = arith.constant 0 : i32
        %dma_wait3A_724 = tpu.memref_slice %arg6[%dma_wait3A_721, %dma_wait3A_722, %dma_wait3A_723] : memref<157x2x128xi32, #tpu.memory_space<vmem>> -> memref<1x2x128xi32, #tpu.memory_space<vmem>>
        %dma_wait3A_725 = arith.constant 0 : i32
        %dma_wait3A_726 = arith.constant 0 : i32
        %dma_wait3A_727 = tpu.memref_slice %arg3[%add3A_700, %dma_wait3A_725, %dma_wait3A_726] : memref<2500x2x128xi32, #tpu.memory_space<hbm>> -> memref<1x2x128xi32, #tpu.memory_space<hbm>>
        tpu.wait_dma2 semaphore(%run_scoped3A : memref<!tpu.dma_semaphore, #tpu.memory_space<semaphore_mem>>) src(%dma_wait3A_727 : memref<1x2x128xi32, #tpu.memory_space<hbm>>) dst(%dma_wait3A_724 : memref<1x2x128xi32, #tpu.memory_space<vmem>>)
        tpu.yield
      }) : () -> ()
    } else {
    }
    %barrier3A = arith.constant 0 : index
    tpu.barrier barrier_id(%barrier3A)
    %broadcast_in_dim3A_83 = vector.broadcast %arg0 : i32 to vector<16xi32>
    %lt3A_84 = arith.constant 4 : i32
    %lt3A_85 = arith.cmpi slt, %arg1, %lt3A_84 : i32
    %select_n3A = arith.constant 156 : i32
    %select_n3A_86 = arith.constant 157 : i32
    %select_n3A_87 = arith.select %lt3A_85, %select_n3A_86, %select_n3A : i32
    %get3A = arith.constant 0 : i32
    %get3A_88 = arith.constant 0 : i32
    %get3A_89 = arith.index_cast %get3A : i32 to index
    %get3A_90 = arith.index_cast %get3A_88 : i32 to index
    %get3A_91 = arith.constant 0 : index
    %get3A_92 = tpu.vector_load %arg6[%get3A_89, %get3A_90, %get3A_91] {strides = array<i32>} : memref<157x2x128xi32, #tpu.memory_space<vmem>>, vector<1x1x16xi32>,
    %get3A_93 = vector.shape_cast %get3A_92 : vector<1x1x16xi32> to vector<16xi32>
    %add3A_94 = arith.addi %get3A_93, %get3A_93 : vector<16xi32>
    %add3A_95 = arith.addi %add3A_94, %broadcast_in_dim3A_83 : vector<16xi32>
    %swap3A_96 = arith.constant 0 : i32
    %swap3A_97 = arith.constant 0 : i32
    %swap3A_98 = arith.index_cast %swap3A_96 : i32 to index
    %swap3A_99 = arith.index_cast %swap3A_97 : i32 to index
    %swap3A_100 = arith.constant 0 : index
    %swap3A_101 = tpu.vector_load %arg6[%swap3A_98, %swap3A_99, %swap3A_100] {strides = array<i32>} : memref<157x2x128xi32, #tpu.memory_space<vmem>>, vector<1x1x16xi32>,
    %swap3A_102 = vector.shape_cast %swap3A_101 : vector<1x1x16xi32> to vector<16xi32>
    %swap3A_103 = vector.shape_cast %add3A_95 : vector<16xi32> to vector<1x1x16xi32>
    tpu.vector_store %arg6[%swap3A_98, %swap3A_99, %swap3A_100], %swap3A_103 {strides = array<i32>} : memref<157x2x128xi32, #tpu.memory_space<vmem>>, vector<1x1x16xi32>,
    %get3A_104 = arith.constant 0 : i32
    %get3A_105 = arith.constant 0 : i32
    %get3A_106 = arith.index_cast %get3A_104 : i32 to index
    %get3A_107 = arith.index_cast %get3A_105 : i32 to index
    %get3A_108 = arith.constant 16 : index
    %get3A_109 = tpu.vector_load %arg6[%get3A_106, %get3A_107, %get3A_108] {strides = array<i32>} : memref<157x2x128xi32, #tpu.memory_space<vmem>>, vector<1x1x16xi32>,
    %get3A_110 = vector.shape_cast %get3A_109 : vector<1x1x16xi32> to vector<16xi32>
    %add3A_111 = arith.addi %get3A_110, %get3A_110 : vector<16xi32>
    %add3A_112 = arith.addi %add3A_111, %broadcast_in_dim3A_83 : vector<16xi32>
    %swap3A_113 = arith.constant 0 : i32
    %swap3A_114 = arith.constant 0 : i32
    %swap3A_115 = arith.index_cast %swap3A_113 : i32 to index
    %swap3A_116 = arith.index_cast %swap3A_114 : i32 to index
    %swap3A_117 = arith.constant 16 : index
    %swap3A_118 = tpu.vector_load %arg6[%swap3A_115, %swap3A_116, %swap3A_117] {strides = array<i32>} : memref<157x2x128xi32, #tpu.memory_space<vmem>>, vector<1x1x16xi32>,
    %swap3A_119 = vector.shape_cast %swap3A_118 : vector<1x1x16xi32> to vector<16xi32>
    %swap3A_120 = vector.shape_cast %add3A_112 : vector<16xi32> to vector<1x1x16xi32>
    tpu.vector_store %arg6[%swap3A_115, %swap3A_116, %swap3A_117], %swap3A_120 {strides = array<i32>} : memref<157x2x128xi32, #tpu.memory_space<vmem>>, vector<1x1x16xi32>,
    %get3A_121 = arith.constant 0 : i32
    %get3A_122 = arith.constant 0 : i32
    %get3A_123 = arith.index_cast %get3A_121 : i32 to index
    %get3A_124 = arith.index_cast %get3A_122 : i32 to index
    %get3A_125 = arith.constant 32 : index
    %get3A_126 = tpu.vector_load %arg6[%get3A_123, %get3A_124, %get3A_125] {strides = array<i32>} : memref<157x2x128xi32, #tpu.memory_space<vmem>>, vector<1x1x16xi32>,
    %get3A_127 = vector.shape_cast %get3A_126 : vector<1x1x16xi32> to vector<16xi32>
    %add3A_128 = arith.addi %get3A_127, %get3A_127 : vector<16xi32>
    %add3A_129 = arith.addi %add3A_128, %broadcast_in_dim3A_83 : vector<16xi32>
    %swap3A_130 = arith.constant 0 : i32
    %swap3A_131 = arith.constant 0 : i32
    %swap3A_132 = arith.index_cast %swap3A_130 : i32 to index
    %swap3A_133 = arith.index_cast %swap3A_131 : i32 to index
    %swap3A_134 = arith.constant 32 : index
    %swap3A_135 = tpu.vector_load %arg6[%swap3A_132, %swap3A_133, %swap3A_134] {strides = array<i32>} : memref<157x2x128xi32, #tpu.memory_space<vmem>>, vector<1x1x16xi32>,
    %swap3A_136 = vector.shape_cast %swap3A_135 : vector<1x1x16xi32> to vector<16xi32>
    %swap3A_137 = vector.shape_cast %add3A_129 : vector<16xi32> to vector<1x1x16xi32>
    tpu.vector_store %arg6[%swap3A_132, %swap3A_133, %swap3A_134], %swap3A_137 {strides = array<i32>} : memref<157x2x128xi32, #tpu.memory_space<vmem>>, vector<1x1x16xi32>,
    %get3A_138 = arith.constant 0 : i32
    %get3A_139 = arith.constant 0 : i32
    %get3A_140 = arith.index_cast %get3A_138 : i32 to index
    %get3A_141 = arith.index_cast %get3A_139 : i32 to index
    %get3A_142 = arith.constant 48 : index
    %get3A_143 = tpu.vector_load %arg6[%get3A_140, %get3A_141, %get3A_142] {strides = array<i32>} : memref<157x2x128xi32, #tpu.memory_space<vmem>>, vector<1x1x16xi32>,
    %get3A_144 = vector.shape_cast %get3A_143 : vector<1x1x16xi32> to vector<16xi32>
    %add3A_145 = arith.addi %get3A_144, %get3A_144 : vector<16xi32>
    %add3A_146 = arith.addi %add3A_145, %broadcast_in_dim3A_83 : vector<16xi32>
    %swap3A_147 = arith.constant 0 : i32
    %swap3A_148 = arith.constant 0 : i32
    %swap3A_149 = arith.index_cast %swap3A_147 : i32 to index
    %swap3A_150 = arith.index_cast %swap3A_148 : i32 to index
    %swap3A_151 = arith.constant 48 : index
    %swap3A_152 = tpu.vector_load %arg6[%swap3A_149, %swap3A_150, %swap3A_151] {strides = array<i32>} : memref<157x2x128xi32, #tpu.memory_space<vmem>>, vector<1x1x16xi32>,
    %swap3A_153 = vector.shape_cast %swap3A_152 : vector<1x1x16xi32> to vector<16xi32>
    %swap3A_154 = vector.shape_cast %add3A_146 : vector<16xi32> to vector<1x1x16xi32>
    tpu.vector_store %arg6[%swap3A_149, %swap3A_150, %swap3A_151], %swap3A_154 {strides = array<i32>} : memref<157x2x128xi32, #tpu.memory_space<vmem>>, vector<1x1x16xi32>,
    %get3A_155 = arith.constant 0 : i32
    %get3A_156 = arith.constant 0 : i32
    %get3A_157 = arith.index_cast %get3A_155 : i32 to index
    %get3A_158 = arith.index_cast %get3A_156 : i32 to index
    %get3A_159 = arith.constant 64 : index
    %get3A_160 = tpu.vector_load %arg6[%get3A_157, %get3A_158, %get3A_159] {strides = array<i32>} : memref<157x2x128xi32, #tpu.memory_space<vmem>>, vector<1x1x16xi32>,
    %get3A_161 = vector.shape_cast %get3A_160 : vector<1x1x16xi32> to vector<16xi32>
    %add3A_162 = arith.addi %get3A_161, %get3A_161 : vector<16xi32>
    %add3A_163 = arith.addi %add3A_162, %broadcast_in_dim3A_83 : vector<16xi32>
    %swap3A_164 = arith.constant 0 : i32
    %swap3A_165 = arith.constant 0 : i32
    %swap3A_166 = arith.index_cast %swap3A_164 : i32 to index
    %swap3A_167 = arith.index_cast %swap3A_165 : i32 to index
    %swap3A_168 = arith.constant 64 : index
    %swap3A_169 = tpu.vector_load %arg6[%swap3A_166, %swap3A_167, %swap3A_168] {strides = array<i32>} : memref<157x2x128xi32, #tpu.memory_space<vmem>>, vector<1x1x16xi32>,
    %swap3A_170 = vector.shape_cast %swap3A_169 : vector<1x1x16xi32> to vector<16xi32>
    %swap3A_171 = vector.shape_cast %add3A_163 : vector<16xi32> to vector<1x1x16xi32>
    tpu.vector_store %arg6[%swap3A_166, %swap3A_167, %swap3A_168], %swap3A_171 {strides = array<i32>} : memref<157x2x128xi32, #tpu.memory_space<vmem>>, vector<1x1x16xi32>,
    %get3A_172 = arith.constant 0 : i32
    %get3A_173 = arith.constant 0 : i32
    %get3A_174 = arith.index_cast %get3A_172 : i32 to index
    %get3A_175 = arith.index_cast %get3A_173 : i32 to index
    %get3A_176 = arith.constant 80 : index
    %get3A_177 = tpu.vector_load %arg6[%get3A_174, %get3A_175, %get3A_176] {strides = array<i32>} : memref<157x2x128xi32, #tpu.memory_space<vmem>>, vector<1x1x16xi32>,
    %get3A_178 = vector.shape_cast %get3A_177 : vector<1x1x16xi32> to vector<16xi32>
    %add3A_179 = arith.addi %get3A_178, %get3A_178 : vector<16xi32>
    %add3A_180 = arith.addi %add3A_179, %broadcast_in_dim3A_83 : vector<16xi32>
    %swap3A_181 = arith.constant 0 : i32
    %swap3A_182 = arith.constant 0 : i32
    %swap3A_183 = arith.index_cast %swap3A_181 : i32 to index
    %swap3A_184 = arith.index_cast %swap3A_182 : i32 to index
    %swap3A_185 = arith.constant 80 : index
    %swap3A_186 = tpu.vector_load %arg6[%swap3A_183, %swap3A_184, %swap3A_185] {strides = array<i32>} : memref<157x2x128xi32, #tpu.memory_space<vmem>>, vector<1x1x16xi32>,
    %swap3A_187 = vector.shape_cast %swap3A_186 : vector<1x1x16xi32> to vector<16xi32>
    %swap3A_188 = vector.shape_cast %add3A_180 : vector<16xi32> to vector<1x1x16xi32>
    tpu.vector_store %arg6[%swap3A_183, %swap3A_184, %swap3A_185], %swap3A_188 {strides = array<i32>} : memref<157x2x128xi32, #tpu.memory_space<vmem>>, vector<1x1x16xi32>,
    %get3A_189 = arith.constant 0 : i32
    %get3A_190 = arith.constant 0 : i32
    %get3A_191 = arith.index_cast %get3A_189 : i32 to index
    %get3A_192 = arith.index_cast %get3A_190 : i32 to index
    %get3A_193 = arith.constant 96 : index
    %get3A_194 = tpu.vector_load %arg6[%get3A_191, %get3A_192, %get3A_193] {strides = array<i32>} : memref<157x2x128xi32, #tpu.memory_space<vmem>>, vector<1x1x16xi32>,
    %get3A_195 = vector.shape_cast %get3A_194 : vector<1x1x16xi32> to vector<16xi32>
    %add3A_196 = arith.addi %get3A_195, %get3A_195 : vector<16xi32>
    %add3A_197 = arith.addi %add3A_196, %broadcast_in_dim3A_83 : vector<16xi32>
    %swap3A_198 = arith.constant 0 : i32
    %swap3A_199 = arith.constant 0 : i32
    %swap3A_200 = arith.index_cast %swap3A_198 : i32 to index
    %swap3A_201 = arith.index_cast %swap3A_199 : i32 to index
    %swap3A_202 = arith.constant 96 : index
    %swap3A_203 = tpu.vector_load %arg6[%swap3A_200, %swap3A_201, %swap3A_202] {strides = array<i32>} : memref<157x2x128xi32, #tpu.memory_space<vmem>>, vector<1x1x16xi32>,
    %swap3A_204 = vector.shape_cast %swap3A_203 : vector<1x1x16xi32> to vector<16xi32>
    %swap3A_205 = vector.shape_cast %add3A_197 : vector<16xi32> to vector<1x1x16xi32>
    tpu.vector_store %arg6[%swap3A_200, %swap3A_201, %swap3A_202], %swap3A_205 {strides = array<i32>} : memref<157x2x128xi32, #tpu.memory_space<vmem>>, vector<1x1x16xi32>,
    %get3A_206 = arith.constant 0 : i32
    %get3A_207 = arith.constant 0 : i32
    %get3A_208 = arith.index_cast %get3A_206 : i32 to index
    %get3A_209 = arith.index_cast %get3A_207 : i32 to index
    %get3A_210 = arith.constant 112 : index
    %get3A_211 = tpu.vector_load %arg6[%get3A_208, %get3A_209, %get3A_210] {strides = array<i32>} : memref<157x2x128xi32, #tpu.memory_space<vmem>>, vector<1x1x16xi32>,
    %get3A_212 = vector.shape_cast %get3A_211 : vector<1x1x16xi32> to vector<16xi32>
    %add3A_213 = arith.addi %get3A_212, %get3A_212 : vector<16xi32>
    %add3A_214 = arith.addi %add3A_213, %broadcast_in_dim3A_83 : vector<16xi32>
    %swap3A_215 = arith.constant 0 : i32
    %swap3A_216 = arith.constant 0 : i32
    %swap3A_217 = arith.index_cast %swap3A_215 : i32 to index
    %swap3A_218 = arith.index_cast %swap3A_216 : i32 to index
    %swap3A_219 = arith.constant 112 : index
    %swap3A_220 = tpu.vector_load %arg6[%swap3A_217, %swap3A_218, %swap3A_219] {strides = array<i32>} : memref<157x2x128xi32, #tpu.memory_space<vmem>>, vector<1x1x16xi32>,
    %swap3A_221 = vector.shape_cast %swap3A_220 : vector<1x1x16xi32> to vector<16xi32>
    %swap3A_222 = vector.shape_cast %add3A_214 : vector<16xi32> to vector<1x1x16xi32>
    tpu.vector_store %arg6[%swap3A_217, %swap3A_218, %swap3A_219], %swap3A_222 {strides = array<i32>} : memref<157x2x128xi32, #tpu.memory_space<vmem>>, vector<1x1x16xi32>,
    %dma_start3A = arith.constant 0 : i32
    %dma_start3A_223 = arith.constant 0 : i32
    %dma_start3A_224 = arith.constant 0 : i32
    %dma_start3A_225 = tpu.memref_slice %arg6[%dma_start3A, %dma_start3A_223, %dma_start3A_224] : memref<157x2x128xi32, #tpu.memory_space<vmem>> -> memref<1x1x128xi32, #tpu.memory_space<vmem>>
    %dma_start3A_226 = tpu.memref_squeeze %dma_start3A_225 : memref<1x1x128xi32, #tpu.memory_space<vmem>> -> memref<128xi32, #tpu.memory_space<vmem>>
    %dma_start3A_227 = arith.constant 0 : i32
    %dma_start3A_228 = arith.constant 0 : i32
    %dma_start3A_229 = tpu.memref_slice %arg2[%dma_start3A_227, %dma_start3A_228] : memref<20000x64xf32, #tpu.memory_space<hbm>> -> memref<20000x64xf32, #tpu.memory_space<hbm>>
    tpu.enqueue_indirect_dma source(%dma_start3A_229 : memref<20000x64xf32, #tpu.memory_space<hbm>>) target(%arg7 : memref<128x64xf32, #tpu.memory_space<vmem>>) offsets(%dma_start3A_226 : memref<128xi32, #tpu.memory_space<vmem>>) semaphore(%arg16 : memref<!tpu.dma_semaphore, #tpu.memory_space<semaphore_mem>>)
    %get3A_230 = arith.constant 1 : i32
    %get3A_231 = arith.constant 0 : i32
    %get3A_232 = arith.index_cast %get3A_230 : i32 to index
    %get3A_233 = arith.index_cast %get3A_231 : i32 to index
    %get3A_234 = arith.constant 0 : index
    %get3A_235 = tpu.vector_load %arg6[%get3A_232, %get3A_233, %get3A_234] {strides = array<i32>} : memref<157x2x128xi32, #tpu.memory_space<vmem>>, vector<1x1x16xi32>,
    %get3A_236 = vector.shape_cast %get3A_235 : vector<1x1x16xi32> to vector<16xi32>
    %add3A_237 = arith.addi %get3A_236, %get3A_236 : vector<16xi32>
    %add3A_238 = arith.addi %add3A_237, %broadcast_in_dim3A_83 : vector<16xi32>
    %swap3A_239 = arith.constant 1 : i32
    %swap3A_240 = arith.constant 0 : i32
    %swap3A_241 = arith.index_cast %swap3A_239 : i32 to index
    %swap3A_242 = arith.index_cast %swap3A_240 : i32 to index
    %swap3A_243 = arith.constant 0 : index
    %swap3A_244 = tpu.vector_load %arg6[%swap3A_241, %swap3A_242, %swap3A_243] {strides = array<i32>} : memref<157x2x128xi32, #tpu.memory_space<vmem>>, vector<1x1x16xi32>,
    %swap3A_245 = vector.shape_cast %swap3A_244 : vector<1x1x16xi32> to vector<16xi32>
    %swap3A_246 = vector.shape_cast %add3A_238 : vector<16xi32> to vector<1x1x16xi32>
    tpu.vector_store %arg6[%swap3A_241, %swap3A_242, %swap3A_243], %swap3A_246 {strides = array<i32>} : memref<157x2x128xi32, #tpu.memory_space<vmem>>, vector<1x1x16xi32>,
    %get3A_247 = arith.constant 1 : i32
    %get3A_248 = arith.constant 0 : i32
    %get3A_249 = arith.index_cast %get3A_247 : i32 to index
    %get3A_250 = arith.index_cast %get3A_248 : i32 to index
    %get3A_251 = arith.constant 16 : index
    %get3A_252 = tpu.vector_load %arg6[%get3A_249, %get3A_250, %get3A_251] {strides = array<i32>} : memref<157x2x128xi32, #tpu.memory_space<vmem>>, vector<1x1x16xi32>,
    %get3A_253 = vector.shape_cast %get3A_252 : vector<1x1x16xi32> to vector<16xi32>
    %add3A_254 = arith.addi %get3A_253, %get3A_253 : vector<16xi32>
    %add3A_255 = arith.addi %add3A_254, %broadcast_in_dim3A_83 : vector<16xi32>
    %swap3A_256 = arith.constant 1 : i32
    %swap3A_257 = arith.constant 0 : i32
    %swap3A_258 = arith.index_cast %swap3A_256 : i32 to index
    %swap3A_259 = arith.index_cast %swap3A_257 : i32 to index
    %swap3A_260 = arith.constant 16 : index
    %swap3A_261 = tpu.vector_load %arg6[%swap3A_258, %swap3A_259, %swap3A_260] {strides = array<i32>} : memref<157x2x128xi32, #tpu.memory_space<vmem>>, vector<1x1x16xi32>,
    %swap3A_262 = vector.shape_cast %swap3A_261 : vector<1x1x16xi32> to vector<16xi32>
    %swap3A_263 = vector.shape_cast %add3A_255 : vector<16xi32> to vector<1x1x16xi32>
    tpu.vector_store %arg6[%swap3A_258, %swap3A_259, %swap3A_260], %swap3A_263 {strides = array<i32>} : memref<157x2x128xi32, #tpu.memory_space<vmem>>, vector<1x1x16xi32>,
    %get3A_264 = arith.constant 1 : i32
    %get3A_265 = arith.constant 0 : i32
    %get3A_266 = arith.index_cast %get3A_264 : i32 to index
    %get3A_267 = arith.index_cast %get3A_265 : i32 to index
    %get3A_268 = arith.constant 32 : index
    %get3A_269 = tpu.vector_load %arg6[%get3A_266, %get3A_267, %get3A_268] {strides = array<i32>} : memref<157x2x128xi32, #tpu.memory_space<vmem>>, vector<1x1x16xi32>,
    %get3A_270 = vector.shape_cast %get3A_269 : vector<1x1x16xi32> to vector<16xi32>
    %add3A_271 = arith.addi %get3A_270, %get3A_270 : vector<16xi32>
    %add3A_272 = arith.addi %add3A_271, %broadcast_in_dim3A_83 : vector<16xi32>
    %swap3A_273 = arith.constant 1 : i32
    %swap3A_274 = arith.constant 0 : i32
    %swap3A_275 = arith.index_cast %swap3A_273 : i32 to index
    %swap3A_276 = arith.index_cast %swap3A_274 : i32 to index
    %swap3A_277 = arith.constant 32 : index
    %swap3A_278 = tpu.vector_load %arg6[%swap3A_275, %swap3A_276, %swap3A_277] {strides = array<i32>} : memref<157x2x128xi32, #tpu.memory_space<vmem>>, vector<1x1x16xi32>,
    %swap3A_279 = vector.shape_cast %swap3A_278 : vector<1x1x16xi32> to vector<16xi32>
    %swap3A_280 = vector.shape_cast %add3A_272 : vector<16xi32> to vector<1x1x16xi32>
    tpu.vector_store %arg6[%swap3A_275, %swap3A_276, %swap3A_277], %swap3A_280 {strides = array<i32>} : memref<157x2x128xi32, #tpu.memory_space<vmem>>, vector<1x1x16xi32>,
    %get3A_281 = arith.constant 1 : i32
    %get3A_282 = arith.constant 0 : i32
    %get3A_283 = arith.index_cast %get3A_281 : i32 to index
    %get3A_284 = arith.index_cast %get3A_282 : i32 to index
    %get3A_285 = arith.constant 48 : index
    %get3A_286 = tpu.vector_load %arg6[%get3A_283, %get3A_284, %get3A_285] {strides = array<i32>} : memref<157x2x128xi32, #tpu.memory_space<vmem>>, vector<1x1x16xi32>,
    %get3A_287 = vector.shape_cast %get3A_286 : vector<1x1x16xi32> to vector<16xi32>
    %add3A_288 = arith.addi %get3A_287, %get3A_287 : vector<16xi32>
    %add3A_289 = arith.addi %add3A_288, %broadcast_in_dim3A_83 : vector<16xi32>
    %swap3A_290 = arith.constant 1 : i32
    %swap3A_291 = arith.constant 0 : i32
    %swap3A_292 = arith.index_cast %swap3A_290 : i32 to index
    %swap3A_293 = arith.index_cast %swap3A_291 : i32 to index
    %swap3A_294 = arith.constant 48 : index
    %swap3A_295 = tpu.vector_load %arg6[%swap3A_292, %swap3A_293, %swap3A_294] {strides = array<i32>} : memref<157x2x128xi32, #tpu.memory_space<vmem>>, vector<1x1x16xi32>,
    %swap3A_296 = vector.shape_cast %swap3A_295 : vector<1x1x16xi32> to vector<16xi32>
    %swap3A_297 = vector.shape_cast %add3A_289 : vector<16xi32> to vector<1x1x16xi32>
    tpu.vector_store %arg6[%swap3A_292, %swap3A_293, %swap3A_294], %swap3A_297 {strides = array<i32>} : memref<157x2x128xi32, #tpu.memory_space<vmem>>, vector<1x1x16xi32>,
    %get3A_298 = arith.constant 1 : i32
    %get3A_299 = arith.constant 0 : i32
    %get3A_300 = arith.index_cast %get3A_298 : i32 to index
    %get3A_301 = arith.index_cast %get3A_299 : i32 to index
    %get3A_302 = arith.constant 64 : index
    %get3A_303 = tpu.vector_load %arg6[%get3A_300, %get3A_301, %get3A_302] {strides = array<i32>} : memref<157x2x128xi32, #tpu.memory_space<vmem>>, vector<1x1x16xi32>,
    %get3A_304 = vector.shape_cast %get3A_303 : vector<1x1x16xi32> to vector<16xi32>
    %add3A_305 = arith.addi %get3A_304, %get3A_304 : vector<16xi32>
    %add3A_306 = arith.addi %add3A_305, %broadcast_in_dim3A_83 : vector<16xi32>
    %swap3A_307 = arith.constant 1 : i32
    %swap3A_308 = arith.constant 0 : i32
    %swap3A_309 = arith.index_cast %swap3A_307 : i32 to index
    %swap3A_310 = arith.index_cast %swap3A_308 : i32 to index
    %swap3A_311 = arith.constant 64 : index
    %swap3A_312 = tpu.vector_load %arg6[%swap3A_309, %swap3A_310, %swap3A_311] {strides = array<i32>} : memref<157x2x128xi32, #tpu.memory_space<vmem>>, vector<1x1x16xi32>,
    %swap3A_313 = vector.shape_cast %swap3A_312 : vector<1x1x16xi32> to vector<16xi32>
    %swap3A_314 = vector.shape_cast %add3A_306 : vector<16xi32> to vector<1x1x16xi32>
    tpu.vector_store %arg6[%swap3A_309, %swap3A_310, %swap3A_311], %swap3A_314 {strides = array<i32>} : memref<157x2x128xi32, #tpu.memory_space<vmem>>, vector<1x1x16xi32>,
    %get3A_315 = arith.constant 1 : i32
    %get3A_316 = arith.constant 0 : i32
    %get3A_317 = arith.index_cast %get3A_315 : i32 to index
    %get3A_318 = arith.index_cast %get3A_316 : i32 to index
    %get3A_319 = arith.constant 80 : index
    %get3A_320 = tpu.vector_load %arg6[%get3A_317, %get3A_318, %get3A_319] {strides = array<i32>} : memref<157x2x128xi32, #tpu.memory_space<vmem>>, vector<1x1x16xi32>,
    %get3A_321 = vector.shape_cast %get3A_320 : vector<1x1x16xi32> to vector<16xi32>
    %add3A_322 = arith.addi %get3A_321, %get3A_321 : vector<16xi32>
    %add3A_323 = arith.addi %add3A_322, %broadcast_in_dim3A_83 : vector<16xi32>
    %swap3A_324 = arith.constant 1 : i32
    %swap3A_325 = arith.constant 0 : i32
    %swap3A_326 = arith.index_cast %swap3A_324 : i32 to index
    %swap3A_327 = arith.index_cast %swap3A_325 : i32 to index
    %swap3A_328 = arith.constant 80 : index
    %swap3A_329 = tpu.vector_load %arg6[%swap3A_326, %swap3A_327, %swap3A_328] {strides = array<i32>} : memref<157x2x128xi32, #tpu.memory_space<vmem>>, vector<1x1x16xi32>,
    %swap3A_330 = vector.shape_cast %swap3A_329 : vector<1x1x16xi32> to vector<16xi32>
    %swap3A_331 = vector.shape_cast %add3A_323 : vector<16xi32> to vector<1x1x16xi32>
    tpu.vector_store %arg6[%swap3A_326, %swap3A_327, %swap3A_328], %swap3A_331 {strides = array<i32>} : memref<157x2x128xi32, #tpu.memory_space<vmem>>, vector<1x1x16xi32>,
    %get3A_332 = arith.constant 1 : i32
    %get3A_333 = arith.constant 0 : i32
    %get3A_334 = arith.index_cast %get3A_332 : i32 to index
    %get3A_335 = arith.index_cast %get3A_333 : i32 to index
    %get3A_336 = arith.constant 96 : index
    %get3A_337 = tpu.vector_load %arg6[%get3A_334, %get3A_335, %get3A_336] {strides = array<i32>} : memref<157x2x128xi32, #tpu.memory_space<vmem>>, vector<1x1x16xi32>,
    %get3A_338 = vector.shape_cast %get3A_337 : vector<1x1x16xi32> to vector<16xi32>
    %add3A_339 = arith.addi %get3A_338, %get3A_338 : vector<16xi32>
    %add3A_340 = arith.addi %add3A_339, %broadcast_in_dim3A_83 : vector<16xi32>
    %swap3A_341 = arith.constant 1 : i32
    %swap3A_342 = arith.constant 0 : i32
    %swap3A_343 = arith.index_cast %swap3A_341 : i32 to index
    %swap3A_344 = arith.index_cast %swap3A_342 : i32 to index
    %swap3A_345 = arith.constant 96 : index
    %swap3A_346 = tpu.vector_load %arg6[%swap3A_343, %swap3A_344, %swap3A_345] {strides = array<i32>} : memref<157x2x128xi32, #tpu.memory_space<vmem>>, vector<1x1x16xi32>,
    %swap3A_347 = vector.shape_cast %swap3A_346 : vector<1x1x16xi32> to vector<16xi32>
    %swap3A_348 = vector.shape_cast %add3A_340 : vector<16xi32> to vector<1x1x16xi32>
    tpu.vector_store %arg6[%swap3A_343, %swap3A_344, %swap3A_345], %swap3A_348 {strides = array<i32>} : memref<157x2x128xi32, #tpu.memory_space<vmem>>, vector<1x1x16xi32>,
    %get3A_349 = arith.constant 1 : i32
    %get3A_350 = arith.constant 0 : i32
    %get3A_351 = arith.index_cast %get3A_349 : i32 to index
    %get3A_352 = arith.index_cast %get3A_350 : i32 to index
    %get3A_353 = arith.constant 112 : index
    %get3A_354 = tpu.vector_load %arg6[%get3A_351, %get3A_352, %get3A_353] {strides = array<i32>} : memref<157x2x128xi32, #tpu.memory_space<vmem>>, vector<1x1x16xi32>,
    %get3A_355 = vector.shape_cast %get3A_354 : vector<1x1x16xi32> to vector<16xi32>
    %add3A_356 = arith.addi %get3A_355, %get3A_355 : vector<16xi32>
    %add3A_357 = arith.addi %add3A_356, %broadcast_in_dim3A_83 : vector<16xi32>
    %swap3A_358 = arith.constant 1 : i32
    %swap3A_359 = arith.constant 0 : i32
    %swap3A_360 = arith.index_cast %swap3A_358 : i32 to index
    %swap3A_361 = arith.index_cast %swap3A_359 : i32 to index
    %swap3A_362 = arith.constant 112 : index
    %swap3A_363 = tpu.vector_load %arg6[%swap3A_360, %swap3A_361, %swap3A_362] {strides = array<i32>} : memref<157x2x128xi32, #tpu.memory_space<vmem>>, vector<1x1x16xi32>,
    %swap3A_364 = vector.shape_cast %swap3A_363 : vector<1x1x16xi32> to vector<16xi32>
    %swap3A_365 = vector.shape_cast %add3A_357 : vector<16xi32> to vector<1x1x16xi32>
    tpu.vector_store %arg6[%swap3A_360, %swap3A_361, %swap3A_362], %swap3A_365 {strides = array<i32>} : memref<157x2x128xi32, #tpu.memory_space<vmem>>, vector<1x1x16xi32>,
    %dma_start3A_366 = arith.constant 1 : i32
    %dma_start3A_367 = arith.constant 0 : i32
    %dma_start3A_368 = arith.constant 0 : i32
    %dma_start3A_369 = tpu.memref_slice %arg6[%dma_start3A_366, %dma_start3A_367, %dma_start3A_368] : memref<157x2x128xi32, #tpu.memory_space<vmem>> -> memref<1x1x128xi32, #tpu.memory_space<vmem>>
    %dma_start3A_370 = tpu.memref_squeeze %dma_start3A_369 : memref<1x1x128xi32, #tpu.memory_space<vmem>> -> memref<128xi32, #tpu.memory_space<vmem>>
    %dma_start3A_371 = arith.constant 0 : i32
    %dma_start3A_372 = arith.constant 0 : i32
    %dma_start3A_373 = tpu.memref_slice %arg2[%dma_start3A_371, %dma_start3A_372] : memref<20000x64xf32, #tpu.memory_space<hbm>> -> memref<20000x64xf32, #tpu.memory_space<hbm>>
    tpu.enqueue_indirect_dma source(%dma_start3A_373 : memref<20000x64xf32, #tpu.memory_space<hbm>>) target(%arg8 : memref<128x64xf32, #tpu.memory_space<vmem>>) offsets(%dma_start3A_370 : memref<128xi32, #tpu.memory_space<vmem>>) semaphore(%arg17 : memref<!tpu.dma_semaphore, #tpu.memory_space<semaphore_mem>>)
    %get3A_374 = arith.constant 2 : i32
    %get3A_375 = arith.constant 0 : i32
    %get3A_376 = arith.index_cast %get3A_374 : i32 to index
    %get3A_377 = arith.index_cast %get3A_375 : i32 to index
    %get3A_378 = arith.constant 0 : index
    %get3A_379 = tpu.vector_load %arg6[%get3A_376, %get3A_377, %get3A_378] {strides = array<i32>} : memref<157x2x128xi32, #tpu.memory_space<vmem>>, vector<1x1x16xi32>,
    %get3A_380 = vector.shape_cast %get3A_379 : vector<1x1x16xi32> to vector<16xi32>
    %add3A_381 = arith.addi %get3A_380, %get3A_380 : vector<16xi32>
    %add3A_382 = arith.addi %add3A_381, %broadcast_in_dim3A_83 : vector<16xi32>
    %swap3A_383 = arith.constant 2 : i32
    %swap3A_384 = arith.constant 0 : i32
    %swap3A_385 = arith.index_cast %swap3A_383 : i32 to index
    %swap3A_386 = arith.index_cast %swap3A_384 : i32 to index
    %swap3A_387 = arith.constant 0 : index
    %swap3A_388 = tpu.vector_load %arg6[%swap3A_385, %swap3A_386, %swap3A_387] {strides = array<i32>} : memref<157x2x128xi32, #tpu.memory_space<vmem>>, vector<1x1x16xi32>,
    %swap3A_389 = vector.shape_cast %swap3A_388 : vector<1x1x16xi32> to vector<16xi32>
    %swap3A_390 = vector.shape_cast %add3A_382 : vector<16xi32> to vector<1x1x16xi32>
    tpu.vector_store %arg6[%swap3A_385, %swap3A_386, %swap3A_387], %swap3A_390 {strides = array<i32>} : memref<157x2x128xi32, #tpu.memory_space<vmem>>, vector<1x1x16xi32>,
    %get3A_391 = arith.constant 2 : i32
    %get3A_392 = arith.constant 0 : i32
    %get3A_393 = arith.index_cast %get3A_391 : i32 to index
    %get3A_394 = arith.index_cast %get3A_392 : i32 to index
    %get3A_395 = arith.constant 16 : index
    %get3A_396 = tpu.vector_load %arg6[%get3A_393, %get3A_394, %get3A_395] {strides = array<i32>} : memref<157x2x128xi32, #tpu.memory_space<vmem>>, vector<1x1x16xi32>,
    %get3A_397 = vector.shape_cast %get3A_396 : vector<1x1x16xi32> to vector<16xi32>
    %add3A_398 = arith.addi %get3A_397, %get3A_397 : vector<16xi32>
    %add3A_399 = arith.addi %add3A_398, %broadcast_in_dim3A_83 : vector<16xi32>
    %swap3A_400 = arith.constant 2 : i32
    %swap3A_401 = arith.constant 0 : i32
    %swap3A_402 = arith.index_cast %swap3A_400 : i32 to index
    %swap3A_403 = arith.index_cast %swap3A_401 : i32 to index
    %swap3A_404 = arith.constant 16 : index
    %swap3A_405 = tpu.vector_load %arg6[%swap3A_402, %swap3A_403, %swap3A_404] {strides = array<i32>} : memref<157x2x128xi32, #tpu.memory_space<vmem>>, vector<1x1x16xi32>,
    %swap3A_406 = vector.shape_cast %swap3A_405 : vector<1x1x16xi32> to vector<16xi32>
    %swap3A_407 = vector.shape_cast %add3A_399 : vector<16xi32> to vector<1x1x16xi32>
    tpu.vector_store %arg6[%swap3A_402, %swap3A_403, %swap3A_404], %swap3A_407 {strides = array<i32>} : memref<157x2x128xi32, #tpu.memory_space<vmem>>, vector<1x1x16xi32>,
    %get3A_408 = arith.constant 2 : i32
    %get3A_409 = arith.constant 0 : i32
    %get3A_410 = arith.index_cast %get3A_408 : i32 to index
    %get3A_411 = arith.index_cast %get3A_409 : i32 to index
    %get3A_412 = arith.constant 32 : index
    %get3A_413 = tpu.vector_load %arg6[%get3A_410, %get3A_411, %get3A_412] {strides = array<i32>} : memref<157x2x128xi32, #tpu.memory_space<vmem>>, vector<1x1x16xi32>,
    %get3A_414 = vector.shape_cast %get3A_413 : vector<1x1x16xi32> to vector<16xi32>
    %add3A_415 = arith.addi %get3A_414, %get3A_414 : vector<16xi32>
    %add3A_416 = arith.addi %add3A_415, %broadcast_in_dim3A_83 : vector<16xi32>
    %swap3A_417 = arith.constant 2 : i32
    %swap3A_418 = arith.constant 0 : i32
    %swap3A_419 = arith.index_cast %swap3A_417 : i32 to index
    %swap3A_420 = arith.index_cast %swap3A_418 : i32 to index
    %swap3A_421 = arith.constant 32 : index
    %swap3A_422 = tpu.vector_load %arg6[%swap3A_419, %swap3A_420, %swap3A_421] {strides = array<i32>} : memref<157x2x128xi32, #tpu.memory_space<vmem>>, vector<1x1x16xi32>,
    %swap3A_423 = vector.shape_cast %swap3A_422 : vector<1x1x16xi32> to vector<16xi32>
    %swap3A_424 = vector.shape_cast %add3A_416 : vector<16xi32> to vector<1x1x16xi32>
    tpu.vector_store %arg6[%swap3A_419, %swap3A_420, %swap3A_421], %swap3A_424 {strides = array<i32>} : memref<157x2x128xi32, #tpu.memory_space<vmem>>, vector<1x1x16xi32>,
    %get3A_425 = arith.constant 2 : i32
    %get3A_426 = arith.constant 0 : i32
    %get3A_427 = arith.index_cast %get3A_425 : i32 to index
    %get3A_428 = arith.index_cast %get3A_426 : i32 to index
    %get3A_429 = arith.constant 48 : index
    %get3A_430 = tpu.vector_load %arg6[%get3A_427, %get3A_428, %get3A_429] {strides = array<i32>} : memref<157x2x128xi32, #tpu.memory_space<vmem>>, vector<1x1x16xi32>,
    %get3A_431 = vector.shape_cast %get3A_430 : vector<1x1x16xi32> to vector<16xi32>
    %add3A_432 = arith.addi %get3A_431, %get3A_431 : vector<16xi32>
    %add3A_433 = arith.addi %add3A_432, %broadcast_in_dim3A_83 : vector<16xi32>
    %swap3A_434 = arith.constant 2 : i32
    %swap3A_435 = arith.constant 0 : i32
    %swap3A_436 = arith.index_cast %swap3A_434 : i32 to index
    %swap3A_437 = arith.index_cast %swap3A_435 : i32 to index
    %swap3A_438 = arith.constant 48 : index
    %swap3A_439 = tpu.vector_load %arg6[%swap3A_436, %swap3A_437, %swap3A_438] {strides = array<i32>} : memref<157x2x128xi32, #tpu.memory_space<vmem>>, vector<1x1x16xi32>,
    %swap3A_440 = vector.shape_cast %swap3A_439 : vector<1x1x16xi32> to vector<16xi32>
    %swap3A_441 = vector.shape_cast %add3A_433 : vector<16xi32> to vector<1x1x16xi32>
    tpu.vector_store %arg6[%swap3A_436, %swap3A_437, %swap3A_438], %swap3A_441 {strides = array<i32>} : memref<157x2x128xi32, #tpu.memory_space<vmem>>, vector<1x1x16xi32>,
    %get3A_442 = arith.constant 2 : i32
    %get3A_443 = arith.constant 0 : i32
    %get3A_444 = arith.index_cast %get3A_442 : i32 to index
    %get3A_445 = arith.index_cast %get3A_443 : i32 to index
    %get3A_446 = arith.constant 64 : index
    %get3A_447 = tpu.vector_load %arg6[%get3A_444, %get3A_445, %get3A_446] {strides = array<i32>} : memref<157x2x128xi32, #tpu.memory_space<vmem>>, vector<1x1x16xi32>,
    %get3A_448 = vector.shape_cast %get3A_447 : vector<1x1x16xi32> to vector<16xi32>
    %add3A_449 = arith.addi %get3A_448, %get3A_448 : vector<16xi32>
    %add3A_450 = arith.addi %add3A_449, %broadcast_in_dim3A_83 : vector<16xi32>
    %swap3A_451 = arith.constant 2 : i32
    %swap3A_452 = arith.constant 0 : i32
    %swap3A_453 = arith.index_cast %swap3A_451 : i32 to index
    %swap3A_454 = arith.index_cast %swap3A_452 : i32 to index
    %swap3A_455 = arith.constant 64 : index
    %swap3A_456 = tpu.vector_load %arg6[%swap3A_453, %swap3A_454, %swap3A_455] {strides = array<i32>} : memref<157x2x128xi32, #tpu.memory_space<vmem>>, vector<1x1x16xi32>,
    %swap3A_457 = vector.shape_cast %swap3A_456 : vector<1x1x16xi32> to vector<16xi32>
    %swap3A_458 = vector.shape_cast %add3A_450 : vector<16xi32> to vector<1x1x16xi32>
    tpu.vector_store %arg6[%swap3A_453, %swap3A_454, %swap3A_455], %swap3A_458 {strides = array<i32>} : memref<157x2x128xi32, #tpu.memory_space<vmem>>, vector<1x1x16xi32>,
    %get3A_459 = arith.constant 2 : i32
    %get3A_460 = arith.constant 0 : i32
    %get3A_461 = arith.index_cast %get3A_459 : i32 to index
    %get3A_462 = arith.index_cast %get3A_460 : i32 to index
    %get3A_463 = arith.constant 80 : index
    %get3A_464 = tpu.vector_load %arg6[%get3A_461, %get3A_462, %get3A_463] {strides = array<i32>} : memref<157x2x128xi32, #tpu.memory_space<vmem>>, vector<1x1x16xi32>,
    %get3A_465 = vector.shape_cast %get3A_464 : vector<1x1x16xi32> to vector<16xi32>
    %add3A_466 = arith.addi %get3A_465, %get3A_465 : vector<16xi32>
    %add3A_467 = arith.addi %add3A_466, %broadcast_in_dim3A_83 : vector<16xi32>
    %swap3A_468 = arith.constant 2 : i32
    %swap3A_469 = arith.constant 0 : i32
    %swap3A_470 = arith.index_cast %swap3A_468 : i32 to index
    %swap3A_471 = arith.index_cast %swap3A_469 : i32 to index
    %swap3A_472 = arith.constant 80 : index
    %swap3A_473 = tpu.vector_load %arg6[%swap3A_470, %swap3A_471, %swap3A_472] {strides = array<i32>} : memref<157x2x128xi32, #tpu.memory_space<vmem>>, vector<1x1x16xi32>,
    %swap3A_474 = vector.shape_cast %swap3A_473 : vector<1x1x16xi32> to vector<16xi32>
    %swap3A_475 = vector.shape_cast %add3A_467 : vector<16xi32> to vector<1x1x16xi32>
    tpu.vector_store %arg6[%swap3A_470, %swap3A_471, %swap3A_472], %swap3A_475 {strides = array<i32>} : memref<157x2x128xi32, #tpu.memory_space<vmem>>, vector<1x1x16xi32>,
    %get3A_476 = arith.constant 2 : i32
    %get3A_477 = arith.constant 0 : i32
    %get3A_478 = arith.index_cast %get3A_476 : i32 to index
    %get3A_479 = arith.index_cast %get3A_477 : i32 to index
    %get3A_480 = arith.constant 96 : index
    %get3A_481 = tpu.vector_load %arg6[%get3A_478, %get3A_479, %get3A_480] {strides = array<i32>} : memref<157x2x128xi32, #tpu.memory_space<vmem>>, vector<1x1x16xi32>,
    %get3A_482 = vector.shape_cast %get3A_481 : vector<1x1x16xi32> to vector<16xi32>
    %add3A_483 = arith.addi %get3A_482, %get3A_482 : vector<16xi32>
    %add3A_484 = arith.addi %add3A_483, %broadcast_in_dim3A_83 : vector<16xi32>
    %swap3A_485 = arith.constant 2 : i32
    %swap3A_486 = arith.constant 0 : i32
    %swap3A_487 = arith.index_cast %swap3A_485 : i32 to index
    %swap3A_488 = arith.index_cast %swap3A_486 : i32 to index
    %swap3A_489 = arith.constant 96 : index
    %swap3A_490 = tpu.vector_load %arg6[%swap3A_487, %swap3A_488, %swap3A_489] {strides = array<i32>} : memref<157x2x128xi32, #tpu.memory_space<vmem>>, vector<1x1x16xi32>,
    %swap3A_491 = vector.shape_cast %swap3A_490 : vector<1x1x16xi32> to vector<16xi32>
    %swap3A_492 = vector.shape_cast %add3A_484 : vector<16xi32> to vector<1x1x16xi32>
    tpu.vector_store %arg6[%swap3A_487, %swap3A_488, %swap3A_489], %swap3A_492 {strides = array<i32>} : memref<157x2x128xi32, #tpu.memory_space<vmem>>, vector<1x1x16xi32>,
    %get3A_493 = arith.constant 2 : i32
    %get3A_494 = arith.constant 0 : i32
    %get3A_495 = arith.index_cast %get3A_493 : i32 to index
    %get3A_496 = arith.index_cast %get3A_494 : i32 to index
    %get3A_497 = arith.constant 112 : index
    %get3A_498 = tpu.vector_load %arg6[%get3A_495, %get3A_496, %get3A_497] {strides = array<i32>} : memref<157x2x128xi32, #tpu.memory_space<vmem>>, vector<1x1x16xi32>,
    %get3A_499 = vector.shape_cast %get3A_498 : vector<1x1x16xi32> to vector<16xi32>
    %add3A_500 = arith.addi %get3A_499, %get3A_499 : vector<16xi32>
    %add3A_501 = arith.addi %add3A_500, %broadcast_in_dim3A_83 : vector<16xi32>
    %swap3A_502 = arith.constant 2 : i32
    %swap3A_503 = arith.constant 0 : i32
    %swap3A_504 = arith.index_cast %swap3A_502 : i32 to index
    %swap3A_505 = arith.index_cast %swap3A_503 : i32 to index
    %swap3A_506 = arith.constant 112 : index
    %swap3A_507 = tpu.vector_load %arg6[%swap3A_504, %swap3A_505, %swap3A_506] {strides = array<i32>} : memref<157x2x128xi32, #tpu.memory_space<vmem>>, vector<1x1x16xi32>,
    %swap3A_508 = vector.shape_cast %swap3A_507 : vector<1x1x16xi32> to vector<16xi32>
    %swap3A_509 = vector.shape_cast %add3A_501 : vector<16xi32> to vector<1x1x16xi32>
    tpu.vector_store %arg6[%swap3A_504, %swap3A_505, %swap3A_506], %swap3A_509 {strides = array<i32>} : memref<157x2x128xi32, #tpu.memory_space<vmem>>, vector<1x1x16xi32>,
    %dma_start3A_510 = arith.constant 2 : i32
    %dma_start3A_511 = arith.constant 0 : i32
    %dma_start3A_512 = arith.constant 0 : i32
    %dma_start3A_513 = tpu.memref_slice %arg6[%dma_start3A_510, %dma_start3A_511, %dma_start3A_512] : memref<157x2x128xi32, #tpu.memory_space<vmem>> -> memref<1x1x128xi32, #tpu.memory_space<vmem>>
    %dma_start3A_514 = tpu.memref_squeeze %dma_start3A_513 : memref<1x1x128xi32, #tpu.memory_space<vmem>> -> memref<128xi32, #tpu.memory_space<vmem>>
    %dma_start3A_515 = arith.constant 0 : i32
    %dma_start3A_516 = arith.constant 0 : i32
    %dma_start3A_517 = tpu.memref_slice %arg2[%dma_start3A_515, %dma_start3A_516] : memref<20000x64xf32, #tpu.memory_space<hbm>> -> memref<20000x64xf32, #tpu.memory_space<hbm>>
    tpu.enqueue_indirect_dma source(%dma_start3A_517 : memref<20000x64xf32, #tpu.memory_space<hbm>>) target(%arg9 : memref<128x64xf32, #tpu.memory_space<vmem>>) offsets(%dma_start3A_514 : memref<128xi32, #tpu.memory_space<vmem>>) semaphore(%arg18 : memref<!tpu.dma_semaphore, #tpu.memory_space<semaphore_mem>>)
    %get3A_518 = arith.constant 3 : i32
    %get3A_519 = arith.constant 0 : i32
    %get3A_520 = arith.index_cast %get3A_518 : i32 to index
    %get3A_521 = arith.index_cast %get3A_519 : i32 to index
    %get3A_522 = arith.constant 0 : index
    %get3A_523 = tpu.vector_load %arg6[%get3A_520, %get3A_521, %get3A_522] {strides = array<i32>} : memref<157x2x128xi32, #tpu.memory_space<vmem>>, vector<1x1x16xi32>,
    %get3A_524 = vector.shape_cast %get3A_523 : vector<1x1x16xi32> to vector<16xi32>
    %add3A_525 = arith.addi %get3A_524, %get3A_524 : vector<16xi32>
    %add3A_526 = arith.addi %add3A_525, %broadcast_in_dim3A_83 : vector<16xi32>
    %swap3A_527 = arith.constant 3 : i32
    %swap3A_528 = arith.constant 0 : i32
    %swap3A_529 = arith.index_cast %swap3A_527 : i32 to index
    %swap3A_530 = arith.index_cast %swap3A_528 : i32 to index
    %swap3A_531 = arith.constant 0 : index
    %swap3A_532 = tpu.vector_load %arg6[%swap3A_529, %swap3A_530, %swap3A_531] {strides = array<i32>} : memref<157x2x128xi32, #tpu.memory_space<vmem>>, vector<1x1x16xi32>,
    %swap3A_533 = vector.shape_cast %swap3A_532 : vector<1x1x16xi32> to vector<16xi32>
    %swap3A_534 = vector.shape_cast %add3A_526 : vector<16xi32> to vector<1x1x16xi32>
    tpu.vector_store %arg6[%swap3A_529, %swap3A_530, %swap3A_531], %swap3A_534 {strides = array<i32>} : memref<157x2x128xi32, #tpu.memory_space<vmem>>, vector<1x1x16xi32>,
    %get3A_535 = arith.constant 3 : i32
    %get3A_536 = arith.constant 0 : i32
    %get3A_537 = arith.index_cast %get3A_535 : i32 to index
    %get3A_538 = arith.index_cast %get3A_536 : i32 to index
    %get3A_539 = arith.constant 16 : index
    %get3A_540 = tpu.vector_load %arg6[%get3A_537, %get3A_538, %get3A_539] {strides = array<i32>} : memref<157x2x128xi32, #tpu.memory_space<vmem>>, vector<1x1x16xi32>,
    %get3A_541 = vector.shape_cast %get3A_540 : vector<1x1x16xi32> to vector<16xi32>
    %add3A_542 = arith.addi %get3A_541, %get3A_541 : vector<16xi32>
    %add3A_543 = arith.addi %add3A_542, %broadcast_in_dim3A_83 : vector<16xi32>
    %swap3A_544 = arith.constant 3 : i32
    %swap3A_545 = arith.constant 0 : i32
    %swap3A_546 = arith.index_cast %swap3A_544 : i32 to index
    %swap3A_547 = arith.index_cast %swap3A_545 : i32 to index
    %swap3A_548 = arith.constant 16 : index
    %swap3A_549 = tpu.vector_load %arg6[%swap3A_546, %swap3A_547, %swap3A_548] {strides = array<i32>} : memref<157x2x128xi32, #tpu.memory_space<vmem>>, vector<1x1x16xi32>,
    %swap3A_550 = vector.shape_cast %swap3A_549 : vector<1x1x16xi32> to vector<16xi32>
    %swap3A_551 = vector.shape_cast %add3A_543 : vector<16xi32> to vector<1x1x16xi32>
    tpu.vector_store %arg6[%swap3A_546, %swap3A_547, %swap3A_548], %swap3A_551 {strides = array<i32>} : memref<157x2x128xi32, #tpu.memory_space<vmem>>, vector<1x1x16xi32>,
    %get3A_552 = arith.constant 3 : i32
    %get3A_553 = arith.constant 0 : i32
    %get3A_554 = arith.index_cast %get3A_552 : i32 to index
    %get3A_555 = arith.index_cast %get3A_553 : i32 to index
    %get3A_556 = arith.constant 32 : index
    %get3A_557 = tpu.vector_load %arg6[%get3A_554, %get3A_555, %get3A_556] {strides = array<i32>} : memref<157x2x128xi32, #tpu.memory_space<vmem>>, vector<1x1x16xi32>,
    %get3A_558 = vector.shape_cast %get3A_557 : vector<1x1x16xi32> to vector<16xi32>
    %add3A_559 = arith.addi %get3A_558, %get3A_558 : vector<16xi32>
    %add3A_560 = arith.addi %add3A_559, %broadcast_in_dim3A_83 : vector<16xi32>
    %swap3A_561 = arith.constant 3 : i32
    %swap3A_562 = arith.constant 0 : i32
    %swap3A_563 = arith.index_cast %swap3A_561 : i32 to index
    %swap3A_564 = arith.index_cast %swap3A_562 : i32 to index
    %swap3A_565 = arith.constant 32 : index
    %swap3A_566 = tpu.vector_load %arg6[%swap3A_563, %swap3A_564, %swap3A_565] {strides = array<i32>} : memref<157x2x128xi32, #tpu.memory_space<vmem>>, vector<1x1x16xi32>,
    %swap3A_567 = vector.shape_cast %swap3A_566 : vector<1x1x16xi32> to vector<16xi32>
    %swap3A_568 = vector.shape_cast %add3A_560 : vector<16xi32> to vector<1x1x16xi32>
    tpu.vector_store %arg6[%swap3A_563, %swap3A_564, %swap3A_565], %swap3A_568 {strides = array<i32>} : memref<157x2x128xi32, #tpu.memory_space<vmem>>, vector<1x1x16xi32>,
    %get3A_569 = arith.constant 3 : i32
    %get3A_570 = arith.constant 0 : i32
    %get3A_571 = arith.index_cast %get3A_569 : i32 to index
    %get3A_572 = arith.index_cast %get3A_570 : i32 to index
    %get3A_573 = arith.constant 48 : index
    %get3A_574 = tpu.vector_load %arg6[%get3A_571, %get3A_572, %get3A_573] {strides = array<i32>} : memref<157x2x128xi32, #tpu.memory_space<vmem>>, vector<1x1x16xi32>,
    %get3A_575 = vector.shape_cast %get3A_574 : vector<1x1x16xi32> to vector<16xi32>
    %add3A_576 = arith.addi %get3A_575, %get3A_575 : vector<16xi32>
    %add3A_577 = arith.addi %add3A_576, %broadcast_in_dim3A_83 : vector<16xi32>
    %swap3A_578 = arith.constant 3 : i32
    %swap3A_579 = arith.constant 0 : i32
    %swap3A_580 = arith.index_cast %swap3A_578 : i32 to index
    %swap3A_581 = arith.index_cast %swap3A_579 : i32 to index
    %swap3A_582 = arith.constant 48 : index
    %swap3A_583 = tpu.vector_load %arg6[%swap3A_580, %swap3A_581, %swap3A_582] {strides = array<i32>} : memref<157x2x128xi32, #tpu.memory_space<vmem>>, vector<1x1x16xi32>,
    %swap3A_584 = vector.shape_cast %swap3A_583 : vector<1x1x16xi32> to vector<16xi32>
    %swap3A_585 = vector.shape_cast %add3A_577 : vector<16xi32> to vector<1x1x16xi32>
    tpu.vector_store %arg6[%swap3A_580, %swap3A_581, %swap3A_582], %swap3A_585 {strides = array<i32>} : memref<157x2x128xi32, #tpu.memory_space<vmem>>, vector<1x1x16xi32>,
    %get3A_586 = arith.constant 3 : i32
    %get3A_587 = arith.constant 0 : i32
    %get3A_588 = arith.index_cast %get3A_586 : i32 to index
    %get3A_589 = arith.index_cast %get3A_587 : i32 to index
    %get3A_590 = arith.constant 64 : index
    %get3A_591 = tpu.vector_load %arg6[%get3A_588, %get3A_589, %get3A_590] {strides = array<i32>} : memref<157x2x128xi32, #tpu.memory_space<vmem>>, vector<1x1x16xi32>,
    %get3A_592 = vector.shape_cast %get3A_591 : vector<1x1x16xi32> to vector<16xi32>
    %add3A_593 = arith.addi %get3A_592, %get3A_592 : vector<16xi32>
    %add3A_594 = arith.addi %add3A_593, %broadcast_in_dim3A_83 : vector<16xi32>
    %swap3A_595 = arith.constant 3 : i32
    %swap3A_596 = arith.constant 0 : i32
    %swap3A_597 = arith.index_cast %swap3A_595 : i32 to index
    %swap3A_598 = arith.index_cast %swap3A_596 : i32 to index
    %swap3A_599 = arith.constant 64 : index
    %swap3A_600 = tpu.vector_load %arg6[%swap3A_597, %swap3A_598, %swap3A_599] {strides = array<i32>} : memref<157x2x128xi32, #tpu.memory_space<vmem>>, vector<1x1x16xi32>,
    %swap3A_601 = vector.shape_cast %swap3A_600 : vector<1x1x16xi32> to vector<16xi32>
    %swap3A_602 = vector.shape_cast %add3A_594 : vector<16xi32> to vector<1x1x16xi32>
    tpu.vector_store %arg6[%swap3A_597, %swap3A_598, %swap3A_599], %swap3A_602 {strides = array<i32>} : memref<157x2x128xi32, #tpu.memory_space<vmem>>, vector<1x1x16xi32>,
    %get3A_603 = arith.constant 3 : i32
    %get3A_604 = arith.constant 0 : i32
    %get3A_605 = arith.index_cast %get3A_603 : i32 to index
    %get3A_606 = arith.index_cast %get3A_604 : i32 to index
    %get3A_607 = arith.constant 80 : index
    %get3A_608 = tpu.vector_load %arg6[%get3A_605, %get3A_606, %get3A_607] {strides = array<i32>} : memref<157x2x128xi32, #tpu.memory_space<vmem>>, vector<1x1x16xi32>,
    %get3A_609 = vector.shape_cast %get3A_608 : vector<1x1x16xi32> to vector<16xi32>
    %add3A_610 = arith.addi %get3A_609, %get3A_609 : vector<16xi32>
    %add3A_611 = arith.addi %add3A_610, %broadcast_in_dim3A_83 : vector<16xi32>
    %swap3A_612 = arith.constant 3 : i32
    %swap3A_613 = arith.constant 0 : i32
    %swap3A_614 = arith.index_cast %swap3A_612 : i32 to index
    %swap3A_615 = arith.index_cast %swap3A_613 : i32 to index
    %swap3A_616 = arith.constant 80 : index
    %swap3A_617 = tpu.vector_load %arg6[%swap3A_614, %swap3A_615, %swap3A_616] {strides = array<i32>} : memref<157x2x128xi32, #tpu.memory_space<vmem>>, vector<1x1x16xi32>,
    %swap3A_618 = vector.shape_cast %swap3A_617 : vector<1x1x16xi32> to vector<16xi32>
    %swap3A_619 = vector.shape_cast %add3A_611 : vector<16xi32> to vector<1x1x16xi32>
    tpu.vector_store %arg6[%swap3A_614, %swap3A_615, %swap3A_616], %swap3A_619 {strides = array<i32>} : memref<157x2x128xi32, #tpu.memory_space<vmem>>, vector<1x1x16xi32>,
    %get3A_620 = arith.constant 3 : i32
    %get3A_621 = arith.constant 0 : i32
    %get3A_622 = arith.index_cast %get3A_620 : i32 to index
    %get3A_623 = arith.index_cast %get3A_621 : i32 to index
    %get3A_624 = arith.constant 96 : index
    %get3A_625 = tpu.vector_load %arg6[%get3A_622, %get3A_623, %get3A_624] {strides = array<i32>} : memref<157x2x128xi32, #tpu.memory_space<vmem>>, vector<1x1x16xi32>,
    %get3A_626 = vector.shape_cast %get3A_625 : vector<1x1x16xi32> to vector<16xi32>
    %add3A_627 = arith.addi %get3A_626, %get3A_626 : vector<16xi32>
    %add3A_628 = arith.addi %add3A_627, %broadcast_in_dim3A_83 : vector<16xi32>
    %swap3A_629 = arith.constant 3 : i32
    %swap3A_630 = arith.constant 0 : i32
    %swap3A_631 = arith.index_cast %swap3A_629 : i32 to index
    %swap3A_632 = arith.index_cast %swap3A_630 : i32 to index
    %swap3A_633 = arith.constant 96 : index
    %swap3A_634 = tpu.vector_load %arg6[%swap3A_631, %swap3A_632, %swap3A_633] {strides = array<i32>} : memref<157x2x128xi32, #tpu.memory_space<vmem>>, vector<1x1x16xi32>,
    %swap3A_635 = vector.shape_cast %swap3A_634 : vector<1x1x16xi32> to vector<16xi32>
    %swap3A_636 = vector.shape_cast %add3A_628 : vector<16xi32> to vector<1x1x16xi32>
    tpu.vector_store %arg6[%swap3A_631, %swap3A_632, %swap3A_633], %swap3A_636 {strides = array<i32>} : memref<157x2x128xi32, #tpu.memory_space<vmem>>, vector<1x1x16xi32>,
    %get3A_637 = arith.constant 3 : i32
    %get3A_638 = arith.constant 0 : i32
    %get3A_639 = arith.index_cast %get3A_637 : i32 to index
    %get3A_640 = arith.index_cast %get3A_638 : i32 to index
    %get3A_641 = arith.constant 112 : index
    %get3A_642 = tpu.vector_load %arg6[%get3A_639, %get3A_640, %get3A_641] {strides = array<i32>} : memref<157x2x128xi32, #tpu.memory_space<vmem>>, vector<1x1x16xi32>,
    %get3A_643 = vector.shape_cast %get3A_642 : vector<1x1x16xi32> to vector<16xi32>
    %add3A_644 = arith.addi %get3A_643, %get3A_643 : vector<16xi32>
    %add3A_645 = arith.addi %add3A_644, %broadcast_in_dim3A_83 : vector<16xi32>
    %swap3A_646 = arith.constant 3 : i32
    %swap3A_647 = arith.constant 0 : i32
    %swap3A_648 = arith.index_cast %swap3A_646 : i32 to index
    %swap3A_649 = arith.index_cast %swap3A_647 : i32 to index
    %swap3A_650 = arith.constant 112 : index
    %swap3A_651 = tpu.vector_load %arg6[%swap3A_648, %swap3A_649, %swap3A_650] {strides = array<i32>} : memref<157x2x128xi32, #tpu.memory_space<vmem>>, vector<1x1x16xi32>,
    %swap3A_652 = vector.shape_cast %swap3A_651 : vector<1x1x16xi32> to vector<16xi32>
    %swap3A_653 = vector.shape_cast %add3A_645 : vector<16xi32> to vector<1x1x16xi32>
    tpu.vector_store %arg6[%swap3A_648, %swap3A_649, %swap3A_650], %swap3A_653 {strides = array<i32>} : memref<157x2x128xi32, #tpu.memory_space<vmem>>, vector<1x1x16xi32>,
    %dma_start3A_654 = arith.constant 3 : i32
    %dma_start3A_655 = arith.constant 0 : i32
    %dma_start3A_656 = arith.constant 0 : i32
    %dma_start3A_657 = tpu.memref_slice %arg6[%dma_start3A_654, %dma_start3A_655, %dma_start3A_656] : memref<157x2x128xi32, #tpu.memory_space<vmem>> -> memref<1x1x128xi32, #tpu.memory_space<vmem>>
    %dma_start3A_658 = tpu.memref_squeeze %dma_start3A_657 : memref<1x1x128xi32, #tpu.memory_space<vmem>> -> memref<128xi32, #tpu.memory_space<vmem>>
    %dma_start3A_659 = arith.constant 0 : i32
    %dma_start3A_660 = arith.constant 0 : i32
    %dma_start3A_661 = tpu.memref_slice %arg2[%dma_start3A_659, %dma_start3A_660] : memref<20000x64xf32, #tpu.memory_space<hbm>> -> memref<20000x64xf32, #tpu.memory_space<hbm>>
    tpu.enqueue_indirect_dma source(%dma_start3A_661 : memref<20000x64xf32, #tpu.memory_space<hbm>>) target(%arg10 : memref<128x64xf32, #tpu.memory_space<vmem>>) offsets(%dma_start3A_658 : memref<128xi32, #tpu.memory_space<vmem>>) semaphore(%arg19 : memref<!tpu.dma_semaphore, #tpu.memory_space<semaphore_mem>>)
    %scan3A_662 = arith.constant 0 : i32
    %scan3A_663 = arith.constant 0 : i32
    %scan3A_664 = arith.constant 39 : i32
    %scan3A_665 = arith.addi %scan3A_663, %scan3A_664 : i32
    %scan3A_666 = arith.constant 1 : i32
    %scan3A_667 = scf.for %scan3A_699 = %scan3A_663 to %scan3A_665 step %scan3A_666 iter_args(%scan3A_700 = %scan3A_662) -> (i32)  : i32 {
      %mul3A_701 = arith.constant 2 : i32
      %mul3A_702 = arith.muli %mul3A_701, %scan3A_699 : i32
      %mul3A_703 = arith.constant 2 : i32
      %mul3A_704 = arith.muli %mul3A_703, %mul3A_702 : i32
      %add3A_705 = arith.constant 0 : i32
      %add3A_706 = arith.addi %mul3A_704, %add3A_705 : i32
      %dma_wait3A = arith.constant 0 : i32
      %dma_wait3A_707 = arith.constant 0 : i32
      %dma_wait3A_708 = tpu.memref_slice %arg6[%add3A_706, %dma_wait3A, %dma_wait3A_707] : memref<157x2x128xi32, #tpu.memory_space<vmem>> -> memref<1x1x128xi32, #tpu.memory_space<vmem>>
      %dma_wait3A_709 = tpu.memref_squeeze %dma_wait3A_708 : memref<1x1x128xi32, #tpu.memory_space<vmem>> -> memref<128xi32, #tpu.memory_space<vmem>>
      %dma_wait3A_710 = arith.constant 0 : i32
      %dma_wait3A_711 = arith.constant 0 : i32
      %dma_wait3A_712 = tpu.memref_slice %arg2[%dma_wait3A_710, %dma_wait3A_711] : memref<20000x64xf32, #tpu.memory_space<hbm>> -> memref<20000x64xf32, #tpu.memory_space<hbm>>
      tpu.wait_indirect_dma semaphore(%arg16 : memref<!tpu.dma_semaphore, #tpu.memory_space<semaphore_mem>>) src(%dma_wait3A_712 : memref<20000x64xf32, #tpu.memory_space<hbm>>) dst(%arg7 : memref<128x64xf32, #tpu.memory_space<vmem>>)
      %dma_start3A_713 = arith.constant 1 : i32
      %dma_start3A_714 = arith.constant 0 : i32
      %dma_start3A_715 = tpu.memref_slice %arg6[%add3A_706, %dma_start3A_713, %dma_start3A_714] : memref<157x2x128xi32, #tpu.memory_space<vmem>> -> memref<1x1x128xi32, #tpu.memory_space<vmem>>
      %dma_start3A_716 = tpu.memref_squeeze %dma_start3A_715 : memref<1x1x128xi32, #tpu.memory_space<vmem>> -> memref<128xi32, #tpu.memory_space<vmem>>
      %dma_start3A_717 = arith.constant 0 : i32
      %dma_start3A_718 = arith.constant 0 : i32
      %dma_start3A_719 = tpu.memref_slice %arg14[%dma_start3A_717, %dma_start3A_718] : memref<10240x64xf32, #tpu.memory_space<vmem_shared>> -> memref<10240x64xf32, #tpu.memory_space<vmem_shared>>
      tpu.enqueue_indirect_dma source(%arg7 : memref<128x64xf32, #tpu.memory_space<vmem>>) target(%dma_start3A_719 : memref<10240x64xf32, #tpu.memory_space<vmem_shared>>) offsets(%dma_start3A_716 : memref<128xi32, #tpu.memory_space<vmem>>) semaphore(%arg20 : memref<!tpu.dma_semaphore, #tpu.memory_space<semaphore_mem>>) {add = true}
      %eq3A = arith.constant 0 : i32
      %eq3A_720 = arith.cmpi eq, %arg0, %eq3A : i32
      %convert_element_type3A_721 = arith.extui %eq3A_720 : i1 to i32
      %cond3A_722 = arith.constant 0 : i32
      %cond3A_723 = arith.cmpi ne, %convert_element_type3A_721, %cond3A_722 : i32
      scf.if %cond3A_723 {
        %dma_start3A_886 = arith.constant 1 : i32
        %dma_start3A_887 = arith.constant 0 : i32
        %dma_start3A_888 = tpu.memref_slice %arg6[%add3A_706, %dma_start3A_886, %dma_start3A_887] : memref<157x2x128xi32, #tpu.memory_space<vmem>> -> memref<1x1x128xi32, #tpu.memory_space<vmem>>
        %dma_start3A_889 = tpu.memref_squeeze %dma_start3A_888 : memref<1x1x128xi32, #tpu.memory_space<vmem>> -> memref<128xi32, #tpu.memory_space<vmem>>
        %dma_start3A_890 = arith.constant 0 : i32
        %dma_start3A_891 = tpu.memref_slice %arg15[%dma_start3A_890] : memref<10240xf32, #tpu.memory_space<vmem_shared>> -> memref<10240xf32, #tpu.memory_space<vmem_shared>>
        tpu.enqueue_indirect_dma source(%arg11 : memref<128xf32, #tpu.memory_space<vmem>>) target(%dma_start3A_891 : memref<10240xf32, #tpu.memory_space<vmem_shared>>) offsets(%dma_start3A_889 : memref<128xi32, #tpu.memory_space<vmem>>) semaphore(%arg24 : memref<!tpu.dma_semaphore, #tpu.memory_space<semaphore_mem>>) {add = true}
      } else {
      }
      %mul3A_724 = arith.constant 2 : i32
      %mul3A_725 = arith.muli %mul3A_724, %mul3A_702 : i32
      %add3A_726 = arith.constant 1 : i32
      %add3A_727 = arith.addi %mul3A_725, %add3A_726 : i32
      %dma_wait3A_728 = arith.constant 0 : i32
      %dma_wait3A_729 = arith.constant 0 : i32
      %dma_wait3A_730 = tpu.memref_slice %arg6[%add3A_727, %dma_wait3A_728, %dma_wait3A_729] : memref<157x2x128xi32, #tpu.memory_space<vmem>> -> memref<1x1x128xi32, #tpu.memory_space<vmem>>
      %dma_wait3A_731 = tpu.memref_squeeze %dma_wait3A_730 : memref<1x1x128xi32, #tpu.memory_space<vmem>> -> memref<128xi32, #tpu.memory_space<vmem>>
      %dma_wait3A_732 = arith.constant 0 : i32
      %dma_wait3A_733 = arith.constant 0 : i32
      %dma_wait3A_734 = tpu.memref_slice %arg2[%dma_wait3A_732, %dma_wait3A_733] : memref<20000x64xf32, #tpu.memory_space<hbm>> -> memref<20000x64xf32, #tpu.memory_space<hbm>>
      tpu.wait_indirect_dma semaphore(%arg17 : memref<!tpu.dma_semaphore, #tpu.memory_space<semaphore_mem>>) src(%dma_wait3A_734 : memref<20000x64xf32, #tpu.memory_space<hbm>>) dst(%arg8 : memref<128x64xf32, #tpu.memory_space<vmem>>)
      %dma_start3A_735 = arith.constant 1 : i32
      %dma_start3A_736 = arith.constant 0 : i32
      %dma_start3A_737 = tpu.memref_slice %arg6[%add3A_727, %dma_start3A_735, %dma_start3A_736] : memref<157x2x128xi32, #tpu.memory_space<vmem>> -> memref<1x1x128xi32, #tpu.memory_space<vmem>>
      %dma_start3A_738 = tpu.memref_squeeze %dma_start3A_737 : memref<1x1x128xi32, #tpu.memory_space<vmem>> -> memref<128xi32, #tpu.memory_space<vmem>>
      %dma_start3A_739 = arith.constant 0 : i32
      %dma_start3A_740 = arith.constant 0 : i32
      %dma_start3A_741 = tpu.memref_slice %arg14[%dma_start3A_739, %dma_start3A_740] : memref<10240x64xf32, #tpu.memory_space<vmem_shared>> -> memref<10240x64xf32, #tpu.memory_space<vmem_shared>>
      tpu.enqueue_indirect_dma source(%arg8 : memref<128x64xf32, #tpu.memory_space<vmem>>) target(%dma_start3A_741 : memref<10240x64xf32, #tpu.memory_space<vmem_shared>>) offsets(%dma_start3A_738 : memref<128xi32, #tpu.memory_space<vmem>>) semaphore(%arg21 : memref<!tpu.dma_semaphore, #tpu.memory_space<semaphore_mem>>) {add = true}
      %eq3A_742 = arith.constant 1 : i32
      %eq3A_743 = arith.cmpi eq, %arg0, %eq3A_742 : i32
      %convert_element_type3A_744 = arith.extui %eq3A_743 : i1 to i32
      %cond3A_745 = arith.constant 0 : i32
      %cond3A_746 = arith.cmpi ne, %convert_element_type3A_744, %cond3A_745 : i32
      scf.if %cond3A_746 {
        %dma_start3A_886 = arith.constant 1 : i32
        %dma_start3A_887 = arith.constant 0 : i32
        %dma_start3A_888 = tpu.memref_slice %arg6[%add3A_727, %dma_start3A_886, %dma_start3A_887] : memref<157x2x128xi32, #tpu.memory_space<vmem>> -> memref<1x1x128xi32, #tpu.memory_space<vmem>>
        %dma_start3A_889 = tpu.memref_squeeze %dma_start3A_888 : memref<1x1x128xi32, #tpu.memory_space<vmem>> -> memref<128xi32, #tpu.memory_space<vmem>>
        %dma_start3A_890 = arith.constant 0 : i32
        %dma_start3A_891 = tpu.memref_slice %arg15[%dma_start3A_890] : memref<10240xf32, #tpu.memory_space<vmem_shared>> -> memref<10240xf32, #tpu.memory_space<vmem_shared>>
        tpu.enqueue_indirect_dma source(%arg11 : memref<128xf32, #tpu.memory_space<vmem>>) target(%dma_start3A_891 : memref<10240xf32, #tpu.memory_space<vmem_shared>>) offsets(%dma_start3A_889 : memref<128xi32, #tpu.memory_space<vmem>>) semaphore(%arg25 : memref<!tpu.dma_semaphore, #tpu.memory_space<semaphore_mem>>) {add = true}
      } else {
      }
      %mul3A_747 = arith.constant 2 : i32
      %mul3A_748 = arith.muli %mul3A_747, %mul3A_702 : i32
      %add3A_749 = arith.constant 0 : i32
      %add3A_750 = arith.addi %mul3A_748, %add3A_749 : i32
      %dma_wait3A_751 = arith.constant 1 : i32
      %dma_wait3A_752 = arith.constant 0 : i32
      %dma_wait3A_753 = tpu.memref_slice %arg6[%add3A_750, %dma_wait3A_751, %dma_wait3A_752] : memref<157x2x128xi32, #tpu.memory_space<vmem>> -> memref<1x1x128xi32, #tpu.memory_space<vmem>>
      %dma_wait3A_754 = tpu.memref_squeeze %dma_wait3A_753 : memref<1x1x128xi32, #tpu.memory_space<vmem>> -> memref<128xi32, #tpu.memory_space<vmem>>
      %dma_wait3A_755 = arith.constant 0 : i32
      %dma_wait3A_756 = arith.constant 0 : i32
      %dma_wait3A_757 = tpu.memref_slice %arg14[%dma_wait3A_755, %dma_wait3A_756] : memref<10240x64xf32, #tpu.memory_space<vmem_shared>> -> memref<10240x64xf32, #tpu.memory_space<vmem_shared>>
      tpu.wait_indirect_dma semaphore(%arg20 : memref<!tpu.dma_semaphore, #tpu.memory_space<semaphore_mem>>) src(%arg7 : memref<128x64xf32, #tpu.memory_space<vmem>>) dst(%dma_wait3A_757 : memref<10240x64xf32, #tpu.memory_space<vmem_shared>>)
      %eq3A_758 = arith.constant 0 : i32
      %eq3A_759 = arith.cmpi eq, %arg0, %eq3A_758 : i32
      %convert_element_type3A_760 = arith.extui %eq3A_759 : i1 to i32
      %cond3A_761 = arith.constant 0 : i32
      %cond3A_762 = arith.cmpi ne, %convert_element_type3A_760, %cond3A_761 : i32
      scf.if %cond3A_762 {
        %dma_wait3A_886 = arith.constant 1 : i32
        %dma_wait3A_887 = arith.constant 0 : i32
        %dma_wait3A_888 = tpu.memref_slice %arg6[%add3A_750, %dma_wait3A_886, %dma_wait3A_887] : memref<157x2x128xi32, #tpu.memory_space<vmem>> -> memref<1x1x128xi32, #tpu.memory_space<vmem>>
        %dma_wait3A_889 = tpu.memref_squeeze %dma_wait3A_888 : memref<1x1x128xi32, #tpu.memory_space<vmem>> -> memref<128xi32, #tpu.memory_space<vmem>>
        %dma_wait3A_890 = arith.constant 0 : i32
        %dma_wait3A_891 = tpu.memref_slice %arg15[%dma_wait3A_890] : memref<10240xf32, #tpu.memory_space<vmem_shared>> -> memref<10240xf32, #tpu.memory_space<vmem_shared>>
        tpu.wait_indirect_dma semaphore(%arg24 : memref<!tpu.dma_semaphore, #tpu.memory_space<semaphore_mem>>) src(%arg11 : memref<128xf32, #tpu.memory_space<vmem>>) dst(%dma_wait3A_891 : memref<10240xf32, #tpu.memory_space<vmem_shared>>)
      } else {
      }
      %add3A_763 = arith.constant 4 : i32
      %add3A_764 = arith.addi %add3A_750, %add3A_763 : i32
      %lt3A_765 = arith.cmpi slt, %add3A_764, %select_n3A_87 : i32
      %convert_element_type3A_766 = arith.extui %lt3A_765 : i1 to i32
      %cond3A_767 = arith.constant 0 : i32
      %cond3A_768 = arith.cmpi ne, %convert_element_type3A_766, %cond3A_767 : i32
      scf.if %cond3A_768 {
        %add3A_886 = arith.constant 4 : i32
        %add3A_887 = arith.addi %add3A_750, %add3A_886 : i32
        %get3A_888 = arith.constant 0 : i32
        %get3A_889 = arith.index_cast %add3A_887 : i32 to index
        %get3A_890 = arith.index_cast %get3A_888 : i32 to index
        %get3A_891 = arith.constant 0 : index
        %get3A_892 = tpu.vector_load %arg6[%get3A_889, %get3A_890, %get3A_891] {strides = array<i32>} : memref<157x2x128xi32, #tpu.memory_space<vmem>>, vector<1x1x16xi32>,
        %get3A_893 = vector.shape_cast %get3A_892 : vector<1x1x16xi32> to vector<16xi32>
        %add3A_894 = arith.addi %get3A_893, %get3A_893 : vector<16xi32>
        %add3A_895 = arith.addi %add3A_894, %broadcast_in_dim3A_83 : vector<16xi32>
        %swap3A_896 = arith.constant 0 : i32
        %swap3A_897 = arith.index_cast %add3A_887 : i32 to index
        %swap3A_898 = arith.index_cast %swap3A_896 : i32 to index
        %swap3A_899 = arith.constant 0 : index
        %swap3A_900 = tpu.vector_load %arg6[%swap3A_897, %swap3A_898, %swap3A_899] {strides = array<i32>} : memref<157x2x128xi32, #tpu.memory_space<vmem>>, vector<1x1x16xi32>,
        %swap3A_901 = vector.shape_cast %swap3A_900 : vector<1x1x16xi32> to vector<16xi32>
        %swap3A_902 = vector.shape_cast %add3A_895 : vector<16xi32> to vector<1x1x16xi32>
        tpu.vector_store %arg6[%swap3A_897, %swap3A_898, %swap3A_899], %swap3A_902 {strides = array<i32>} : memref<157x2x128xi32, #tpu.memory_space<vmem>>, vector<1x1x16xi32>,
        %get3A_903 = arith.constant 0 : i32
        %get3A_904 = arith.index_cast %add3A_887 : i32 to index
        %get3A_905 = arith.index_cast %get3A_903 : i32 to index
        %get3A_906 = arith.constant 16 : index
        %get3A_907 = tpu.vector_load %arg6[%get3A_904, %get3A_905, %get3A_906] {strides = array<i32>} : memref<157x2x128xi32, #tpu.memory_space<vmem>>, vector<1x1x16xi32>,
        %get3A_908 = vector.shape_cast %get3A_907 : vector<1x1x16xi32> to vector<16xi32>
        %add3A_909 = arith.addi %get3A_908, %get3A_908 : vector<16xi32>
        %add3A_910 = arith.addi %add3A_909, %broadcast_in_dim3A_83 : vector<16xi32>
        %swap3A_911 = arith.constant 0 : i32
        %swap3A_912 = arith.index_cast %add3A_887 : i32 to index
        %swap3A_913 = arith.index_cast %swap3A_911 : i32 to index
        %swap3A_914 = arith.constant 16 : index
        %swap3A_915 = tpu.vector_load %arg6[%swap3A_912, %swap3A_913, %swap3A_914] {strides = array<i32>} : memref<157x2x128xi32, #tpu.memory_space<vmem>>, vector<1x1x16xi32>,
        %swap3A_916 = vector.shape_cast %swap3A_915 : vector<1x1x16xi32> to vector<16xi32>
        %swap3A_917 = vector.shape_cast %add3A_910 : vector<16xi32> to vector<1x1x16xi32>
        tpu.vector_store %arg6[%swap3A_912, %swap3A_913, %swap3A_914], %swap3A_917 {strides = array<i32>} : memref<157x2x128xi32, #tpu.memory_space<vmem>>, vector<1x1x16xi32>,
        %get3A_918 = arith.constant 0 : i32
        %get3A_919 = arith.index_cast %add3A_887 : i32 to index
        %get3A_920 = arith.index_cast %get3A_918 : i32 to index
        %get3A_921 = arith.constant 32 : index
        %get3A_922 = tpu.vector_load %arg6[%get3A_919, %get3A_920, %get3A_921] {strides = array<i32>} : memref<157x2x128xi32, #tpu.memory_space<vmem>>, vector<1x1x16xi32>,
        %get3A_923 = vector.shape_cast %get3A_922 : vector<1x1x16xi32> to vector<16xi32>
        %add3A_924 = arith.addi %get3A_923, %get3A_923 : vector<16xi32>
        %add3A_925 = arith.addi %add3A_924, %broadcast_in_dim3A_83 : vector<16xi32>
        %swap3A_926 = arith.constant 0 : i32
        %swap3A_927 = arith.index_cast %add3A_887 : i32 to index
        %swap3A_928 = arith.index_cast %swap3A_926 : i32 to index
        %swap3A_929 = arith.constant 32 : index
        %swap3A_930 = tpu.vector_load %arg6[%swap3A_927, %swap3A_928, %swap3A_929] {strides = array<i32>} : memref<157x2x128xi32, #tpu.memory_space<vmem>>, vector<1x1x16xi32>,
        %swap3A_931 = vector.shape_cast %swap3A_930 : vector<1x1x16xi32> to vector<16xi32>
        %swap3A_932 = vector.shape_cast %add3A_925 : vector<16xi32> to vector<1x1x16xi32>
        tpu.vector_store %arg6[%swap3A_927, %swap3A_928, %swap3A_929], %swap3A_932 {strides = array<i32>} : memref<157x2x128xi32, #tpu.memory_space<vmem>>, vector<1x1x16xi32>,
        %get3A_933 = arith.constant 0 : i32
        %get3A_934 = arith.index_cast %add3A_887 : i32 to index
        %get3A_935 = arith.index_cast %get3A_933 : i32 to index
        %get3A_936 = arith.constant 48 : index
        %get3A_937 = tpu.vector_load %arg6[%get3A_934, %get3A_935, %get3A_936] {strides = array<i32>} : memref<157x2x128xi32, #tpu.memory_space<vmem>>, vector<1x1x16xi32>,
        %get3A_938 = vector.shape_cast %get3A_937 : vector<1x1x16xi32> to vector<16xi32>
        %add3A_939 = arith.addi %get3A_938, %get3A_938 : vector<16xi32>
        %add3A_940 = arith.addi %add3A_939, %broadcast_in_dim3A_83 : vector<16xi32>
        %swap3A_941 = arith.constant 0 : i32
        %swap3A_942 = arith.index_cast %add3A_887 : i32 to index
        %swap3A_943 = arith.index_cast %swap3A_941 : i32 to index
        %swap3A_944 = arith.constant 48 : index
        %swap3A_945 = tpu.vector_load %arg6[%swap3A_942, %swap3A_943, %swap3A_944] {strides = array<i32>} : memref<157x2x128xi32, #tpu.memory_space<vmem>>, vector<1x1x16xi32>,
        %swap3A_946 = vector.shape_cast %swap3A_945 : vector<1x1x16xi32> to vector<16xi32>
        %swap3A_947 = vector.shape_cast %add3A_940 : vector<16xi32> to vector<1x1x16xi32>
        tpu.vector_store %arg6[%swap3A_942, %swap3A_943, %swap3A_944], %swap3A_947 {strides = array<i32>} : memref<157x2x128xi32, #tpu.memory_space<vmem>>, vector<1x1x16xi32>,
        %get3A_948 = arith.constant 0 : i32
        %get3A_949 = arith.index_cast %add3A_887 : i32 to index
        %get3A_950 = arith.index_cast %get3A_948 : i32 to index
        %get3A_951 = arith.constant 64 : index
        %get3A_952 = tpu.vector_load %arg6[%get3A_949, %get3A_950, %get3A_951] {strides = array<i32>} : memref<157x2x128xi32, #tpu.memory_space<vmem>>, vector<1x1x16xi32>,
        %get3A_953 = vector.shape_cast %get3A_952 : vector<1x1x16xi32> to vector<16xi32>
        %add3A_954 = arith.addi %get3A_953, %get3A_953 : vector<16xi32>
        %add3A_955 = arith.addi %add3A_954, %broadcast_in_dim3A_83 : vector<16xi32>
        %swap3A_956 = arith.constant 0 : i32
        %swap3A_957 = arith.index_cast %add3A_887 : i32 to index
        %swap3A_958 = arith.index_cast %swap3A_956 : i32 to index
        %swap3A_959 = arith.constant 64 : index
        %swap3A_960 = tpu.vector_load %arg6[%swap3A_957, %swap3A_958, %swap3A_959] {strides = array<i32>} : memref<157x2x128xi32, #tpu.memory_space<vmem>>, vector<1x1x16xi32>,
        %swap3A_961 = vector.shape_cast %swap3A_960 : vector<1x1x16xi32> to vector<16xi32>
        %swap3A_962 = vector.shape_cast %add3A_955 : vector<16xi32> to vector<1x1x16xi32>
        tpu.vector_store %arg6[%swap3A_957, %swap3A_958, %swap3A_959], %swap3A_962 {strides = array<i32>} : memref<157x2x128xi32, #tpu.memory_space<vmem>>, vector<1x1x16xi32>,
        %get3A_963 = arith.constant 0 : i32
        %get3A_964 = arith.index_cast %add3A_887 : i32 to index
        %get3A_965 = arith.index_cast %get3A_963 : i32 to index
        %get3A_966 = arith.constant 80 : index
        %get3A_967 = tpu.vector_load %arg6[%get3A_964, %get3A_965, %get3A_966] {strides = array<i32>} : memref<157x2x128xi32, #tpu.memory_space<vmem>>, vector<1x1x16xi32>,
        %get3A_968 = vector.shape_cast %get3A_967 : vector<1x1x16xi32> to vector<16xi32>
        %add3A_969 = arith.addi %get3A_968, %get3A_968 : vector<16xi32>
        %add3A_970 = arith.addi %add3A_969, %broadcast_in_dim3A_83 : vector<16xi32>
        %swap3A_971 = arith.constant 0 : i32
        %swap3A_972 = arith.index_cast %add3A_887 : i32 to index
        %swap3A_973 = arith.index_cast %swap3A_971 : i32 to index
        %swap3A_974 = arith.constant 80 : index
        %swap3A_975 = tpu.vector_load %arg6[%swap3A_972, %swap3A_973, %swap3A_974] {strides = array<i32>} : memref<157x2x128xi32, #tpu.memory_space<vmem>>, vector<1x1x16xi32>,
        %swap3A_976 = vector.shape_cast %swap3A_975 : vector<1x1x16xi32> to vector<16xi32>
        %swap3A_977 = vector.shape_cast %add3A_970 : vector<16xi32> to vector<1x1x16xi32>
        tpu.vector_store %arg6[%swap3A_972, %swap3A_973, %swap3A_974], %swap3A_977 {strides = array<i32>} : memref<157x2x128xi32, #tpu.memory_space<vmem>>, vector<1x1x16xi32>,
        %get3A_978 = arith.constant 0 : i32
        %get3A_979 = arith.index_cast %add3A_887 : i32 to index
        %get3A_980 = arith.index_cast %get3A_978 : i32 to index
        %get3A_981 = arith.constant 96 : index
        %get3A_982 = tpu.vector_load %arg6[%get3A_979, %get3A_980, %get3A_981] {strides = array<i32>} : memref<157x2x128xi32, #tpu.memory_space<vmem>>, vector<1x1x16xi32>,
        %get3A_983 = vector.shape_cast %get3A_982 : vector<1x1x16xi32> to vector<16xi32>
        %add3A_984 = arith.addi %get3A_983, %get3A_983 : vector<16xi32>
        %add3A_985 = arith.addi %add3A_984, %broadcast_in_dim3A_83 : vector<16xi32>
        %swap3A_986 = arith.constant 0 : i32
        %swap3A_987 = arith.index_cast %add3A_887 : i32 to index
        %swap3A_988 = arith.index_cast %swap3A_986 : i32 to index
        %swap3A_989 = arith.constant 96 : index
        %swap3A_990 = tpu.vector_load %arg6[%swap3A_987, %swap3A_988, %swap3A_989] {strides = array<i32>} : memref<157x2x128xi32, #tpu.memory_space<vmem>>, vector<1x1x16xi32>,
        %swap3A_991 = vector.shape_cast %swap3A_990 : vector<1x1x16xi32> to vector<16xi32>
        %swap3A_992 = vector.shape_cast %add3A_985 : vector<16xi32> to vector<1x1x16xi32>
        tpu.vector_store %arg6[%swap3A_987, %swap3A_988, %swap3A_989], %swap3A_992 {strides = array<i32>} : memref<157x2x128xi32, #tpu.memory_space<vmem>>, vector<1x1x16xi32>,
        %get3A_993 = arith.constant 0 : i32
        %get3A_994 = arith.index_cast %add3A_887 : i32 to index
        %get3A_995 = arith.index_cast %get3A_993 : i32 to index
        %get3A_996 = arith.constant 112 : index
        %get3A_997 = tpu.vector_load %arg6[%get3A_994, %get3A_995, %get3A_996] {strides = array<i32>} : memref<157x2x128xi32, #tpu.memory_space<vmem>>, vector<1x1x16xi32>,
        %get3A_998 = vector.shape_cast %get3A_997 : vector<1x1x16xi32> to vector<16xi32>
        %add3A_999 = arith.addi %get3A_998, %get3A_998 : vector<16xi32>
        %add3A_1000 = arith.addi %add3A_999, %broadcast_in_dim3A_83 : vector<16xi32>
        %swap3A_1001 = arith.constant 0 : i32
        %swap3A_1002 = arith.index_cast %add3A_887 : i32 to index
        %swap3A_1003 = arith.index_cast %swap3A_1001 : i32 to index
        %swap3A_1004 = arith.constant 112 : index
        %swap3A_1005 = tpu.vector_load %arg6[%swap3A_1002, %swap3A_1003, %swap3A_1004] {strides = array<i32>} : memref<157x2x128xi32, #tpu.memory_space<vmem>>, vector<1x1x16xi32>,
        %swap3A_1006 = vector.shape_cast %swap3A_1005 : vector<1x1x16xi32> to vector<16xi32>
        %swap3A_1007 = vector.shape_cast %add3A_1000 : vector<16xi32> to vector<1x1x16xi32>
        tpu.vector_store %arg6[%swap3A_1002, %swap3A_1003, %swap3A_1004], %swap3A_1007 {strides = array<i32>} : memref<157x2x128xi32, #tpu.memory_space<vmem>>, vector<1x1x16xi32>,
        %dma_start3A_1008 = arith.constant 0 : i32
        %dma_start3A_1009 = arith.constant 0 : i32
        %dma_start3A_1010 = tpu.memref_slice %arg6[%add3A_887, %dma_start3A_1008, %dma_start3A_1009] : memref<157x2x128xi32, #tpu.memory_space<vmem>> -> memref<1x1x128xi32, #tpu.memory_space<vmem>>
        %dma_start3A_1011 = tpu.memref_squeeze %dma_start3A_1010 : memref<1x1x128xi32, #tpu.memory_space<vmem>> -> memref<128xi32, #tpu.memory_space<vmem>>
        %dma_start3A_1012 = arith.constant 0 : i32
        %dma_start3A_1013 = arith.constant 0 : i32
        %dma_start3A_1014 = tpu.memref_slice %arg2[%dma_start3A_1012, %dma_start3A_1013] : memref<20000x64xf32, #tpu.memory_space<hbm>> -> memref<20000x64xf32, #tpu.memory_space<hbm>>
        tpu.enqueue_indirect_dma source(%dma_start3A_1014 : memref<20000x64xf32, #tpu.memory_space<hbm>>) target(%arg7 : memref<128x64xf32, #tpu.memory_space<vmem>>) offsets(%dma_start3A_1011 : memref<128xi32, #tpu.memory_space<vmem>>) semaphore(%arg16 : memref<!tpu.dma_semaphore, #tpu.memory_space<semaphore_mem>>)
      } else {
      }
      %mul3A_769 = arith.constant 2 : i32
      %mul3A_770 = arith.muli %mul3A_769, %mul3A_702 : i32
      %add3A_771 = arith.constant 1 : i32
      %add3A_772 = arith.addi %mul3A_770, %add3A_771 : i32
      %dma_wait3A_773 = arith.constant 1 : i32
      %dma_wait3A_774 = arith.constant 0 : i32
      %dma_wait3A_775 = tpu.memref_slice %arg6[%add3A_772, %dma_wait3A_773, %dma_wait3A_774] : memref<157x2x128xi32, #tpu.memory_space<vmem>> -> memref<1x1x128xi32, #tpu.memory_space<vmem>>
      %dma_wait3A_776 = tpu.memref_squeeze %dma_wait3A_775 : memref<1x1x128xi32, #tpu.memory_space<vmem>> -> memref<128xi32, #tpu.memory_space<vmem>>
      %dma_wait3A_777 = arith.constant 0 : i32
      %dma_wait3A_778 = arith.constant 0 : i32
      %dma_wait3A_779 = tpu.memref_slice %arg14[%dma_wait3A_777, %dma_wait3A_778] : memref<10240x64xf32, #tpu.memory_space<vmem_shared>> -> memref<10240x64xf32, #tpu.memory_space<vmem_shared>>
      tpu.wait_indirect_dma semaphore(%arg21 : memref<!tpu.dma_semaphore, #tpu.memory_space<semaphore_mem>>) src(%arg8 : memref<128x64xf32, #tpu.memory_space<vmem>>) dst(%dma_wait3A_779 : memref<10240x64xf32, #tpu.memory_space<vmem_shared>>)
      %eq3A_780 = arith.constant 1 : i32
      %eq3A_781 = arith.cmpi eq, %arg0, %eq3A_780 : i32
      %convert_element_type3A_782 = arith.extui %eq3A_781 : i1 to i32
      %cond3A_783 = arith.constant 0 : i32
      %cond3A_784 = arith.cmpi ne, %convert_element_type3A_782, %cond3A_783 : i32
      scf.if %cond3A_784 {
        %dma_wait3A_886 = arith.constant 1 : i32
        %dma_wait3A_887 = arith.constant 0 : i32
        %dma_wait3A_888 = tpu.memref_slice %arg6[%add3A_772, %dma_wait3A_886, %dma_wait3A_887] : memref<157x2x128xi32, #tpu.memory_space<vmem>> -> memref<1x1x128xi32, #tpu.memory_space<vmem>>
        %dma_wait3A_889 = tpu.memref_squeeze %dma_wait3A_888 : memref<1x1x128xi32, #tpu.memory_space<vmem>> -> memref<128xi32, #tpu.memory_space<vmem>>
        %dma_wait3A_890 = arith.constant 0 : i32
        %dma_wait3A_891 = tpu.memref_slice %arg15[%dma_wait3A_890] : memref<10240xf32, #tpu.memory_space<vmem_shared>> -> memref<10240xf32, #tpu.memory_space<vmem_shared>>
        tpu.wait_indirect_dma semaphore(%arg25 : memref<!tpu.dma_semaphore, #tpu.memory_space<semaphore_mem>>) src(%arg11 : memref<128xf32, #tpu.memory_space<vmem>>) dst(%dma_wait3A_891 : memref<10240xf32, #tpu.memory_space<vmem_shared>>)
      } else {
      }
      %add3A_785 = arith.constant 4 : i32
      %add3A_786 = arith.addi %add3A_772, %add3A_785 : i32
      %lt3A_787 = arith.cmpi slt, %add3A_786, %select_n3A_87 : i32
      %convert_element_type3A_788 = arith.extui %lt3A_787 : i1 to i32
      %cond3A_789 = arith.constant 0 : i32
      %cond3A_790 = arith.cmpi ne, %convert_element_type3A_788, %cond3A_789 : i32
      scf.if %cond3A_790 {
        %add3A_886 = arith.constant 4 : i32
        %add3A_887 = arith.addi %add3A_772, %add3A_886 : i32
        %get3A_888 = arith.constant 0 : i32
        %get3A_889 = arith.index_cast %add3A_887 : i32 to index
        %get3A_890 = arith.index_cast %get3A_888 : i32 to index
        %get3A_891 = arith.constant 0 : index
        %get3A_892 = tpu.vector_load %arg6[%get3A_889, %get3A_890, %get3A_891] {strides = array<i32>} : memref<157x2x128xi32, #tpu.memory_space<vmem>>, vector<1x1x16xi32>,
        %get3A_893 = vector.shape_cast %get3A_892 : vector<1x1x16xi32> to vector<16xi32>
        %add3A_894 = arith.addi %get3A_893, %get3A_893 : vector<16xi32>
        %add3A_895 = arith.addi %add3A_894, %broadcast_in_dim3A_83 : vector<16xi32>
        %swap3A_896 = arith.constant 0 : i32
        %swap3A_897 = arith.index_cast %add3A_887 : i32 to index
        %swap3A_898 = arith.index_cast %swap3A_896 : i32 to index
        %swap3A_899 = arith.constant 0 : index
        %swap3A_900 = tpu.vector_load %arg6[%swap3A_897, %swap3A_898, %swap3A_899] {strides = array<i32>} : memref<157x2x128xi32, #tpu.memory_space<vmem>>, vector<1x1x16xi32>,
        %swap3A_901 = vector.shape_cast %swap3A_900 : vector<1x1x16xi32> to vector<16xi32>
        %swap3A_902 = vector.shape_cast %add3A_895 : vector<16xi32> to vector<1x1x16xi32>
        tpu.vector_store %arg6[%swap3A_897, %swap3A_898, %swap3A_899], %swap3A_902 {strides = array<i32>} : memref<157x2x128xi32, #tpu.memory_space<vmem>>, vector<1x1x16xi32>,
        %get3A_903 = arith.constant 0 : i32
        %get3A_904 = arith.index_cast %add3A_887 : i32 to index
        %get3A_905 = arith.index_cast %get3A_903 : i32 to index
        %get3A_906 = arith.constant 16 : index
        %get3A_907 = tpu.vector_load %arg6[%get3A_904, %get3A_905, %get3A_906] {strides = array<i32>} : memref<157x2x128xi32, #tpu.memory_space<vmem>>, vector<1x1x16xi32>,
        %get3A_908 = vector.shape_cast %get3A_907 : vector<1x1x16xi32> to vector<16xi32>
        %add3A_909 = arith.addi %get3A_908, %get3A_908 : vector<16xi32>
        %add3A_910 = arith.addi %add3A_909, %broadcast_in_dim3A_83 : vector<16xi32>
        %swap3A_911 = arith.constant 0 : i32
        %swap3A_912 = arith.index_cast %add3A_887 : i32 to index
        %swap3A_913 = arith.index_cast %swap3A_911 : i32 to index
        %swap3A_914 = arith.constant 16 : index
        %swap3A_915 = tpu.vector_load %arg6[%swap3A_912, %swap3A_913, %swap3A_914] {strides = array<i32>} : memref<157x2x128xi32, #tpu.memory_space<vmem>>, vector<1x1x16xi32>,
        %swap3A_916 = vector.shape_cast %swap3A_915 : vector<1x1x16xi32> to vector<16xi32>
        %swap3A_917 = vector.shape_cast %add3A_910 : vector<16xi32> to vector<1x1x16xi32>
        tpu.vector_store %arg6[%swap3A_912, %swap3A_913, %swap3A_914], %swap3A_917 {strides = array<i32>} : memref<157x2x128xi32, #tpu.memory_space<vmem>>, vector<1x1x16xi32>,
        %get3A_918 = arith.constant 0 : i32
        %get3A_919 = arith.index_cast %add3A_887 : i32 to index
        %get3A_920 = arith.index_cast %get3A_918 : i32 to index
        %get3A_921 = arith.constant 32 : index
        %get3A_922 = tpu.vector_load %arg6[%get3A_919, %get3A_920, %get3A_921] {strides = array<i32>} : memref<157x2x128xi32, #tpu.memory_space<vmem>>, vector<1x1x16xi32>,
        %get3A_923 = vector.shape_cast %get3A_922 : vector<1x1x16xi32> to vector<16xi32>
        %add3A_924 = arith.addi %get3A_923, %get3A_923 : vector<16xi32>
        %add3A_925 = arith.addi %add3A_924, %broadcast_in_dim3A_83 : vector<16xi32>
        %swap3A_926 = arith.constant 0 : i32
        %swap3A_927 = arith.index_cast %add3A_887 : i32 to index
        %swap3A_928 = arith.index_cast %swap3A_926 : i32 to index
        %swap3A_929 = arith.constant 32 : index
        %swap3A_930 = tpu.vector_load %arg6[%swap3A_927, %swap3A_928, %swap3A_929] {strides = array<i32>} : memref<157x2x128xi32, #tpu.memory_space<vmem>>, vector<1x1x16xi32>,
        %swap3A_931 = vector.shape_cast %swap3A_930 : vector<1x1x16xi32> to vector<16xi32>
        %swap3A_932 = vector.shape_cast %add3A_925 : vector<16xi32> to vector<1x1x16xi32>
        tpu.vector_store %arg6[%swap3A_927, %swap3A_928, %swap3A_929], %swap3A_932 {strides = array<i32>} : memref<157x2x128xi32, #tpu.memory_space<vmem>>, vector<1x1x16xi32>,
        %get3A_933 = arith.constant 0 : i32
        %get3A_934 = arith.index_cast %add3A_887 : i32 to index
        %get3A_935 = arith.index_cast %get3A_933 : i32 to index
        %get3A_936 = arith.constant 48 : index
        %get3A_937 = tpu.vector_load %arg6[%get3A_934, %get3A_935, %get3A_936] {strides = array<i32>} : memref<157x2x128xi32, #tpu.memory_space<vmem>>, vector<1x1x16xi32>,
        %get3A_938 = vector.shape_cast %get3A_937 : vector<1x1x16xi32> to vector<16xi32>
        %add3A_939 = arith.addi %get3A_938, %get3A_938 : vector<16xi32>
        %add3A_940 = arith.addi %add3A_939, %broadcast_in_dim3A_83 : vector<16xi32>
        %swap3A_941 = arith.constant 0 : i32
        %swap3A_942 = arith.index_cast %add3A_887 : i32 to index
        %swap3A_943 = arith.index_cast %swap3A_941 : i32 to index
        %swap3A_944 = arith.constant 48 : index
        %swap3A_945 = tpu.vector_load %arg6[%swap3A_942, %swap3A_943, %swap3A_944] {strides = array<i32>} : memref<157x2x128xi32, #tpu.memory_space<vmem>>, vector<1x1x16xi32>,
        %swap3A_946 = vector.shape_cast %swap3A_945 : vector<1x1x16xi32> to vector<16xi32>
        %swap3A_947 = vector.shape_cast %add3A_940 : vector<16xi32> to vector<1x1x16xi32>
        tpu.vector_store %arg6[%swap3A_942, %swap3A_943, %swap3A_944], %swap3A_947 {strides = array<i32>} : memref<157x2x128xi32, #tpu.memory_space<vmem>>, vector<1x1x16xi32>,
        %get3A_948 = arith.constant 0 : i32
        %get3A_949 = arith.index_cast %add3A_887 : i32 to index
        %get3A_950 = arith.index_cast %get3A_948 : i32 to index
        %get3A_951 = arith.constant 64 : index
        %get3A_952 = tpu.vector_load %arg6[%get3A_949, %get3A_950, %get3A_951] {strides = array<i32>} : memref<157x2x128xi32, #tpu.memory_space<vmem>>, vector<1x1x16xi32>,
        %get3A_953 = vector.shape_cast %get3A_952 : vector<1x1x16xi32> to vector<16xi32>
        %add3A_954 = arith.addi %get3A_953, %get3A_953 : vector<16xi32>
        %add3A_955 = arith.addi %add3A_954, %broadcast_in_dim3A_83 : vector<16xi32>
        %swap3A_956 = arith.constant 0 : i32
        %swap3A_957 = arith.index_cast %add3A_887 : i32 to index
        %swap3A_958 = arith.index_cast %swap3A_956 : i32 to index
        %swap3A_959 = arith.constant 64 : index
        %swap3A_960 = tpu.vector_load %arg6[%swap3A_957, %swap3A_958, %swap3A_959] {strides = array<i32>} : memref<157x2x128xi32, #tpu.memory_space<vmem>>, vector<1x1x16xi32>,
        %swap3A_961 = vector.shape_cast %swap3A_960 : vector<1x1x16xi32> to vector<16xi32>
        %swap3A_962 = vector.shape_cast %add3A_955 : vector<16xi32> to vector<1x1x16xi32>
        tpu.vector_store %arg6[%swap3A_957, %swap3A_958, %swap3A_959], %swap3A_962 {strides = array<i32>} : memref<157x2x128xi32, #tpu.memory_space<vmem>>, vector<1x1x16xi32>,
        %get3A_963 = arith.constant 0 : i32
        %get3A_964 = arith.index_cast %add3A_887 : i32 to index
        %get3A_965 = arith.index_cast %get3A_963 : i32 to index
        %get3A_966 = arith.constant 80 : index
        %get3A_967 = tpu.vector_load %arg6[%get3A_964, %get3A_965, %get3A_966] {strides = array<i32>} : memref<157x2x128xi32, #tpu.memory_space<vmem>>, vector<1x1x16xi32>,
        %get3A_968 = vector.shape_cast %get3A_967 : vector<1x1x16xi32> to vector<16xi32>
        %add3A_969 = arith.addi %get3A_968, %get3A_968 : vector<16xi32>
        %add3A_970 = arith.addi %add3A_969, %broadcast_in_dim3A_83 : vector<16xi32>
        %swap3A_971 = arith.constant 0 : i32
        %swap3A_972 = arith.index_cast %add3A_887 : i32 to index
        %swap3A_973 = arith.index_cast %swap3A_971 : i32 to index
        %swap3A_974 = arith.constant 80 : index
        %swap3A_975 = tpu.vector_load %arg6[%swap3A_972, %swap3A_973, %swap3A_974] {strides = array<i32>} : memref<157x2x128xi32, #tpu.memory_space<vmem>>, vector<1x1x16xi32>,
        %swap3A_976 = vector.shape_cast %swap3A_975 : vector<1x1x16xi32> to vector<16xi32>
        %swap3A_977 = vector.shape_cast %add3A_970 : vector<16xi32> to vector<1x1x16xi32>
        tpu.vector_store %arg6[%swap3A_972, %swap3A_973, %swap3A_974], %swap3A_977 {strides = array<i32>} : memref<157x2x128xi32, #tpu.memory_space<vmem>>, vector<1x1x16xi32>,
        %get3A_978 = arith.constant 0 : i32
        %get3A_979 = arith.index_cast %add3A_887 : i32 to index
        %get3A_980 = arith.index_cast %get3A_978 : i32 to index
        %get3A_981 = arith.constant 96 : index
        %get3A_982 = tpu.vector_load %arg6[%get3A_979, %get3A_980, %get3A_981] {strides = array<i32>} : memref<157x2x128xi32, #tpu.memory_space<vmem>>, vector<1x1x16xi32>,
        %get3A_983 = vector.shape_cast %get3A_982 : vector<1x1x16xi32> to vector<16xi32>
        %add3A_984 = arith.addi %get3A_983, %get3A_983 : vector<16xi32>
        %add3A_985 = arith.addi %add3A_984, %broadcast_in_dim3A_83 : vector<16xi32>
        %swap3A_986 = arith.constant 0 : i32
        %swap3A_987 = arith.index_cast %add3A_887 : i32 to index
        %swap3A_988 = arith.index_cast %swap3A_986 : i32 to index
        %swap3A_989 = arith.constant 96 : index
        %swap3A_990 = tpu.vector_load %arg6[%swap3A_987, %swap3A_988, %swap3A_989] {strides = array<i32>} : memref<157x2x128xi32, #tpu.memory_space<vmem>>, vector<1x1x16xi32>,
        %swap3A_991 = vector.shape_cast %swap3A_990 : vector<1x1x16xi32> to vector<16xi32>
        %swap3A_992 = vector.shape_cast %add3A_985 : vector<16xi32> to vector<1x1x16xi32>
        tpu.vector_store %arg6[%swap3A_987, %swap3A_988, %swap3A_989], %swap3A_992 {strides = array<i32>} : memref<157x2x128xi32, #tpu.memory_space<vmem>>, vector<1x1x16xi32>,
        %get3A_993 = arith.constant 0 : i32
        %get3A_994 = arith.index_cast %add3A_887 : i32 to index
        %get3A_995 = arith.index_cast %get3A_993 : i32 to index
        %get3A_996 = arith.constant 112 : index
        %get3A_997 = tpu.vector_load %arg6[%get3A_994, %get3A_995, %get3A_996] {strides = array<i32>} : memref<157x2x128xi32, #tpu.memory_space<vmem>>, vector<1x1x16xi32>,
        %get3A_998 = vector.shape_cast %get3A_997 : vector<1x1x16xi32> to vector<16xi32>
        %add3A_999 = arith.addi %get3A_998, %get3A_998 : vector<16xi32>
        %add3A_1000 = arith.addi %add3A_999, %broadcast_in_dim3A_83 : vector<16xi32>
        %swap3A_1001 = arith.constant 0 : i32
        %swap3A_1002 = arith.index_cast %add3A_887 : i32 to index
        %swap3A_1003 = arith.index_cast %swap3A_1001 : i32 to index
        %swap3A_1004 = arith.constant 112 : index
        %swap3A_1005 = tpu.vector_load %arg6[%swap3A_1002, %swap3A_1003, %swap3A_1004] {strides = array<i32>} : memref<157x2x128xi32, #tpu.memory_space<vmem>>, vector<1x1x16xi32>,
        %swap3A_1006 = vector.shape_cast %swap3A_1005 : vector<1x1x16xi32> to vector<16xi32>
        %swap3A_1007 = vector.shape_cast %add3A_1000 : vector<16xi32> to vector<1x1x16xi32>
        tpu.vector_store %arg6[%swap3A_1002, %swap3A_1003, %swap3A_1004], %swap3A_1007 {strides = array<i32>} : memref<157x2x128xi32, #tpu.memory_space<vmem>>, vector<1x1x16xi32>,
        %dma_start3A_1008 = arith.constant 0 : i32
        %dma_start3A_1009 = arith.constant 0 : i32
        %dma_start3A_1010 = tpu.memref_slice %arg6[%add3A_887, %dma_start3A_1008, %dma_start3A_1009] : memref<157x2x128xi32, #tpu.memory_space<vmem>> -> memref<1x1x128xi32, #tpu.memory_space<vmem>>
        %dma_start3A_1011 = tpu.memref_squeeze %dma_start3A_1010 : memref<1x1x128xi32, #tpu.memory_space<vmem>> -> memref<128xi32, #tpu.memory_space<vmem>>
        %dma_start3A_1012 = arith.constant 0 : i32
        %dma_start3A_1013 = arith.constant 0 : i32
        %dma_start3A_1014 = tpu.memref_slice %arg2[%dma_start3A_1012, %dma_start3A_1013] : memref<20000x64xf32, #tpu.memory_space<hbm>> -> memref<20000x64xf32, #tpu.memory_space<hbm>>
        tpu.enqueue_indirect_dma source(%dma_start3A_1014 : memref<20000x64xf32, #tpu.memory_space<hbm>>) target(%arg8 : memref<128x64xf32, #tpu.memory_space<vmem>>) offsets(%dma_start3A_1011 : memref<128xi32, #tpu.memory_space<vmem>>) semaphore(%arg17 : memref<!tpu.dma_semaphore, #tpu.memory_space<semaphore_mem>>)
      } else {
      }
      %mul3A_791 = arith.constant 2 : i32
      %mul3A_792 = arith.muli %mul3A_791, %scan3A_699 : i32
      %add3A_793 = arith.constant 1 : i32
      %add3A_794 = arith.addi %mul3A_792, %add3A_793 : i32
      %mul3A_795 = arith.constant 2 : i32
      %mul3A_796 = arith.muli %mul3A_795, %add3A_794 : i32
      %add3A_797 = arith.constant 0 : i32
      %add3A_798 = arith.addi %mul3A_796, %add3A_797 : i32
      %dma_wait3A_799 = arith.constant 0 : i32
      %dma_wait3A_800 = arith.constant 0 : i32
      %dma_wait3A_801 = tpu.memref_slice %arg6[%add3A_798, %dma_wait3A_799, %dma_wait3A_800] : memref<157x2x128xi32, #tpu.memory_space<vmem>> -> memref<1x1x128xi32, #tpu.memory_space<vmem>>
      %dma_wait3A_802 = tpu.memref_squeeze %dma_wait3A_801 : memref<1x1x128xi32, #tpu.memory_space<vmem>> -> memref<128xi32, #tpu.memory_space<vmem>>
      %dma_wait3A_803 = arith.constant 0 : i32
      %dma_wait3A_804 = arith.constant 0 : i32
      %dma_wait3A_805 = tpu.memref_slice %arg2[%dma_wait3A_803, %dma_wait3A_804] : memref<20000x64xf32, #tpu.memory_space<hbm>> -> memref<20000x64xf32, #tpu.memory_space<hbm>>
      tpu.wait_indirect_dma semaphore(%arg18 : memref<!tpu.dma_semaphore, #tpu.memory_space<semaphore_mem>>) src(%dma_wait3A_805 : memref<20000x64xf32, #tpu.memory_space<hbm>>) dst(%arg9 : memref<128x64xf32, #tpu.memory_space<vmem>>)
      %dma_start3A_806 = arith.constant 1 : i32
      %dma_start3A_807 = arith.constant 0 : i32
      %dma_start3A_808 = tpu.memref_slice %arg6[%add3A_798, %dma_start3A_806, %dma_start3A_807] : memref<157x2x128xi32, #tpu.memory_space<vmem>> -> memref<1x1x128xi32, #tpu.memory_space<vmem>>
      %dma_start3A_809 = tpu.memref_squeeze %dma_start3A_808 : memref<1x1x128xi32, #tpu.memory_space<vmem>> -> memref<128xi32, #tpu.memory_space<vmem>>
      %dma_start3A_810 = arith.constant 0 : i32
      %dma_start3A_811 = arith.constant 0 : i32
      %dma_start3A_812 = tpu.memref_slice %arg14[%dma_start3A_810, %dma_start3A_811] : memref<10240x64xf32, #tpu.memory_space<vmem_shared>> -> memref<10240x64xf32, #tpu.memory_space<vmem_shared>>
      tpu.enqueue_indirect_dma source(%arg9 : memref<128x64xf32, #tpu.memory_space<vmem>>) target(%dma_start3A_812 : memref<10240x64xf32, #tpu.memory_space<vmem_shared>>) offsets(%dma_start3A_809 : memref<128xi32, #tpu.memory_space<vmem>>) semaphore(%arg22 : memref<!tpu.dma_semaphore, #tpu.memory_space<semaphore_mem>>) {add = true}
      %eq3A_813 = arith.constant 0 : i32
      %eq3A_814 = arith.cmpi eq, %arg0, %eq3A_813 : i32
      %convert_element_type3A_815 = arith.extui %eq3A_814 : i1 to i32
      %cond3A_816 = arith.constant 0 : i32
      %cond3A_817 = arith.cmpi ne, %convert_element_type3A_815, %cond3A_816 : i32
      scf.if %cond3A_817 {
        %dma_start3A_886 = arith.constant 1 : i32
        %dma_start3A_887 = arith.constant 0 : i32
        %dma_start3A_888 = tpu.memref_slice %arg6[%add3A_798, %dma_start3A_886, %dma_start3A_887] : memref<157x2x128xi32, #tpu.memory_space<vmem>> -> memref<1x1x128xi32, #tpu.memory_space<vmem>>
        %dma_start3A_889 = tpu.memref_squeeze %dma_start3A_888 : memref<1x1x128xi32, #tpu.memory_space<vmem>> -> memref<128xi32, #tpu.memory_space<vmem>>
        %dma_start3A_890 = arith.constant 0 : i32
        %dma_start3A_891 = tpu.memref_slice %arg15[%dma_start3A_890] : memref<10240xf32, #tpu.memory_space<vmem_shared>> -> memref<10240xf32, #tpu.memory_space<vmem_shared>>
        tpu.enqueue_indirect_dma source(%arg11 : memref<128xf32, #tpu.memory_space<vmem>>) target(%dma_start3A_891 : memref<10240xf32, #tpu.memory_space<vmem_shared>>) offsets(%dma_start3A_889 : memref<128xi32, #tpu.memory_space<vmem>>) semaphore(%arg26 : memref<!tpu.dma_semaphore, #tpu.memory_space<semaphore_mem>>) {add = true}
      } else {
      }
      %mul3A_818 = arith.constant 2 : i32
      %mul3A_819 = arith.muli %mul3A_818, %add3A_794 : i32
      %add3A_820 = arith.constant 1 : i32
      %add3A_821 = arith.addi %mul3A_819, %add3A_820 : i32
      %dma_wait3A_822 = arith.constant 0 : i32
      %dma_wait3A_823 = arith.constant 0 : i32
      %dma_wait3A_824 = tpu.memref_slice %arg6[%add3A_821, %dma_wait3A_822, %dma_wait3A_823] : memref<157x2x128xi32, #tpu.memory_space<vmem>> -> memref<1x1x128xi32, #tpu.memory_space<vmem>>
      %dma_wait3A_825 = tpu.memref_squeeze %dma_wait3A_824 : memref<1x1x128xi32, #tpu.memory_space<vmem>> -> memref<128xi32, #tpu.memory_space<vmem>>
      %dma_wait3A_826 = arith.constant 0 : i32
      %dma_wait3A_827 = arith.constant 0 : i32
      %dma_wait3A_828 = tpu.memref_slice %arg2[%dma_wait3A_826, %dma_wait3A_827] : memref<20000x64xf32, #tpu.memory_space<hbm>> -> memref<20000x64xf32, #tpu.memory_space<hbm>>
      tpu.wait_indirect_dma semaphore(%arg19 : memref<!tpu.dma_semaphore, #tpu.memory_space<semaphore_mem>>) src(%dma_wait3A_828 : memref<20000x64xf32, #tpu.memory_space<hbm>>) dst(%arg10 : memref<128x64xf32, #tpu.memory_space<vmem>>)
      %dma_start3A_829 = arith.constant 1 : i32
      %dma_start3A_830 = arith.constant 0 : i32
      %dma_start3A_831 = tpu.memref_slice %arg6[%add3A_821, %dma_start3A_829, %dma_start3A_830] : memref<157x2x128xi32, #tpu.memory_space<vmem>> -> memref<1x1x128xi32, #tpu.memory_space<vmem>>
      %dma_start3A_832 = tpu.memref_squeeze %dma_start3A_831 : memref<1x1x128xi32, #tpu.memory_space<vmem>> -> memref<128xi32, #tpu.memory_space<vmem>>
      %dma_start3A_833 = arith.constant 0 : i32
      %dma_start3A_834 = arith.constant 0 : i32
      %dma_start3A_835 = tpu.memref_slice %arg14[%dma_start3A_833, %dma_start3A_834] : memref<10240x64xf32, #tpu.memory_space<vmem_shared>> -> memref<10240x64xf32, #tpu.memory_space<vmem_shared>>
      tpu.enqueue_indirect_dma source(%arg10 : memref<128x64xf32, #tpu.memory_space<vmem>>) target(%dma_start3A_835 : memref<10240x64xf32, #tpu.memory_space<vmem_shared>>) offsets(%dma_start3A_832 : memref<128xi32, #tpu.memory_space<vmem>>) semaphore(%arg23 : memref<!tpu.dma_semaphore, #tpu.memory_space<semaphore_mem>>) {add = true}
      %eq3A_836 = arith.constant 1 : i32
      %eq3A_837 = arith.cmpi eq, %arg0, %eq3A_836 : i32
      %convert_element_type3A_838 = arith.extui %eq3A_837 : i1 to i32
      %cond3A_839 = arith.constant 0 : i32
      %cond3A_840 = arith.cmpi ne, %convert_element_type3A_838, %cond3A_839 : i32
      scf.if %cond3A_840 {
        %dma_start3A_886 = arith.constant 1 : i32
        %dma_start3A_887 = arith.constant 0 : i32
        %dma_start3A_888 = tpu.memref_slice %arg6[%add3A_821, %dma_start3A_886, %dma_start3A_887] : memref<157x2x128xi32, #tpu.memory_space<vmem>> -> memref<1x1x128xi32, #tpu.memory_space<vmem>>
        %dma_start3A_889 = tpu.memref_squeeze %dma_start3A_888 : memref<1x1x128xi32, #tpu.memory_space<vmem>> -> memref<128xi32, #tpu.memory_space<vmem>>
        %dma_start3A_890 = arith.constant 0 : i32
        %dma_start3A_891 = tpu.memref_slice %arg15[%dma_start3A_890] : memref<10240xf32, #tpu.memory_space<vmem_shared>> -> memref<10240xf32, #tpu.memory_space<vmem_shared>>
        tpu.enqueue_indirect_dma source(%arg11 : memref<128xf32, #tpu.memory_space<vmem>>) target(%dma_start3A_891 : memref<10240xf32, #tpu.memory_space<vmem_shared>>) offsets(%dma_start3A_889 : memref<128xi32, #tpu.memory_space<vmem>>) semaphore(%arg27 : memref<!tpu.dma_semaphore, #tpu.memory_space<semaphore_mem>>) {add = true}
      } else {
      }
      %mul3A_841 = arith.constant 2 : i32
      %mul3A_842 = arith.muli %mul3A_841, %add3A_794 : i32
      %add3A_843 = arith.constant 0 : i32
      %add3A_844 = arith.addi %mul3A_842, %add3A_843 : i32
      %dma_wait3A_845 = arith.constant 1 : i32
      %dma_wait3A_846 = arith.constant 0 : i32
      %dma_wait3A_847 = tpu.memref_slice %arg6[%add3A_844, %dma_wait3A_845, %dma_wait3A_846] : memref<157x2x128xi32, #tpu.memory_space<vmem>> -> memref<1x1x128xi32, #tpu.memory_space<vmem>>
      %dma_wait3A_848 = tpu.memref_squeeze %dma_wait3A_847 : memref<1x1x128xi32, #tpu.memory_space<vmem>> -> memref<128xi32, #tpu.memory_space<vmem>>
      %dma_wait3A_849 = arith.constant 0 : i32
      %dma_wait3A_850 = arith.constant 0 : i32
      %dma_wait3A_851 = tpu.memref_slice %arg14[%dma_wait3A_849, %dma_wait3A_850] : memref<10240x64xf32, #tpu.memory_space<vmem_shared>> -> memref<10240x64xf32, #tpu.memory_space<vmem_shared>>
      tpu.wait_indirect_dma semaphore(%arg22 : memref<!tpu.dma_semaphore, #tpu.memory_space<semaphore_mem>>) src(%arg9 : memref<128x64xf32, #tpu.memory_space<vmem>>) dst(%dma_wait3A_851 : memref<10240x64xf32, #tpu.memory_space<vmem_shared>>)
      %eq3A_852 = arith.constant 0 : i32
      %eq3A_853 = arith.cmpi eq, %arg0, %eq3A_852 : i32
      %convert_element_type3A_854 = arith.extui %eq3A_853 : i1 to i32
      %cond3A_855 = arith.constant 0 : i32
      %cond3A_856 = arith.cmpi ne, %convert_element_type3A_854, %cond3A_855 : i32
      scf.if %cond3A_856 {
        %dma_wait3A_886 = arith.constant 1 : i32
        %dma_wait3A_887 = arith.constant 0 : i32
        %dma_wait3A_888 = tpu.memref_slice %arg6[%add3A_844, %dma_wait3A_886, %dma_wait3A_887] : memref<157x2x128xi32, #tpu.memory_space<vmem>> -> memref<1x1x128xi32, #tpu.memory_space<vmem>>
        %dma_wait3A_889 = tpu.memref_squeeze %dma_wait3A_888 : memref<1x1x128xi32, #tpu.memory_space<vmem>> -> memref<128xi32, #tpu.memory_space<vmem>>
        %dma_wait3A_890 = arith.constant 0 : i32
        %dma_wait3A_891 = tpu.memref_slice %arg15[%dma_wait3A_890] : memref<10240xf32, #tpu.memory_space<vmem_shared>> -> memref<10240xf32, #tpu.memory_space<vmem_shared>>
        tpu.wait_indirect_dma semaphore(%arg26 : memref<!tpu.dma_semaphore, #tpu.memory_space<semaphore_mem>>) src(%arg11 : memref<128xf32, #tpu.memory_space<vmem>>) dst(%dma_wait3A_891 : memref<10240xf32, #tpu.memory_space<vmem_shared>>)
      } else {
      }
      %add3A_857 = arith.constant 4 : i32
      %add3A_858 = arith.addi %add3A_844, %add3A_857 : i32
      %lt3A_859 = arith.cmpi slt, %add3A_858, %select_n3A_87 : i32
      %convert_element_type3A_860 = arith.extui %lt3A_859 : i1 to i32
      %cond3A_861 = arith.constant 0 : i32
      %cond3A_862 = arith.cmpi ne, %convert_element_type3A_860, %cond3A_861 : i32
      scf.if %cond3A_862 {
        %add3A_886 = arith.constant 4 : i32
        %add3A_887 = arith.addi %add3A_844, %add3A_886 : i32
        %get3A_888 = arith.constant 0 : i32
        %get3A_889 = arith.index_cast %add3A_887 : i32 to index
        %get3A_890 = arith.index_cast %get3A_888 : i32 to index
        %get3A_891 = arith.constant 0 : index
        %get3A_892 = tpu.vector_load %arg6[%get3A_889, %get3A_890, %get3A_891] {strides = array<i32>} : memref<157x2x128xi32, #tpu.memory_space<vmem>>, vector<1x1x16xi32>,
        %get3A_893 = vector.shape_cast %get3A_892 : vector<1x1x16xi32> to vector<16xi32>
        %add3A_894 = arith.addi %get3A_893, %get3A_893 : vector<16xi32>
        %add3A_895 = arith.addi %add3A_894, %broadcast_in_dim3A_83 : vector<16xi32>
        %swap3A_896 = arith.constant 0 : i32
        %swap3A_897 = arith.index_cast %add3A_887 : i32 to index
        %swap3A_898 = arith.index_cast %swap3A_896 : i32 to index
        %swap3A_899 = arith.constant 0 : index
        %swap3A_900 = tpu.vector_load %arg6[%swap3A_897, %swap3A_898, %swap3A_899] {strides = array<i32>} : memref<157x2x128xi32, #tpu.memory_space<vmem>>, vector<1x1x16xi32>,
        %swap3A_901 = vector.shape_cast %swap3A_900 : vector<1x1x16xi32> to vector<16xi32>
        %swap3A_902 = vector.shape_cast %add3A_895 : vector<16xi32> to vector<1x1x16xi32>
        tpu.vector_store %arg6[%swap3A_897, %swap3A_898, %swap3A_899], %swap3A_902 {strides = array<i32>} : memref<157x2x128xi32, #tpu.memory_space<vmem>>, vector<1x1x16xi32>,
        %get3A_903 = arith.constant 0 : i32
        %get3A_904 = arith.index_cast %add3A_887 : i32 to index
        %get3A_905 = arith.index_cast %get3A_903 : i32 to index
        %get3A_906 = arith.constant 16 : index
        %get3A_907 = tpu.vector_load %arg6[%get3A_904, %get3A_905, %get3A_906] {strides = array<i32>} : memref<157x2x128xi32, #tpu.memory_space<vmem>>, vector<1x1x16xi32>,
        %get3A_908 = vector.shape_cast %get3A_907 : vector<1x1x16xi32> to vector<16xi32>
        %add3A_909 = arith.addi %get3A_908, %get3A_908 : vector<16xi32>
        %add3A_910 = arith.addi %add3A_909, %broadcast_in_dim3A_83 : vector<16xi32>
        %swap3A_911 = arith.constant 0 : i32
        %swap3A_912 = arith.index_cast %add3A_887 : i32 to index
        %swap3A_913 = arith.index_cast %swap3A_911 : i32 to index
        %swap3A_914 = arith.constant 16 : index
        %swap3A_915 = tpu.vector_load %arg6[%swap3A_912, %swap3A_913, %swap3A_914] {strides = array<i32>} : memref<157x2x128xi32, #tpu.memory_space<vmem>>, vector<1x1x16xi32>,
        %swap3A_916 = vector.shape_cast %swap3A_915 : vector<1x1x16xi32> to vector<16xi32>
        %swap3A_917 = vector.shape_cast %add3A_910 : vector<16xi32> to vector<1x1x16xi32>
        tpu.vector_store %arg6[%swap3A_912, %swap3A_913, %swap3A_914], %swap3A_917 {strides = array<i32>} : memref<157x2x128xi32, #tpu.memory_space<vmem>>, vector<1x1x16xi32>,
        %get3A_918 = arith.constant 0 : i32
        %get3A_919 = arith.index_cast %add3A_887 : i32 to index
        %get3A_920 = arith.index_cast %get3A_918 : i32 to index
        %get3A_921 = arith.constant 32 : index
        %get3A_922 = tpu.vector_load %arg6[%get3A_919, %get3A_920, %get3A_921] {strides = array<i32>} : memref<157x2x128xi32, #tpu.memory_space<vmem>>, vector<1x1x16xi32>,
        %get3A_923 = vector.shape_cast %get3A_922 : vector<1x1x16xi32> to vector<16xi32>
        %add3A_924 = arith.addi %get3A_923, %get3A_923 : vector<16xi32>
        %add3A_925 = arith.addi %add3A_924, %broadcast_in_dim3A_83 : vector<16xi32>
        %swap3A_926 = arith.constant 0 : i32
        %swap3A_927 = arith.index_cast %add3A_887 : i32 to index
        %swap3A_928 = arith.index_cast %swap3A_926 : i32 to index
        %swap3A_929 = arith.constant 32 : index
        %swap3A_930 = tpu.vector_load %arg6[%swap3A_927, %swap3A_928, %swap3A_929] {strides = array<i32>} : memref<157x2x128xi32, #tpu.memory_space<vmem>>, vector<1x1x16xi32>,
        %swap3A_931 = vector.shape_cast %swap3A_930 : vector<1x1x16xi32> to vector<16xi32>
        %swap3A_932 = vector.shape_cast %add3A_925 : vector<16xi32> to vector<1x1x16xi32>
        tpu.vector_store %arg6[%swap3A_927, %swap3A_928, %swap3A_929], %swap3A_932 {strides = array<i32>} : memref<157x2x128xi32, #tpu.memory_space<vmem>>, vector<1x1x16xi32>,
        %get3A_933 = arith.constant 0 : i32
        %get3A_934 = arith.index_cast %add3A_887 : i32 to index
        %get3A_935 = arith.index_cast %get3A_933 : i32 to index
        %get3A_936 = arith.constant 48 : index
        %get3A_937 = tpu.vector_load %arg6[%get3A_934, %get3A_935, %get3A_936] {strides = array<i32>} : memref<157x2x128xi32, #tpu.memory_space<vmem>>, vector<1x1x16xi32>,
        %get3A_938 = vector.shape_cast %get3A_937 : vector<1x1x16xi32> to vector<16xi32>
        %add3A_939 = arith.addi %get3A_938, %get3A_938 : vector<16xi32>
        %add3A_940 = arith.addi %add3A_939, %broadcast_in_dim3A_83 : vector<16xi32>
        %swap3A_941 = arith.constant 0 : i32
        %swap3A_942 = arith.index_cast %add3A_887 : i32 to index
        %swap3A_943 = arith.index_cast %swap3A_941 : i32 to index
        %swap3A_944 = arith.constant 48 : index
        %swap3A_945 = tpu.vector_load %arg6[%swap3A_942, %swap3A_943, %swap3A_944] {strides = array<i32>} : memref<157x2x128xi32, #tpu.memory_space<vmem>>, vector<1x1x16xi32>,
        %swap3A_946 = vector.shape_cast %swap3A_945 : vector<1x1x16xi32> to vector<16xi32>
        %swap3A_947 = vector.shape_cast %add3A_940 : vector<16xi32> to vector<1x1x16xi32>
        tpu.vector_store %arg6[%swap3A_942, %swap3A_943, %swap3A_944], %swap3A_947 {strides = array<i32>} : memref<157x2x128xi32, #tpu.memory_space<vmem>>, vector<1x1x16xi32>,
        %get3A_948 = arith.constant 0 : i32
        %get3A_949 = arith.index_cast %add3A_887 : i32 to index
        %get3A_950 = arith.index_cast %get3A_948 : i32 to index
        %get3A_951 = arith.constant 64 : index
        %get3A_952 = tpu.vector_load %arg6[%get3A_949, %get3A_950, %get3A_951] {strides = array<i32>} : memref<157x2x128xi32, #tpu.memory_space<vmem>>, vector<1x1x16xi32>,
        %get3A_953 = vector.shape_cast %get3A_952 : vector<1x1x16xi32> to vector<16xi32>
        %add3A_954 = arith.addi %get3A_953, %get3A_953 : vector<16xi32>
        %add3A_955 = arith.addi %add3A_954, %broadcast_in_dim3A_83 : vector<16xi32>
        %swap3A_956 = arith.constant 0 : i32
        %swap3A_957 = arith.index_cast %add3A_887 : i32 to index
        %swap3A_958 = arith.index_cast %swap3A_956 : i32 to index
        %swap3A_959 = arith.constant 64 : index
        %swap3A_960 = tpu.vector_load %arg6[%swap3A_957, %swap3A_958, %swap3A_959] {strides = array<i32>} : memref<157x2x128xi32, #tpu.memory_space<vmem>>, vector<1x1x16xi32>,
        %swap3A_961 = vector.shape_cast %swap3A_960 : vector<1x1x16xi32> to vector<16xi32>
        %swap3A_962 = vector.shape_cast %add3A_955 : vector<16xi32> to vector<1x1x16xi32>
        tpu.vector_store %arg6[%swap3A_957, %swap3A_958, %swap3A_959], %swap3A_962 {strides = array<i32>} : memref<157x2x128xi32, #tpu.memory_space<vmem>>, vector<1x1x16xi32>,
        %get3A_963 = arith.constant 0 : i32
        %get3A_964 = arith.index_cast %add3A_887 : i32 to index
        %get3A_965 = arith.index_cast %get3A_963 : i32 to index
        %get3A_966 = arith.constant 80 : index
        %get3A_967 = tpu.vector_load %arg6[%get3A_964, %get3A_965, %get3A_966] {strides = array<i32>} : memref<157x2x128xi32, #tpu.memory_space<vmem>>, vector<1x1x16xi32>,
        %get3A_968 = vector.shape_cast %get3A_967 : vector<1x1x16xi32> to vector<16xi32>
        %add3A_969 = arith.addi %get3A_968, %get3A_968 : vector<16xi32>
        %add3A_970 = arith.addi %add3A_969, %broadcast_in_dim3A_83 : vector<16xi32>
        %swap3A_971 = arith.constant 0 : i32
        %swap3A_972 = arith.index_cast %add3A_887 : i32 to index
        %swap3A_973 = arith.index_cast %swap3A_971 : i32 to index
        %swap3A_974 = arith.constant 80 : index
        %swap3A_975 = tpu.vector_load %arg6[%swap3A_972, %swap3A_973, %swap3A_974] {strides = array<i32>} : memref<157x2x128xi32, #tpu.memory_space<vmem>>, vector<1x1x16xi32>,
        %swap3A_976 = vector.shape_cast %swap3A_975 : vector<1x1x16xi32> to vector<16xi32>
        %swap3A_977 = vector.shape_cast %add3A_970 : vector<16xi32> to vector<1x1x16xi32>
        tpu.vector_store %arg6[%swap3A_972, %swap3A_973, %swap3A_974], %swap3A_977 {strides = array<i32>} : memref<157x2x128xi32, #tpu.memory_space<vmem>>, vector<1x1x16xi32>,
        %get3A_978 = arith.constant 0 : i32
        %get3A_979 = arith.index_cast %add3A_887 : i32 to index
        %get3A_980 = arith.index_cast %get3A_978 : i32 to index
        %get3A_981 = arith.constant 96 : index
        %get3A_982 = tpu.vector_load %arg6[%get3A_979, %get3A_980, %get3A_981] {strides = array<i32>} : memref<157x2x128xi32, #tpu.memory_space<vmem>>, vector<1x1x16xi32>,
        %get3A_983 = vector.shape_cast %get3A_982 : vector<1x1x16xi32> to vector<16xi32>
        %add3A_984 = arith.addi %get3A_983, %get3A_983 : vector<16xi32>
        %add3A_985 = arith.addi %add3A_984, %broadcast_in_dim3A_83 : vector<16xi32>
        %swap3A_986 = arith.constant 0 : i32
        %swap3A_987 = arith.index_cast %add3A_887 : i32 to index
        %swap3A_988 = arith.index_cast %swap3A_986 : i32 to index
        %swap3A_989 = arith.constant 96 : index
        %swap3A_990 = tpu.vector_load %arg6[%swap3A_987, %swap3A_988, %swap3A_989] {strides = array<i32>} : memref<157x2x128xi32, #tpu.memory_space<vmem>>, vector<1x1x16xi32>,
        %swap3A_991 = vector.shape_cast %swap3A_990 : vector<1x1x16xi32> to vector<16xi32>
        %swap3A_992 = vector.shape_cast %add3A_985 : vector<16xi32> to vector<1x1x16xi32>
        tpu.vector_store %arg6[%swap3A_987, %swap3A_988, %swap3A_989], %swap3A_992 {strides = array<i32>} : memref<157x2x128xi32, #tpu.memory_space<vmem>>, vector<1x1x16xi32>,
        %get3A_993 = arith.constant 0 : i32
        %get3A_994 = arith.index_cast %add3A_887 : i32 to index
        %get3A_995 = arith.index_cast %get3A_993 : i32 to index
        %get3A_996 = arith.constant 112 : index
        %get3A_997 = tpu.vector_load %arg6[%get3A_994, %get3A_995, %get3A_996] {strides = array<i32>} : memref<157x2x128xi32, #tpu.memory_space<vmem>>, vector<1x1x16xi32>,
        %get3A_998 = vector.shape_cast %get3A_997 : vector<1x1x16xi32> to vector<16xi32>
        %add3A_999 = arith.addi %get3A_998, %get3A_998 : vector<16xi32>
        %add3A_1000 = arith.addi %add3A_999, %broadcast_in_dim3A_83 : vector<16xi32>
        %swap3A_1001 = arith.constant 0 : i32
        %swap3A_1002 = arith.index_cast %add3A_887 : i32 to index
        %swap3A_1003 = arith.index_cast %swap3A_1001 : i32 to index
        %swap3A_1004 = arith.constant 112 : index
        %swap3A_1005 = tpu.vector_load %arg6[%swap3A_1002, %swap3A_1003, %swap3A_1004] {strides = array<i32>} : memref<157x2x128xi32, #tpu.memory_space<vmem>>, vector<1x1x16xi32>,
        %swap3A_1006 = vector.shape_cast %swap3A_1005 : vector<1x1x16xi32> to vector<16xi32>
        %swap3A_1007 = vector.shape_cast %add3A_1000 : vector<16xi32> to vector<1x1x16xi32>
        tpu.vector_store %arg6[%swap3A_1002, %swap3A_1003, %swap3A_1004], %swap3A_1007 {strides = array<i32>} : memref<157x2x128xi32, #tpu.memory_space<vmem>>, vector<1x1x16xi32>,
        %dma_start3A_1008 = arith.constant 0 : i32
        %dma_start3A_1009 = arith.constant 0 : i32
        %dma_start3A_1010 = tpu.memref_slice %arg6[%add3A_887, %dma_start3A_1008, %dma_start3A_1009] : memref<157x2x128xi32, #tpu.memory_space<vmem>> -> memref<1x1x128xi32, #tpu.memory_space<vmem>>
        %dma_start3A_1011 = tpu.memref_squeeze %dma_start3A_1010 : memref<1x1x128xi32, #tpu.memory_space<vmem>> -> memref<128xi32, #tpu.memory_space<vmem>>
        %dma_start3A_1012 = arith.constant 0 : i32
        %dma_start3A_1013 = arith.constant 0 : i32
        %dma_start3A_1014 = tpu.memref_slice %arg2[%dma_start3A_1012, %dma_start3A_1013] : memref<20000x64xf32, #tpu.memory_space<hbm>> -> memref<20000x64xf32, #tpu.memory_space<hbm>>
        tpu.enqueue_indirect_dma source(%dma_start3A_1014 : memref<20000x64xf32, #tpu.memory_space<hbm>>) target(%arg9 : memref<128x64xf32, #tpu.memory_space<vmem>>) offsets(%dma_start3A_1011 : memref<128xi32, #tpu.memory_space<vmem>>) semaphore(%arg18 : memref<!tpu.dma_semaphore, #tpu.memory_space<semaphore_mem>>)
      } else {
      }
      %mul3A_863 = arith.constant 2 : i32
      %mul3A_864 = arith.muli %mul3A_863, %add3A_794 : i32
      %add3A_865 = arith.constant 1 : i32
      %add3A_866 = arith.addi %mul3A_864, %add3A_865 : i32
      %dma_wait3A_867 = arith.constant 1 : i32
      %dma_wait3A_868 = arith.constant 0 : i32
      %dma_wait3A_869 = tpu.memref_slice %arg6[%add3A_866, %dma_wait3A_867, %dma_wait3A_868] : memref<157x2x128xi32, #tpu.memory_space<vmem>> -> memref<1x1x128xi32, #tpu.memory_space<vmem>>
      %dma_wait3A_870 = tpu.memref_squeeze %dma_wait3A_869 : memref<1x1x128xi32, #tpu.memory_space<vmem>> -> memref<128xi32, #tpu.memory_space<vmem>>
      %dma_wait3A_871 = arith.constant 0 : i32
      %dma_wait3A_872 = arith.constant 0 : i32
      %dma_wait3A_873 = tpu.memref_slice %arg14[%dma_wait3A_871, %dma_wait3A_872] : memref<10240x64xf32, #tpu.memory_space<vmem_shared>> -> memref<10240x64xf32, #tpu.memory_space<vmem_shared>>
      tpu.wait_indirect_dma semaphore(%arg23 : memref<!tpu.dma_semaphore, #tpu.memory_space<semaphore_mem>>) src(%arg10 : memref<128x64xf32, #tpu.memory_space<vmem>>) dst(%dma_wait3A_873 : memref<10240x64xf32, #tpu.memory_space<vmem_shared>>)
      %eq3A_874 = arith.constant 1 : i32
      %eq3A_875 = arith.cmpi eq, %arg0, %eq3A_874 : i32
      %convert_element_type3A_876 = arith.extui %eq3A_875 : i1 to i32
      %cond3A_877 = arith.constant 0 : i32
      %cond3A_878 = arith.cmpi ne, %convert_element_type3A_876, %cond3A_877 : i32
      scf.if %cond3A_878 {
        %dma_wait3A_886 = arith.constant 1 : i32
        %dma_wait3A_887 = arith.constant 0 : i32
        %dma_wait3A_888 = tpu.memref_slice %arg6[%add3A_866, %dma_wait3A_886, %dma_wait3A_887] : memref<157x2x128xi32, #tpu.memory_space<vmem>> -> memref<1x1x128xi32, #tpu.memory_space<vmem>>
        %dma_wait3A_889 = tpu.memref_squeeze %dma_wait3A_888 : memref<1x1x128xi32, #tpu.memory_space<vmem>> -> memref<128xi32, #tpu.memory_space<vmem>>
        %dma_wait3A_890 = arith.constant 0 : i32
        %dma_wait3A_891 = tpu.memref_slice %arg15[%dma_wait3A_890] : memref<10240xf32, #tpu.memory_space<vmem_shared>> -> memref<10240xf32, #tpu.memory_space<vmem_shared>>
        tpu.wait_indirect_dma semaphore(%arg27 : memref<!tpu.dma_semaphore, #tpu.memory_space<semaphore_mem>>) src(%arg11 : memref<128xf32, #tpu.memory_space<vmem>>) dst(%dma_wait3A_891 : memref<10240xf32, #tpu.memory_space<vmem_shared>>)
      } else {
      }
      %add3A_879 = arith.constant 4 : i32
      %add3A_880 = arith.addi %add3A_866, %add3A_879 : i32
      %lt3A_881 = arith.cmpi slt, %add3A_880, %select_n3A_87 : i32
      %convert_element_type3A_882 = arith.extui %lt3A_881 : i1 to i32
      %cond3A_883 = arith.constant 0 : i32
      %cond3A_884 = arith.cmpi ne, %convert_element_type3A_882, %cond3A_883 : i32
      scf.if %cond3A_884 {
        %add3A_886 = arith.constant 4 : i32
        %add3A_887 = arith.addi %add3A_866, %add3A_886 : i32
        %get3A_888 = arith.constant 0 : i32
        %get3A_889 = arith.index_cast %add3A_887 : i32 to index
        %get3A_890 = arith.index_cast %get3A_888 : i32 to index
        %get3A_891 = arith.constant 0 : index
        %get3A_892 = tpu.vector_load %arg6[%get3A_889, %get3A_890, %get3A_891] {strides = array<i32>} : memref<157x2x128xi32, #tpu.memory_space<vmem>>, vector<1x1x16xi32>,
        %get3A_893 = vector.shape_cast %get3A_892 : vector<1x1x16xi32> to vector<16xi32>
        %add3A_894 = arith.addi %get3A_893, %get3A_893 : vector<16xi32>
        %add3A_895 = arith.addi %add3A_894, %broadcast_in_dim3A_83 : vector<16xi32>
        %swap3A_896 = arith.constant 0 : i32
        %swap3A_897 = arith.index_cast %add3A_887 : i32 to index
        %swap3A_898 = arith.index_cast %swap3A_896 : i32 to index
        %swap3A_899 = arith.constant 0 : index
        %swap3A_900 = tpu.vector_load %arg6[%swap3A_897, %swap3A_898, %swap3A_899] {strides = array<i32>} : memref<157x2x128xi32, #tpu.memory_space<vmem>>, vector<1x1x16xi32>,
        %swap3A_901 = vector.shape_cast %swap3A_900 : vector<1x1x16xi32> to vector<16xi32>
        %swap3A_902 = vector.shape_cast %add3A_895 : vector<16xi32> to vector<1x1x16xi32>
        tpu.vector_store %arg6[%swap3A_897, %swap3A_898, %swap3A_899], %swap3A_902 {strides = array<i32>} : memref<157x2x128xi32, #tpu.memory_space<vmem>>, vector<1x1x16xi32>,
        %get3A_903 = arith.constant 0 : i32
        %get3A_904 = arith.index_cast %add3A_887 : i32 to index
        %get3A_905 = arith.index_cast %get3A_903 : i32 to index
        %get3A_906 = arith.constant 16 : index
        %get3A_907 = tpu.vector_load %arg6[%get3A_904, %get3A_905, %get3A_906] {strides = array<i32>} : memref<157x2x128xi32, #tpu.memory_space<vmem>>, vector<1x1x16xi32>,
        %get3A_908 = vector.shape_cast %get3A_907 : vector<1x1x16xi32> to vector<16xi32>
        %add3A_909 = arith.addi %get3A_908, %get3A_908 : vector<16xi32>
        %add3A_910 = arith.addi %add3A_909, %broadcast_in_dim3A_83 : vector<16xi32>
        %swap3A_911 = arith.constant 0 : i32
        %swap3A_912 = arith.index_cast %add3A_887 : i32 to index
        %swap3A_913 = arith.index_cast %swap3A_911 : i32 to index
        %swap3A_914 = arith.constant 16 : index
        %swap3A_915 = tpu.vector_load %arg6[%swap3A_912, %swap3A_913, %swap3A_914] {strides = array<i32>} : memref<157x2x128xi32, #tpu.memory_space<vmem>>, vector<1x1x16xi32>,
        %swap3A_916 = vector.shape_cast %swap3A_915 : vector<1x1x16xi32> to vector<16xi32>
        %swap3A_917 = vector.shape_cast %add3A_910 : vector<16xi32> to vector<1x1x16xi32>
        tpu.vector_store %arg6[%swap3A_912, %swap3A_913, %swap3A_914], %swap3A_917 {strides = array<i32>} : memref<157x2x128xi32, #tpu.memory_space<vmem>>, vector<1x1x16xi32>,
        %get3A_918 = arith.constant 0 : i32
        %get3A_919 = arith.index_cast %add3A_887 : i32 to index
        %get3A_920 = arith.index_cast %get3A_918 : i32 to index
        %get3A_921 = arith.constant 32 : index
        %get3A_922 = tpu.vector_load %arg6[%get3A_919, %get3A_920, %get3A_921] {strides = array<i32>} : memref<157x2x128xi32, #tpu.memory_space<vmem>>, vector<1x1x16xi32>,
        %get3A_923 = vector.shape_cast %get3A_922 : vector<1x1x16xi32> to vector<16xi32>
        %add3A_924 = arith.addi %get3A_923, %get3A_923 : vector<16xi32>
        %add3A_925 = arith.addi %add3A_924, %broadcast_in_dim3A_83 : vector<16xi32>
        %swap3A_926 = arith.constant 0 : i32
        %swap3A_927 = arith.index_cast %add3A_887 : i32 to index
        %swap3A_928 = arith.index_cast %swap3A_926 : i32 to index
        %swap3A_929 = arith.constant 32 : index
        %swap3A_930 = tpu.vector_load %arg6[%swap3A_927, %swap3A_928, %swap3A_929] {strides = array<i32>} : memref<157x2x128xi32, #tpu.memory_space<vmem>>, vector<1x1x16xi32>,
        %swap3A_931 = vector.shape_cast %swap3A_930 : vector<1x1x16xi32> to vector<16xi32>
        %swap3A_932 = vector.shape_cast %add3A_925 : vector<16xi32> to vector<1x1x16xi32>
        tpu.vector_store %arg6[%swap3A_927, %swap3A_928, %swap3A_929], %swap3A_932 {strides = array<i32>} : memref<157x2x128xi32, #tpu.memory_space<vmem>>, vector<1x1x16xi32>,
        %get3A_933 = arith.constant 0 : i32
        %get3A_934 = arith.index_cast %add3A_887 : i32 to index
        %get3A_935 = arith.index_cast %get3A_933 : i32 to index
        %get3A_936 = arith.constant 48 : index
        %get3A_937 = tpu.vector_load %arg6[%get3A_934, %get3A_935, %get3A_936] {strides = array<i32>} : memref<157x2x128xi32, #tpu.memory_space<vmem>>, vector<1x1x16xi32>,
        %get3A_938 = vector.shape_cast %get3A_937 : vector<1x1x16xi32> to vector<16xi32>
        %add3A_939 = arith.addi %get3A_938, %get3A_938 : vector<16xi32>
        %add3A_940 = arith.addi %add3A_939, %broadcast_in_dim3A_83 : vector<16xi32>
        %swap3A_941 = arith.constant 0 : i32
        %swap3A_942 = arith.index_cast %add3A_887 : i32 to index
        %swap3A_943 = arith.index_cast %swap3A_941 : i32 to index
        %swap3A_944 = arith.constant 48 : index
        %swap3A_945 = tpu.vector_load %arg6[%swap3A_942, %swap3A_943, %swap3A_944] {strides = array<i32>} : memref<157x2x128xi32, #tpu.memory_space<vmem>>, vector<1x1x16xi32>,
        %swap3A_946 = vector.shape_cast %swap3A_945 : vector<1x1x16xi32> to vector<16xi32>
        %swap3A_947 = vector.shape_cast %add3A_940 : vector<16xi32> to vector<1x1x16xi32>
        tpu.vector_store %arg6[%swap3A_942, %swap3A_943, %swap3A_944], %swap3A_947 {strides = array<i32>} : memref<157x2x128xi32, #tpu.memory_space<vmem>>, vector<1x1x16xi32>,
        %get3A_948 = arith.constant 0 : i32
        %get3A_949 = arith.index_cast %add3A_887 : i32 to index
        %get3A_950 = arith.index_cast %get3A_948 : i32 to index
        %get3A_951 = arith.constant 64 : index
        %get3A_952 = tpu.vector_load %arg6[%get3A_949, %get3A_950, %get3A_951] {strides = array<i32>} : memref<157x2x128xi32, #tpu.memory_space<vmem>>, vector<1x1x16xi32>,
        %get3A_953 = vector.shape_cast %get3A_952 : vector<1x1x16xi32> to vector<16xi32>
        %add3A_954 = arith.addi %get3A_953, %get3A_953 : vector<16xi32>
        %add3A_955 = arith.addi %add3A_954, %broadcast_in_dim3A_83 : vector<16xi32>
        %swap3A_956 = arith.constant 0 : i32
        %swap3A_957 = arith.index_cast %add3A_887 : i32 to index
        %swap3A_958 = arith.index_cast %swap3A_956 : i32 to index
        %swap3A_959 = arith.constant 64 : index
        %swap3A_960 = tpu.vector_load %arg6[%swap3A_957, %swap3A_958, %swap3A_959] {strides = array<i32>} : memref<157x2x128xi32, #tpu.memory_space<vmem>>, vector<1x1x16xi32>,
        %swap3A_961 = vector.shape_cast %swap3A_960 : vector<1x1x16xi32> to vector<16xi32>
        %swap3A_962 = vector.shape_cast %add3A_955 : vector<16xi32> to vector<1x1x16xi32>
        tpu.vector_store %arg6[%swap3A_957, %swap3A_958, %swap3A_959], %swap3A_962 {strides = array<i32>} : memref<157x2x128xi32, #tpu.memory_space<vmem>>, vector<1x1x16xi32>,
        %get3A_963 = arith.constant 0 : i32
        %get3A_964 = arith.index_cast %add3A_887 : i32 to index
        %get3A_965 = arith.index_cast %get3A_963 : i32 to index
        %get3A_966 = arith.constant 80 : index
        %get3A_967 = tpu.vector_load %arg6[%get3A_964, %get3A_965, %get3A_966] {strides = array<i32>} : memref<157x2x128xi32, #tpu.memory_space<vmem>>, vector<1x1x16xi32>,
        %get3A_968 = vector.shape_cast %get3A_967 : vector<1x1x16xi32> to vector<16xi32>
        %add3A_969 = arith.addi %get3A_968, %get3A_968 : vector<16xi32>
        %add3A_970 = arith.addi %add3A_969, %broadcast_in_dim3A_83 : vector<16xi32>
        %swap3A_971 = arith.constant 0 : i32
        %swap3A_972 = arith.index_cast %add3A_887 : i32 to index
        %swap3A_973 = arith.index_cast %swap3A_971 : i32 to index
        %swap3A_974 = arith.constant 80 : index
        %swap3A_975 = tpu.vector_load %arg6[%swap3A_972, %swap3A_973, %swap3A_974] {strides = array<i32>} : memref<157x2x128xi32, #tpu.memory_space<vmem>>, vector<1x1x16xi32>,
        %swap3A_976 = vector.shape_cast %swap3A_975 : vector<1x1x16xi32> to vector<16xi32>
        %swap3A_977 = vector.shape_cast %add3A_970 : vector<16xi32> to vector<1x1x16xi32>
        tpu.vector_store %arg6[%swap3A_972, %swap3A_973, %swap3A_974], %swap3A_977 {strides = array<i32>} : memref<157x2x128xi32, #tpu.memory_space<vmem>>, vector<1x1x16xi32>,
        %get3A_978 = arith.constant 0 : i32
        %get3A_979 = arith.index_cast %add3A_887 : i32 to index
        %get3A_980 = arith.index_cast %get3A_978 : i32 to index
        %get3A_981 = arith.constant 96 : index
        %get3A_982 = tpu.vector_load %arg6[%get3A_979, %get3A_980, %get3A_981] {strides = array<i32>} : memref<157x2x128xi32, #tpu.memory_space<vmem>>, vector<1x1x16xi32>,
        %get3A_983 = vector.shape_cast %get3A_982 : vector<1x1x16xi32> to vector<16xi32>
        %add3A_984 = arith.addi %get3A_983, %get3A_983 : vector<16xi32>
        %add3A_985 = arith.addi %add3A_984, %broadcast_in_dim3A_83 : vector<16xi32>
        %swap3A_986 = arith.constant 0 : i32
        %swap3A_987 = arith.index_cast %add3A_887 : i32 to index
        %swap3A_988 = arith.index_cast %swap3A_986 : i32 to index
        %swap3A_989 = arith.constant 96 : index
        %swap3A_990 = tpu.vector_load %arg6[%swap3A_987, %swap3A_988, %swap3A_989] {strides = array<i32>} : memref<157x2x128xi32, #tpu.memory_space<vmem>>, vector<1x1x16xi32>,
        %swap3A_991 = vector.shape_cast %swap3A_990 : vector<1x1x16xi32> to vector<16xi32>
        %swap3A_992 = vector.shape_cast %add3A_985 : vector<16xi32> to vector<1x1x16xi32>
        tpu.vector_store %arg6[%swap3A_987, %swap3A_988, %swap3A_989], %swap3A_992 {strides = array<i32>} : memref<157x2x128xi32, #tpu.memory_space<vmem>>, vector<1x1x16xi32>,
        %get3A_993 = arith.constant 0 : i32
        %get3A_994 = arith.index_cast %add3A_887 : i32 to index
        %get3A_995 = arith.index_cast %get3A_993 : i32 to index
        %get3A_996 = arith.constant 112 : index
        %get3A_997 = tpu.vector_load %arg6[%get3A_994, %get3A_995, %get3A_996] {strides = array<i32>} : memref<157x2x128xi32, #tpu.memory_space<vmem>>, vector<1x1x16xi32>,
        %get3A_998 = vector.shape_cast %get3A_997 : vector<1x1x16xi32> to vector<16xi32>
        %add3A_999 = arith.addi %get3A_998, %get3A_998 : vector<16xi32>
        %add3A_1000 = arith.addi %add3A_999, %broadcast_in_dim3A_83 : vector<16xi32>
        %swap3A_1001 = arith.constant 0 : i32
        %swap3A_1002 = arith.index_cast %add3A_887 : i32 to index
        %swap3A_1003 = arith.index_cast %swap3A_1001 : i32 to index
        %swap3A_1004 = arith.constant 112 : index
        %swap3A_1005 = tpu.vector_load %arg6[%swap3A_1002, %swap3A_1003, %swap3A_1004] {strides = array<i32>} : memref<157x2x128xi32, #tpu.memory_space<vmem>>, vector<1x1x16xi32>,
        %swap3A_1006 = vector.shape_cast %swap3A_1005 : vector<1x1x16xi32> to vector<16xi32>
        %swap3A_1007 = vector.shape_cast %add3A_1000 : vector<16xi32> to vector<1x1x16xi32>
        tpu.vector_store %arg6[%swap3A_1002, %swap3A_1003, %swap3A_1004], %swap3A_1007 {strides = array<i32>} : memref<157x2x128xi32, #tpu.memory_space<vmem>>, vector<1x1x16xi32>,
        %dma_start3A_1008 = arith.constant 0 : i32
        %dma_start3A_1009 = arith.constant 0 : i32
        %dma_start3A_1010 = tpu.memref_slice %arg6[%add3A_887, %dma_start3A_1008, %dma_start3A_1009] : memref<157x2x128xi32, #tpu.memory_space<vmem>> -> memref<1x1x128xi32, #tpu.memory_space<vmem>>
        %dma_start3A_1011 = tpu.memref_squeeze %dma_start3A_1010 : memref<1x1x128xi32, #tpu.memory_space<vmem>> -> memref<128xi32, #tpu.memory_space<vmem>>
        %dma_start3A_1012 = arith.constant 0 : i32
        %dma_start3A_1013 = arith.constant 0 : i32
        %dma_start3A_1014 = tpu.memref_slice %arg2[%dma_start3A_1012, %dma_start3A_1013] : memref<20000x64xf32, #tpu.memory_space<hbm>> -> memref<20000x64xf32, #tpu.memory_space<hbm>>
        tpu.enqueue_indirect_dma source(%dma_start3A_1014 : memref<20000x64xf32, #tpu.memory_space<hbm>>) target(%arg10 : memref<128x64xf32, #tpu.memory_space<vmem>>) offsets(%dma_start3A_1011 : memref<128xi32, #tpu.memory_space<vmem>>) semaphore(%arg19 : memref<!tpu.dma_semaphore, #tpu.memory_space<semaphore_mem>>)
      } else {
      }
      %scan3A_885 = arith.constant 0 : i32
      scf.yield %scan3A_885 : i32
    }
    %scan3A_668 = arith.constant 39 : i32
    %lt3A_669 = arith.constant 4 : i32
    %lt3A_670 = arith.cmpi slt, %arg1, %lt3A_669 : i32
    %convert_element_type3A_671 = arith.extui %lt3A_670 : i1 to i32
    %cond3A_672 = arith.constant 0 : i32
    %cond3A_673 = arith.cmpi ne, %convert_element_type3A_671, %cond3A_672 : i32
    scf.if %cond3A_673 {
      %dma_wait3A = arith.constant 156 : i32
      %dma_wait3A_699 = arith.constant 0 : i32
      %dma_wait3A_700 = arith.constant 0 : i32
      %dma_wait3A_701 = tpu.memref_slice %arg6[%dma_wait3A, %dma_wait3A_699, %dma_wait3A_700] : memref<157x2x128xi32, #tpu.memory_space<vmem>> -> memref<1x1x128xi32, #tpu.memory_space<vmem>>
      %dma_wait3A_702 = tpu.memref_squeeze %dma_wait3A_701 : memref<1x1x128xi32, #tpu.memory_space<vmem>> -> memref<128xi32, #tpu.memory_space<vmem>>
      %dma_wait3A_703 = arith.constant 0 : i32
      %dma_wait3A_704 = arith.constant 0 : i32
      %dma_wait3A_705 = tpu.memref_slice %arg2[%dma_wait3A_703, %dma_wait3A_704] : memref<20000x64xf32, #tpu.memory_space<hbm>> -> memref<20000x64xf32, #tpu.memory_space<hbm>>
      tpu.wait_indirect_dma semaphore(%arg16 : memref<!tpu.dma_semaphore, #tpu.memory_space<semaphore_mem>>) src(%dma_wait3A_705 : memref<20000x64xf32, #tpu.memory_space<hbm>>) dst(%arg7 : memref<128x64xf32, #tpu.memory_space<vmem>>)
      %dma_start3A_706 = arith.constant 156 : i32
      %dma_start3A_707 = arith.constant 1 : i32
      %dma_start3A_708 = arith.constant 0 : i32
      %dma_start3A_709 = tpu.memref_slice %arg6[%dma_start3A_706, %dma_start3A_707, %dma_start3A_708] : memref<157x2x128xi32, #tpu.memory_space<vmem>> -> memref<1x1x128xi32, #tpu.memory_space<vmem>>
      %dma_start3A_710 = tpu.memref_squeeze %dma_start3A_709 : memref<1x1x128xi32, #tpu.memory_space<vmem>> -> memref<128xi32, #tpu.memory_space<vmem>>
      %dma_start3A_711 = arith.constant 0 : i32
      %dma_start3A_712 = arith.constant 0 : i32
      %dma_start3A_713 = tpu.memref_slice %arg14[%dma_start3A_711, %dma_start3A_712] : memref<10240x64xf32, #tpu.memory_space<vmem_shared>> -> memref<10240x64xf32, #tpu.memory_space<vmem_shared>>
      tpu.enqueue_indirect_dma source(%arg7 : memref<128x64xf32, #tpu.memory_space<vmem>>) target(%dma_start3A_713 : memref<10240x64xf32, #tpu.memory_space<vmem_shared>>) offsets(%dma_start3A_710 : memref<128xi32, #tpu.memory_space<vmem>>) semaphore(%arg20 : memref<!tpu.dma_semaphore, #tpu.memory_space<semaphore_mem>>) {add = true}
      %eq3A = arith.constant 0 : i32
      %eq3A_714 = arith.cmpi eq, %arg0, %eq3A : i32
      %convert_element_type3A_715 = arith.extui %eq3A_714 : i1 to i32
      %cond3A_716 = arith.constant 0 : i32
      %cond3A_717 = arith.cmpi ne, %convert_element_type3A_715, %cond3A_716 : i32
      scf.if %cond3A_717 {
        %dma_start3A_731 = arith.constant 156 : i32
        %dma_start3A_732 = arith.constant 1 : i32
        %dma_start3A_733 = arith.constant 0 : i32
        %dma_start3A_734 = tpu.memref_slice %arg6[%dma_start3A_731, %dma_start3A_732, %dma_start3A_733] : memref<157x2x128xi32, #tpu.memory_space<vmem>> -> memref<1x1x128xi32, #tpu.memory_space<vmem>>
        %dma_start3A_735 = tpu.memref_squeeze %dma_start3A_734 : memref<1x1x128xi32, #tpu.memory_space<vmem>> -> memref<128xi32, #tpu.memory_space<vmem>>
        %dma_start3A_736 = arith.constant 0 : i32
        %dma_start3A_737 = tpu.memref_slice %arg15[%dma_start3A_736] : memref<10240xf32, #tpu.memory_space<vmem_shared>> -> memref<10240xf32, #tpu.memory_space<vmem_shared>>
        tpu.enqueue_indirect_dma source(%arg11 : memref<128xf32, #tpu.memory_space<vmem>>) target(%dma_start3A_737 : memref<10240xf32, #tpu.memory_space<vmem_shared>>) offsets(%dma_start3A_735 : memref<128xi32, #tpu.memory_space<vmem>>) semaphore(%arg24 : memref<!tpu.dma_semaphore, #tpu.memory_space<semaphore_mem>>) {add = true}
      } else {
      }
      %dma_wait3A_718 = arith.constant 156 : i32
      %dma_wait3A_719 = arith.constant 1 : i32
      %dma_wait3A_720 = arith.constant 0 : i32
      %dma_wait3A_721 = tpu.memref_slice %arg6[%dma_wait3A_718, %dma_wait3A_719, %dma_wait3A_720] : memref<157x2x128xi32, #tpu.memory_space<vmem>> -> memref<1x1x128xi32, #tpu.memory_space<vmem>>
      %dma_wait3A_722 = tpu.memref_squeeze %dma_wait3A_721 : memref<1x1x128xi32, #tpu.memory_space<vmem>> -> memref<128xi32, #tpu.memory_space<vmem>>
      %dma_wait3A_723 = arith.constant 0 : i32
      %dma_wait3A_724 = arith.constant 0 : i32
      %dma_wait3A_725 = tpu.memref_slice %arg14[%dma_wait3A_723, %dma_wait3A_724] : memref<10240x64xf32, #tpu.memory_space<vmem_shared>> -> memref<10240x64xf32, #tpu.memory_space<vmem_shared>>
      tpu.wait_indirect_dma semaphore(%arg20 : memref<!tpu.dma_semaphore, #tpu.memory_space<semaphore_mem>>) src(%arg7 : memref<128x64xf32, #tpu.memory_space<vmem>>) dst(%dma_wait3A_725 : memref<10240x64xf32, #tpu.memory_space<vmem_shared>>)
      %eq3A_726 = arith.constant 0 : i32
      %eq3A_727 = arith.cmpi eq, %arg0, %eq3A_726 : i32
      %convert_element_type3A_728 = arith.extui %eq3A_727 : i1 to i32
      %cond3A_729 = arith.constant 0 : i32
      %cond3A_730 = arith.cmpi ne, %convert_element_type3A_728, %cond3A_729 : i32
      scf.if %cond3A_730 {
        %dma_wait3A_731 = arith.constant 156 : i32
        %dma_wait3A_732 = arith.constant 1 : i32
        %dma_wait3A_733 = arith.constant 0 : i32
        %dma_wait3A_734 = tpu.memref_slice %arg6[%dma_wait3A_731, %dma_wait3A_732, %dma_wait3A_733] : memref<157x2x128xi32, #tpu.memory_space<vmem>> -> memref<1x1x128xi32, #tpu.memory_space<vmem>>
        %dma_wait3A_735 = tpu.memref_squeeze %dma_wait3A_734 : memref<1x1x128xi32, #tpu.memory_space<vmem>> -> memref<128xi32, #tpu.memory_space<vmem>>
        %dma_wait3A_736 = arith.constant 0 : i32
        %dma_wait3A_737 = tpu.memref_slice %arg15[%dma_wait3A_736] : memref<10240xf32, #tpu.memory_space<vmem_shared>> -> memref<10240xf32, #tpu.memory_space<vmem_shared>>
        tpu.wait_indirect_dma semaphore(%arg24 : memref<!tpu.dma_semaphore, #tpu.memory_space<semaphore_mem>>) src(%arg11 : memref<128xf32, #tpu.memory_space<vmem>>) dst(%dma_wait3A_737 : memref<10240xf32, #tpu.memory_space<vmem_shared>>)
      } else {
      }
    } else {
    }
    %barrier3A_674 = arith.constant 0 : index
    tpu.barrier barrier_id(%barrier3A_674)
    %mul3A_675 = arith.constant 640 : i32
    %mul3A_676 = arith.muli %arg1, %mul3A_675 : i32
    %add3A_677 = arith.constant 0 : i32
    %add3A_678 = arith.addi %mul3A_676, %add3A_677 : i32
    "tpu.region"() ({
      %run_scoped3A = tpu.sem_alloc : memref<!tpu.dma_semaphore, #tpu.memory_space<semaphore_mem>>
      %dma_start3A_699 = arith.constant 0 : i32
      %dma_start3A_700 = tpu.memref_slice %arg4[%arg0, %add3A_678, %dma_start3A_699] : memref<2x10240x64xf32, #tpu.memory_space<hbm>> -> memref<1x128x64xf32, #tpu.memory_space<hbm>>
      %dma_start3A_701 = tpu.memref_squeeze %dma_start3A_700 : memref<1x128x64xf32, #tpu.memory_space<hbm>> -> memref<128x64xf32, #tpu.memory_space<hbm>>
      %dma_start3A_702 = arith.constant 0 : i32
      %dma_start3A_703 = tpu.memref_slice %arg14[%add3A_678, %dma_start3A_702] : memref<10240x64xf32, #tpu.memory_space<vmem_shared>> -> memref<128x64xf32, #tpu.memory_space<vmem_shared>>
      tpu.enqueue_dma source(%dma_start3A_703 : memref<128x64xf32, #tpu.memory_space<vmem_shared>>) target(%dma_start3A_701 : memref<128x64xf32, #tpu.memory_space<hbm>>) target_semaphore(%run_scoped3A : memref<!tpu.dma_semaphore, #tpu.memory_space<semaphore_mem>>)
      %dma_wait3A = arith.constant 0 : i32
      %dma_wait3A_704 = tpu.memref_slice %arg4[%arg0, %add3A_678, %dma_wait3A] : memref<2x10240x64xf32, #tpu.memory_space<hbm>> -> memref<1x128x64xf32, #tpu.memory_space<hbm>>
      %dma_wait3A_705 = tpu.memref_squeeze %dma_wait3A_704 : memref<1x128x64xf32, #tpu.memory_space<hbm>> -> memref<128x64xf32, #tpu.memory_space<hbm>>
      %dma_wait3A_706 = arith.constant 0 : i32
      %dma_wait3A_707 = tpu.memref_slice %arg14[%add3A_678, %dma_wait3A_706] : memref<10240x64xf32, #tpu.memory_space<vmem_shared>> -> memref<128x64xf32, #tpu.memory_space<vmem_shared>>
      tpu.wait_dma2 semaphore(%run_scoped3A : memref<!tpu.dma_semaphore, #tpu.memory_space<semaphore_mem>>) src(%dma_wait3A_707 : memref<128x64xf32, #tpu.memory_space<vmem_shared>>) dst(%dma_wait3A_705 : memref<128x64xf32, #tpu.memory_space<hbm>>)
      tpu.yield
    }) : () -> ()
    %mul3A_679 = arith.constant 640 : i32
    %mul3A_680 = arith.muli %arg1, %mul3A_679 : i32
    %add3A_681 = arith.constant 128 : i32
    %add3A_682 = arith.addi %mul3A_680, %add3A_681 : i32
    "tpu.region"() ({
      %run_scoped3A = tpu.sem_alloc : memref<!tpu.dma_semaphore, #tpu.memory_space<semaphore_mem>>
      %dma_start3A_699 = arith.constant 0 : i32
      %dma_start3A_700 = tpu.memref_slice %arg4[%arg0, %add3A_682, %dma_start3A_699] : memref<2x10240x64xf32, #tpu.memory_space<hbm>> -> memref<1x128x64xf32, #tpu.memory_space<hbm>>
      %dma_start3A_701 = tpu.memref_squeeze %dma_start3A_700 : memref<1x128x64xf32, #tpu.memory_space<hbm>> -> memref<128x64xf32, #tpu.memory_space<hbm>>
      %dma_start3A_702 = arith.constant 0 : i32
      %dma_start3A_703 = tpu.memref_slice %arg14[%add3A_682, %dma_start3A_702] : memref<10240x64xf32, #tpu.memory_space<vmem_shared>> -> memref<128x64xf32, #tpu.memory_space<vmem_shared>>
      tpu.enqueue_dma source(%dma_start3A_703 : memref<128x64xf32, #tpu.memory_space<vmem_shared>>) target(%dma_start3A_701 : memref<128x64xf32, #tpu.memory_space<hbm>>) target_semaphore(%run_scoped3A : memref<!tpu.dma_semaphore, #tpu.memory_space<semaphore_mem>>)
      %dma_wait3A = arith.constant 0 : i32
      %dma_wait3A_704 = tpu.memref_slice %arg4[%arg0, %add3A_682, %dma_wait3A] : memref<2x10240x64xf32, #tpu.memory_space<hbm>> -> memref<1x128x64xf32, #tpu.memory_space<hbm>>
      %dma_wait3A_705 = tpu.memref_squeeze %dma_wait3A_704 : memref<1x128x64xf32, #tpu.memory_space<hbm>> -> memref<128x64xf32, #tpu.memory_space<hbm>>
      %dma_wait3A_706 = arith.constant 0 : i32
      %dma_wait3A_707 = tpu.memref_slice %arg14[%add3A_682, %dma_wait3A_706] : memref<10240x64xf32, #tpu.memory_space<vmem_shared>> -> memref<128x64xf32, #tpu.memory_space<vmem_shared>>
      tpu.wait_dma2 semaphore(%run_scoped3A : memref<!tpu.dma_semaphore, #tpu.memory_space<semaphore_mem>>) src(%dma_wait3A_707 : memref<128x64xf32, #tpu.memory_space<vmem_shared>>) dst(%dma_wait3A_705 : memref<128x64xf32, #tpu.memory_space<hbm>>)
      tpu.yield
    }) : () -> ()
    %mul3A_683 = arith.constant 640 : i32
    %mul3A_684 = arith.muli %arg1, %mul3A_683 : i32
    %add3A_685 = arith.constant 256 : i32
    %add3A_686 = arith.addi %mul3A_684, %add3A_685 : i32
    "tpu.region"() ({
      %run_scoped3A = tpu.sem_alloc : memref<!tpu.dma_semaphore, #tpu.memory_space<semaphore_mem>>
      %dma_start3A_699 = arith.constant 0 : i32
      %dma_start3A_700 = tpu.memref_slice %arg4[%arg0, %add3A_686, %dma_start3A_699] : memref<2x10240x64xf32, #tpu.memory_space<hbm>> -> memref<1x128x64xf32, #tpu.memory_space<hbm>>
      %dma_start3A_701 = tpu.memref_squeeze %dma_start3A_700 : memref<1x128x64xf32, #tpu.memory_space<hbm>> -> memref<128x64xf32, #tpu.memory_space<hbm>>
      %dma_start3A_702 = arith.constant 0 : i32
      %dma_start3A_703 = tpu.memref_slice %arg14[%add3A_686, %dma_start3A_702] : memref<10240x64xf32, #tpu.memory_space<vmem_shared>> -> memref<128x64xf32, #tpu.memory_space<vmem_shared>>
      tpu.enqueue_dma source(%dma_start3A_703 : memref<128x64xf32, #tpu.memory_space<vmem_shared>>) target(%dma_start3A_701 : memref<128x64xf32, #tpu.memory_space<hbm>>) target_semaphore(%run_scoped3A : memref<!tpu.dma_semaphore, #tpu.memory_space<semaphore_mem>>)
      %dma_wait3A = arith.constant 0 : i32
      %dma_wait3A_704 = tpu.memref_slice %arg4[%arg0, %add3A_686, %dma_wait3A] : memref<2x10240x64xf32, #tpu.memory_space<hbm>> -> memref<1x128x64xf32, #tpu.memory_space<hbm>>
      %dma_wait3A_705 = tpu.memref_squeeze %dma_wait3A_704 : memref<1x128x64xf32, #tpu.memory_space<hbm>> -> memref<128x64xf32, #tpu.memory_space<hbm>>
      %dma_wait3A_706 = arith.constant 0 : i32
      %dma_wait3A_707 = tpu.memref_slice %arg14[%add3A_686, %dma_wait3A_706] : memref<10240x64xf32, #tpu.memory_space<vmem_shared>> -> memref<128x64xf32, #tpu.memory_space<vmem_shared>>
      tpu.wait_dma2 semaphore(%run_scoped3A : memref<!tpu.dma_semaphore, #tpu.memory_space<semaphore_mem>>) src(%dma_wait3A_707 : memref<128x64xf32, #tpu.memory_space<vmem_shared>>) dst(%dma_wait3A_705 : memref<128x64xf32, #tpu.memory_space<hbm>>)
      tpu.yield
    }) : () -> ()
    %mul3A_687 = arith.constant 640 : i32
    %mul3A_688 = arith.muli %arg1, %mul3A_687 : i32
    %add3A_689 = arith.constant 384 : i32
    %add3A_690 = arith.addi %mul3A_688, %add3A_689 : i32
    "tpu.region"() ({
      %run_scoped3A = tpu.sem_alloc : memref<!tpu.dma_semaphore, #tpu.memory_space<semaphore_mem>>
      %dma_start3A_699 = arith.constant 0 : i32
      %dma_start3A_700 = tpu.memref_slice %arg4[%arg0, %add3A_690, %dma_start3A_699] : memref<2x10240x64xf32, #tpu.memory_space<hbm>> -> memref<1x128x64xf32, #tpu.memory_space<hbm>>
      %dma_start3A_701 = tpu.memref_squeeze %dma_start3A_700 : memref<1x128x64xf32, #tpu.memory_space<hbm>> -> memref<128x64xf32, #tpu.memory_space<hbm>>
      %dma_start3A_702 = arith.constant 0 : i32
      %dma_start3A_703 = tpu.memref_slice %arg14[%add3A_690, %dma_start3A_702] : memref<10240x64xf32, #tpu.memory_space<vmem_shared>> -> memref<128x64xf32, #tpu.memory_space<vmem_shared>>
      tpu.enqueue_dma source(%dma_start3A_703 : memref<128x64xf32, #tpu.memory_space<vmem_shared>>) target(%dma_start3A_701 : memref<128x64xf32, #tpu.memory_space<hbm>>) target_semaphore(%run_scoped3A : memref<!tpu.dma_semaphore, #tpu.memory_space<semaphore_mem>>)
      %dma_wait3A = arith.constant 0 : i32
      %dma_wait3A_704 = tpu.memref_slice %arg4[%arg0, %add3A_690, %dma_wait3A] : memref<2x10240x64xf32, #tpu.memory_space<hbm>> -> memref<1x128x64xf32, #tpu.memory_space<hbm>>
      %dma_wait3A_705 = tpu.memref_squeeze %dma_wait3A_704 : memref<1x128x64xf32, #tpu.memory_space<hbm>> -> memref<128x64xf32, #tpu.memory_space<hbm>>
      %dma_wait3A_706 = arith.constant 0 : i32
      %dma_wait3A_707 = tpu.memref_slice %arg14[%add3A_690, %dma_wait3A_706] : memref<10240x64xf32, #tpu.memory_space<vmem_shared>> -> memref<128x64xf32, #tpu.memory_space<vmem_shared>>
      tpu.wait_dma2 semaphore(%run_scoped3A : memref<!tpu.dma_semaphore, #tpu.memory_space<semaphore_mem>>) src(%dma_wait3A_707 : memref<128x64xf32, #tpu.memory_space<vmem_shared>>) dst(%dma_wait3A_705 : memref<128x64xf32, #tpu.memory_space<hbm>>)
      tpu.yield
    }) : () -> ()
    %mul3A_691 = arith.constant 640 : i32
    %mul3A_692 = arith.muli %arg1, %mul3A_691 : i32
    %add3A_693 = arith.constant 512 : i32
    %add3A_694 = arith.addi %mul3A_692, %add3A_693 : i32
    "tpu.region"() ({
      %run_scoped3A = tpu.sem_alloc : memref<!tpu.dma_semaphore, #tpu.memory_space<semaphore_mem>>
      %dma_start3A_699 = arith.constant 0 : i32
      %dma_start3A_700 = tpu.memref_slice %arg4[%arg0, %add3A_694, %dma_start3A_699] : memref<2x10240x64xf32, #tpu.memory_space<hbm>> -> memref<1x128x64xf32, #tpu.memory_space<hbm>>
      %dma_start3A_701 = tpu.memref_squeeze %dma_start3A_700 : memref<1x128x64xf32, #tpu.memory_space<hbm>> -> memref<128x64xf32, #tpu.memory_space<hbm>>
      %dma_start3A_702 = arith.constant 0 : i32
      %dma_start3A_703 = tpu.memref_slice %arg14[%add3A_694, %dma_start3A_702] : memref<10240x64xf32, #tpu.memory_space<vmem_shared>> -> memref<128x64xf32, #tpu.memory_space<vmem_shared>>
      tpu.enqueue_dma source(%dma_start3A_703 : memref<128x64xf32, #tpu.memory_space<vmem_shared>>) target(%dma_start3A_701 : memref<128x64xf32, #tpu.memory_space<hbm>>) target_semaphore(%run_scoped3A : memref<!tpu.dma_semaphore, #tpu.memory_space<semaphore_mem>>)
      %dma_wait3A = arith.constant 0 : i32
      %dma_wait3A_704 = tpu.memref_slice %arg4[%arg0, %add3A_694, %dma_wait3A] : memref<2x10240x64xf32, #tpu.memory_space<hbm>> -> memref<1x128x64xf32, #tpu.memory_space<hbm>>
      %dma_wait3A_705 = tpu.memref_squeeze %dma_wait3A_704 : memref<1x128x64xf32, #tpu.memory_space<hbm>> -> memref<128x64xf32, #tpu.memory_space<hbm>>
      %dma_wait3A_706 = arith.constant 0 : i32
      %dma_wait3A_707 = tpu.memref_slice %arg14[%add3A_694, %dma_wait3A_706] : memref<10240x64xf32, #tpu.memory_space<vmem_shared>> -> memref<128x64xf32, #tpu.memory_space<vmem_shared>>
      tpu.wait_dma2 semaphore(%run_scoped3A : memref<!tpu.dma_semaphore, #tpu.memory_space<semaphore_mem>>) src(%dma_wait3A_707 : memref<128x64xf32, #tpu.memory_space<vmem_shared>>) dst(%dma_wait3A_705 : memref<128x64xf32, #tpu.memory_space<hbm>>)
      tpu.yield
    }) : () -> ()
    %mul3A_695 = arith.constant 640 : i32
    %mul3A_696 = arith.muli %arg1, %mul3A_695 : i32
    %mul3A_697 = arith.constant 640 : i32
    %mul3A_698 = arith.muli %arg1, %mul3A_697 : i32
    "tpu.region"() ({
      %run_scoped3A = tpu.sem_alloc : memref<!tpu.dma_semaphore, #tpu.memory_space<semaphore_mem>>
      %dma_start3A_699 = tpu.memref_slice %arg5[%arg0, %mul3A_698] : memref<2x10240xf32, #tpu.memory_space<hbm>> -> memref<1x640xf32, #tpu.memory_space<hbm>>
      %dma_start3A_700 = tpu.memref_squeeze %dma_start3A_699 : memref<1x640xf32, #tpu.memory_space<hbm>> -> memref<640xf32, #tpu.memory_space<hbm>>
      %dma_start3A_701 = tpu.memref_slice %arg15[%mul3A_696] : memref<10240xf32, #tpu.memory_space<vmem_shared>> -> memref<640xf32, #tpu.memory_space<vmem_shared>>
      tpu.enqueue_dma source(%dma_start3A_701 : memref<640xf32, #tpu.memory_space<vmem_shared>>) target(%dma_start3A_700 : memref<640xf32, #tpu.memory_space<hbm>>) target_semaphore(%run_scoped3A : memref<!tpu.dma_semaphore, #tpu.memory_space<semaphore_mem>>)
      %dma_wait3A = tpu.memref_slice %arg5[%arg0, %mul3A_698] : memref<2x10240xf32, #tpu.memory_space<hbm>> -> memref<1x640xf32, #tpu.memory_space<hbm>>
      %dma_wait3A_702 = tpu.memref_squeeze %dma_wait3A : memref<1x640xf32, #tpu.memory_space<hbm>> -> memref<640xf32, #tpu.memory_space<hbm>>
      %dma_wait3A_703 = tpu.memref_slice %arg15[%mul3A_696] : memref<10240xf32, #tpu.memory_space<vmem_shared>> -> memref<640xf32, #tpu.memory_space<vmem_shared>>
      tpu.wait_dma2 semaphore(%run_scoped3A : memref<!tpu.dma_semaphore, #tpu.memory_space<semaphore_mem>>) src(%dma_wait3A_703 : memref<640xf32, #tpu.memory_space<vmem_shared>>) dst(%dma_wait3A_702 : memref<640xf32, #tpu.memory_space<hbm>>)
      tpu.yield
    }) : () -> ()
    return
  }
}

</mosaic_0001>

<sc_bundles>
// kernel: _sc_segment_sum.3.cloned.1.call-start
scs
__scs_entry_jumppad:
0x0: {  	(pc) =	sbr.rel $0x88, $3  }
0x1: {  	(tag) =	ssettag $0x0;
	lr =	simm.s32 $0x1  }
0x2: {  	[smem:$0x3F9F] =	sst lr;
	_ =	strace $0xD0000000  }
0x3: {  	_ = 	snop  }
0x4: {  	_ = 	snop  }
0x5: {  	_ = 	snop  }
0x6: {  	_ = 	snop  }
0x7: {  	_ = 	snop  }
__scs_overlays_trampoline_lowered:
0x8: {  	[smem:$0x3FAE] =	sst s0  }
0x9: {  	[smem:$0x3FAF] =	sst s1  }
0xa: {  	[smem:$0x3FB0] =	sst s2  }
0xb: {  	[smem:$0x3FB1] =	sst s3  }
0xc: {  	[smem:$0x3FB2] =	sst s4  }
0xd: {  	[smem:$0x3FB3] =	sst s5  }
0xe: {  	[smem:$0x3FB4] =	sst s6  }
0xf: {  	[smem:$0x3FB5] =	sst s7  }
0x10: {  	[smem:$0x3FB6] =	sst s8  }
0x11: {  	[smem:$0x3FB7] =	sst s9;
	s0 =	simm.s32 @!p0 $0x0  }
0x12: {  	s1 =	sld [smem:$0x3F9D];
	s0 =	simm.s32 @p0 $0x1  }
0x13: {  	[smem:$0x3FB8] =	sst s0;
	s0 =	simm.s32 @!p1 $0x0  }
0x14: {  	s2 =	sld [smem:$0x3F9C];
	s0 =	simm.s32 @p1 $0x1  }
0x15: {  	[smem:$0x3FB9] =	sst s0;
	s0 =	simm.s32 @!p2 $0x0  }
0x16: {  	s3 =	sld [smem:$0x3FDB];
	s0 =	simm.s32 @p2 $0x1  }
0x17: {  	s4 =	simm.s32 $0x1BF5;
	[smem:$0x3FBB] =	sst s0  }
0x18: {  	s0 =	sld [smem:$0x3F9E];
	_ =	swait.ge [sflag:s4], $0x0  }
0x19: {  	s7 =	sld [smem:$0x3F9F]  }
0x1a: {  	s8 =	sadd.s32 $0xFFFFE003, lr  }
0x1b: {  	s9 =	sadd.s32 $0xFFFFFEF7, lr;
	s5 =	simm.s32 $0xFFFFFFFF;
	p2 =	slt.u32 s8, $0xFFFFF086  }
0x1c: {  	p1 =	slt.u32 s9, $0xF7A;
	s5 =	simm.s32 @!p2 $0x0  }
0x1d: {  	s5 =	simm.s32 @p1 $0x1;
	p0 =	seq.s32 s7, s2  }
0x1e: {  	s7 =	smul.u32 @!p0 $0xF7A, s2;
	p2 =	seq.s32 @!p0 s5, $0x0  }
0x1f: {  	s9 =	smul.u32 $0xF7A, s1;
	s8 =	simm.s32 @!p0 $0x1BF5;
	p2 =	por !p2, p0  }
0x20: {  	[sflag:s8] =	ssyncset.s32 @!p0 $0xFFFFF086;
	s6 =	sadd.s32 @!p0 s3, s7;
	s7 =	simm.s32 @!p0 $0x108  }
0x21: {  	s3 =	sadd.s32 s3, s9;
	s6 =	sadd.s32 @!p0 $0x88, s6;
	s7 =	simm.s32 @p2 $0x1082  }
0x22: {  	[simem:s7], [sflag:s8] =	dma.local @!p0 [hbm:s6], $0xF7A  }
0x23: {  	s9 =	sor.u32 $0xD0000000, s2;
	s6 =	simm.s32 $0x108;
	_ =	swait.ge @!p0 [sflag:s8], $0x0  }
0x24: {  	s3 =	sadd.s32 $0x88, s3;
	s6 =	simm.s32 @!p1 $0x1082;
	[sflag:s4] =	ssyncset.s32 $0xFFFFF086  }
0x25: {  	[simem:s6], [sflag:s4] =	dma.local [hbm:s3], $0xF7A  }
0x26: {  	[smem:$0x3F9F] =	sst s1;
	(tag) =	ssettag s2;
	_ =	strace s9  }
0x27: {  	s1 =	sld [smem:$0x3FAF]  }
0x28: {  	s2 =	sld [smem:$0x3FB0]  }
0x29: {  	s4 =	sld [smem:$0x3FB2]  }
0x2a: {  	p0 =	seq.s32 s5, $0x0;
	s5 =	sld [smem:$0x3FB3]  }
0x2b: {  	s6 =	sld [smem:$0x3FB4]  }
0x2c: {  	s7 =	sld [smem:$0x3FB5]  }
0x2d: {  	s3 =	simm.s32 $0x108;
	s8 =	sld [smem:$0x3FB6]  }
0x2e: {  	s3 =	simm.s32 @!p0 $0x1082;
	s9 =	sld [smem:$0x3FB7]  }
0x2f: {  	lr =	sadd.s32 s0, s3;
	s0 =	sld [smem:$0x3FAE]  }
0x30: {  	s3 =	sld [smem:$0x3FB1]  }
0x31: {  	[smem:$0x3FBA] =	sst s10  }
0x32: {  	s10 =	sld [smem:$0x3FB8];
	_ =	sdelay $0x3  }
0x33: {  	p0 =	seq.s32 s10, $0x1;
	s10 =	sld [smem:$0x3FBA];
	_ =	sdelay $0x3  }
0x34: {  	[smem:$0x3FBA] =	sst s10  }
0x35: {  	s10 =	sld [smem:$0x3FB9];
	_ =	sdelay $0x3  }
0x36: {  	p1 =	seq.s32 s10, $0x1;
	s10 =	sld [smem:$0x3FBA];
	_ =	sdelay $0x3  }
0x37: {  	[smem:$0x3FBA] =	sst s10  }
0x38: {  	s10 =	sld [smem:$0x3FBB]  }
0x39: {  	_ = 	snop;
	(pc) =	sbr.ind lr, $3  }
0x3a: {  	_ = 	snop  }
0x3b: {  	_ = 	snop  }
0x3c: {  	p2 =	seq.s32 s10, $0x1;
	s10 =	sld [smem:$0x3FBA]  }
0x3d: {  	_ =	shalt  }
0x3e: {  	_ =	shalt  }
0x3f: {  	_ =	shalt  }
0x40: {  	_ =	shalt  }
0x41: {  	_ =	shalt  }
0x42: {  	_ =	shalt  }
0x43: {  	_ =	shalt  }
0x44: {  	_ =	shalt  }
0x45: {  	_ =	shalt  }
0x46: {  	_ =	shalt  }
0x47: {  	_ =	shalt  }
0x48: {  	_ =	shalt  }
0x49: {  	_ =	shalt  }
0x4a: {  	_ =	shalt  }
0x4b: {  	_ =	shalt  }
0x4c: {  	_ =	shalt  }
0x4d: {  	_ =	shalt  }
0x4e: {  	_ =	shalt  }
0x4f: {  	_ =	shalt  }
0x50: {  	_ =	shalt  }
0x51: {  	_ =	shalt  }
0x52: {  	_ =	shalt  }
0x53: {  	_ =	shalt  }
0x54: {  	_ =	shalt  }
0x55: {  	_ =	shalt  }
0x56: {  	_ =	shalt  }
0x57: {  	_ =	shalt  }
0x58: {  	_ =	shalt  }
0x59: {  	_ =	shalt  }
0x5a: {  	_ =	shalt  }
0x5b: {  	_ =	shalt  }
0x5c: {  	_ =	shalt  }
0x5d: {  	_ =	shalt  }
0x5e: {  	_ =	shalt  }
0x5f: {  	_ =	shalt  }
0x60: {  	_ =	shalt  }
0x61: {  	_ =	shalt  }
0x62: {  	_ =	shalt  }
0x63: {  	_ =	shalt  }
0x64: {  	_ =	shalt  }
0x65: {  	_ =	shalt  }
0x66: {  	_ =	shalt  }
0x67: {  	_ =	shalt  }
0x68: {  	_ =	shalt  }
0x69: {  	_ =	shalt  }
0x6a: {  	_ =	shalt  }
0x6b: {  	_ =	shalt  }
0x6c: {  	_ =	shalt  }
0x6d: {  	_ =	shalt  }
0x6e: {  	_ =	shalt  }
0x6f: {  	_ =	shalt  }
0x70: {  	_ =	shalt  }
0x71: {  	_ =	shalt  }
0x72: {  	_ =	shalt  }
0x73: {  	_ =	shalt  }
0x74: {  	_ =	shalt  }
0x75: {  	_ =	shalt  }
0x76: {  	_ =	shalt  }
0x77: {  	_ =	shalt  }
0x78: {  	_ =	shalt  }
0x79: {  	_ =	shalt  }
0x7a: {  	_ =	shalt  }
0x7b: {  	_ =	shalt  }
0x7c: {  	_ =	shalt  }
0x7d: {  	_ =	shalt  }
0x7e: {  	_ =	shalt  }
0x7f: {  	_ =	shalt  }
0x80: {  	_ =	shalt  }
0x81: {  	_ =	shalt  }
0x82: {  	_ =	shalt  }
0x83: {  	_ =	shalt  }
0x84: {  	_ =	shalt  }
0x85: {  	_ =	shalt  }
0x86: {  	_ =	shalt  }
0x87: {  	_ =	shalt  }
.Lfunc_end0:
.L_simem_size_0:
called_computation_lowered:
.L_overlay_start_0:
0x88: {  	s2 =	sld [smem:$0x3FD9]  }
0x89: {  	s3 =	sld [smem:$0x3FFE];
	_ =	sdelay $0x1  }
0x8a: {  	s1 =	srdreg.scid  }
0x8b: {  	s0 =	sand.u32 $0x1, s1  }
0x8c: {  	s14 =	sshll.u32 s0, $0xA;
	s2 =	sadd.s32 s3, s2  }
0x8d: {  	s2 =	sadd.s32 s2, s14  }
0x8e: {  	[smem:$0x3FC6] =	sst s2  }
0x8f: {  	_ = 	snop  }
0x90: {  	s2 =	sld [smem:$0x3FD0];
	_ =	sdelay $0x2  }
0x91: {  	s4 =	simm.s32 $0xA;
	s5 =	simm.s32 $0x10;
	s15 =	sld [smem:$0x3FC8]  }
0x92: {  	[smem:s5], [sflag:s4] =	dma.local [hbm:s2], $0x1  }
0x93: {  	_ =	swait.eq [sflag:s4], $0x1  }
0x94: {  	[sflag:s4] =	ssyncset.done $0x0  }
0x95: {  	[sflag:s4] =	ssyncadd.s32 $0xFFFFFFFF  }
0x96: {  	s16 =	sld [smem:$0x10];
	(tm) =	ssettm $0x1  }
0x97: {  	s17 =	sld [smem:$0x3FFB];
	_ =	sdelay $0x3  }
0x98: {  	_ =	strace s17  }
0x99: {  	s4 =	sld [smem:$0x3FFC];
	_ =	sdelay $0x3  }
0x9a: {  	_ =	strace s4  }
0x9b: {  	s4 =	sld [smem:$0x3FFD];
	_ =	sdelay $0x3  }
0x9c: {  	_ =	strace s4  }
0x9d: {  	_ =	strace $0x8FFFFFFF  }
0x9e: {  	s18 =	sld [smem:$0x3FDB];
	_ =	sdelay $0x1  }
0x9f: {  	s19 =	simm.s32 $_scs_section_size  }
0xa0: {  	s6 =	simm.s32 $_size__tile_overlayer_lowered;
	s7 =	simm.s32 $_tile_overlayer_lowered  }
0xa1: {  	s22 =	simm.s32 $0x1BFF;
	s21 =	sshll.u32 s7, $0x1;
	s4 =	sadd.s32 s19, s18  }
0xa2: {  	s8 =	simm.s32 $0x0;
	s20 =	sshll.u32 s6, $0x1;
	s6 =	sadd.s32 s21, s4  }
0xa3: {  	[timem:s8], [sflag:s22] =	dma.local [hbm:s6], s20  }
0xa4: {  	_ =	swait.ge [sflag:s22], s20  }
0xa5: {  	s5 =	ssub.s32 $0x0, s20;
	[sflag:s22] =	ssyncset.done $0x0  }
0xa6: {  	[sflag:s22] =	ssyncadd.s32 s5;
	_ =	sdelay $0x1  }
0xa7: {  	s23 =	simm.s32 $0x1B8B  }
0xa8: {  	_ =	swait.ge [sflag:s23], $0x1  }
0xa9: {  	[sflag:s23] =	ssyncset.done $0x0  }
0xaa: {  	s25 =	simm.s32 $0x1B8E;
	s24 =	sld [smem:$0x3FFE];
	[sflag:s23] =	ssyncadd.s32 $0xFFFFFFFF  }
0xab: {  	s26 =	simm.s32 $execute0_lowered;
	[smem:$0x3FD2] =	sst s25  }
0xac: {  	s6 =	sshll.u32 s26, $0x1;
	_ =	strace $0x80000046;
	[dreg:$0x1] =	wrdreg $0xFFFFFFFF  }
0xad: {  	s28 =	simm.s32 $_size_execute0_lowered;
	s4 =	sadd.s32 s4, s6;
	[dreg:$0x0] =	wrdreg $0x0  }
0xae: {  	s6 =	sshll.u32 s28, $0x1;
	[dreg:$0x2] =	wrdreg s4  }
0xaf: {  	[dreg:$0x3] =	wrdreg s6  }
0xb0: {  	[dreg:$0x4] =	wrdreg $0xC0  }
0xb1: {  	_ =	task [dreg:s8], $0x5FFFF  }
0xb2: {  	[dreg:$0x1] =	wrdreg $0xFFFFFFFF  }
0xb3: {  	[dreg:$0x0] =	wrdreg $0x60  }
0xb4: {  	[dreg:$0x2] =	wrdreg s24  }
0xb5: {  	[dreg:$0x3] =	wrdreg s15  }
0xb6: {  	[dreg:$0x4] =	wrdreg s16  }
0xb7: {  	[dreg:$0x5] =	wrdreg $0x140000  }
0xb8: {  	[dreg:$0x6] =	wrdreg $0x1E0000  }
0xb9: {  	[dreg:$0x7] =	wrdreg $0x9  }
0xba: {  	_ =	task.clear_ibuf [dreg:s8], $0x8FFFF;
	_ =	strace $0x90000046  }
0xbb: {  	s29 =	simm.s32 $0x9;
	_ =	strace $0x80000048  }
0xbc: {  	_ =	swait.ge [sflag:s29], $0x1  }
0xbd: {  	[sflag:s29] =	ssyncadd.s32 $0xFFFFFFFF  }
0xbe: {  	_ =	strace $0x90000048  }
0xbf: {  	_ =	sfence  }
0xc0: {  	s30 =	sld [smem:$0x0];
	_ =	sdelay $0x2  }
0xc1: {  	s31 =	sshll.u32 s1, $0xD;
	s1 =	sshrl.u32 s1, $0x2  }
0xc2: {  	s3 =	sand.u32 $0x4000, s31;
	s1 =	sadd.s32 s1, s30  }
0xc3: {  	s0 =	sor.u32 s3, s0;
	s1 =	sshll.u32 s1, $0x11  }
0xc4: {  	s0 =	sor.u32 s1, s0  }
0xc5: {  	s0 =	sadd.s32 $0x8F2B, s0  }
0xc6: {  	[sflag:s0] =	ssyncadd.remote.s32 $0x1  }
0xc7: {  	_ =	sfence.sel $0xFFFF  }
0xc8: {  	[dreg:$0x0] =	wrdreg $0xFFFFFFFF;
	(pc) =	sbr.abs _section_cstart, $3  }
0xc9: {  	[dreg:$0x1] =	wrdreg $0xFFFFFFFF  }
0xca: {  	_ =	task.clear_ibuf [dreg:s8], $0x2FFFF;
	_ =	strace $0x9FFFFFFF  }
0xcb: {  	(tm) =	ssettm $0x7FFFFFFF  }
tec
execute0_lowered:
.L_overlay_start_1:
0x0: {  	(tag) =	ssettag $0x1  }
0x1: {  	s1 =	rddreg [dreg:$0x0]  }
0x2: {  	s4 =	rddreg [dreg:$0x1]  }
0x3: {  	s6 =	rddreg [dreg:$0x2]  }
0x4: {  	s2 =	rddreg [dreg:$0x3];
	s0 =	srdreg.scid  }
0x5: {  	s16 =	stileid.u32;
	s3 =	rddreg [dreg:$0x4]  }
0x6: {  	s8 =	simm.s32 $0x0;
	s30 =	simm.s32 $0xDD00;
	s7 =	smul.u32 $0x280, s16  }
0x7: {  	s29 =	simm.s32 $0x3;
	s31 =	simm.s32 $0x4;
	s11 =	smul.u32 $0xA000, s16  }
0x8: {  	s0 =	sand.u32 $0x1, s0;
	[smem:$0x7FF] =	sst s8;
	s12 =	smul.u32 $0x1380, s16  }
0x9: {  	s26 =	sshll.u32 s16, $0x5;
	p0 =	sgt.u32 s16, $0x3;
	s5 =	smul.u32 $0x2800, s0  }
0xa: {  	_ =	strace $0x80000047;
	s22 =	ssub.s32 $0x2, s0;
	s15 =	smul.u32 $0xA0000, s0  }
0xb: {  	p4 =	sne.s32 @!p0 s0, $0x0;
	p1 =	sne.s32 s0, $0x0;
	p2 =	seq.s32 s0, $0x0  }
0xc: {  	v0 =	vmov s0;
	s0 =	simm.s32 $0x8;
	s10 =	sshrl.u32 s22, $0x1;
	s17 =	sadd.s32 s11, s2  }
0xd: {  	s23 =	sadd.s32 $0x2000, s11;
	s24 =	sadd.s32 $0x4000, s11;
	s13 =	sadd.s32 $0x6000, s11  }
0xe: {  	s14 =	sadd.s32 $0x8000, s11;
	s25 =	sadd.s32 s4, s12;
	s4 =	sadd.s32 s26, s4  }
0xf: {  	p3 =	por !p4, p0;
	p4 =	por p4, p0;
	s5 =	sadd.s32 s7, s5  }
0x10: {  	s8 =	ssub.s32 s22, s10;
	s18 =	sadd.s32 s23, s2;
	[dreg:$0xc] =	wrdreg s25  }
0x11: {  	s19 =	sadd.s32 s24, s2;
	s4 =	sadd.s32 $0x13800, s4;
	[dreg:$0x6] =	wrdreg s17  }
0x12: {  	s20 =	sadd.s32 s13, s2;
	s21 =	sadd.s32 s14, s2;
	[dreg:$0xd] =	wrdreg s4  }
0x13: {  	s22 =	sadd.s32 s7, s3;
	s11 =	sadd.s32 s11, s15;
	[dreg:$0x7] =	wrdreg s18  }
0x14: {  	s12 =	sadd.s32 s15, s24;
	s24 =	sadd.s32 s15, s14;
	[dreg:$0x8] =	wrdreg s19  }
0x15: {  	s10 =	simm.s32 $0x9D00;
	s9 =	sshrl.u32 s5, $0x3;
	[dreg:$0x9] =	wrdreg s20  }
0x16: {  	s5 =	sadd.s32 $0x800, s1;
	s28 =	sshrl.u32 s11, $0x3;
	[dreg:$0xa] =	wrdreg s21  }
0x17: {  	s26 =	sshrl.u32 s24, $0x3;
	s24 =	simm.s32 $0x80;
	[dreg:$0xb] =	wrdreg s22  }
0x18: {  	s1 =	sadd.s32 s9, s1;
	s9 =	sadd.s32 s15, s23;
	s7 =	sadd.s32 s6, s28  }
0x19: {  	s23 =	sadd.s32 s15, s13;
	s28 =	smax.u32 s8, $0x1;
	[dreg:$0xe] =	wrdreg s7  }
0x1a: {  	s11 =	sshrl.u32 s9, $0x3;
	s7 =	sshrl.u32 s23, $0x3;
	s1 =	sadd.s32 $0x27A00, s1  }
0x1b: {  	[dreg:$0x14] =	wrdreg s28;
	s9 =	simm.s32 $0xD;
	s23 =	simm.s32 $0x2  }
0x1c: {  	s4 =	sadd.s32 s6, s11;
	s25 =	sadd.s32 s6, s7;
	[dreg:$0x13] =	wrdreg s1  }
0x1d: {  	s11 =	simm.s32 $0xBD00;
	[dreg:$0xf] =	wrdreg s4;
	s4 =	sshrl.u32 s12, $0x3  }
0x1e: {  	[dreg:$0x11] =	wrdreg s25;
	s12 =	simm.s32 $0xFD00;
	s4 =	sadd.s32 s6, s4  }
0x1f: {  	[dreg:$0x10] =	wrdreg s4;
	s4 =	sadd.s32 s6, s26;
	s26 =	simm.s32 $0x6  }
0x20: {  	v1 =	vimm.f32 $0.0e+00;
	v2 =	vimm.f32 $1.000000000e+00;
	s6 =	simm.s32 $0x0;
	[dreg:$0x12] =	wrdreg s4;
	s4 =	simm.s32 $0x1  }
.LBB2_1:
0x21: {  	[dreg:$0x15] =	wrdreg s6;
	s7 =	simm.s32 $0x100;
	s6 =	simm.s32 $0x0  }
.LBB2_2:
0x22: {  	p5 =	sne.s32 s7, $0x7F00;
	[tilespmem:s6+$0x11DB0] =	vst v1;
	s8 =	smov.u32 s7;
	s7 =	sadd.s32 $0x100, s7  }
.Ltmp0:
0x23: {  	[tilespmem:s6+$0x11DA0] =	vst v1;
	(pc) =	sbr.rel @p5 .LBB2_2-.Ltmp0, $3  }
0x24: {  	[tilespmem:s6+$0x11D80] =	vst v1  }
0x25: {  	[tilespmem:s6+$0x11D90] =	vst v1;
	_ =	sdelay $0x1  }
0x26: {  	s6 =	sshra.s32 s8, $0x2  }
0x27: {  	[tilespmem:s6+$0x11DB0] =	vst v1  }
0x28: {  	[tilespmem:s6+$0x11DA0] =	vst v1  }
0x29: {  	[tilespmem:s6+$0x11D80] =	vst v1  }
0x2a: {  	[tilespmem:s6+$0x11D90] =	vst v1  }
0x2b: {  	[tilespmem:$0x13D80] =	vst v1  }
0x2c: {  	[tilespmem:$0x13D90] =	vst v1  }
0x2d: {  	[tilespmem:$0x13DA0] =	vst v1  }
0x2e: {  	[tilespmem:$0x13DB0] =	vst v1  }
0x2f: {  	[tilespmem:$0x13DC0] =	vst v1  }
0x30: {  	[tilespmem:$0x13DD0] =	vst v1  }
0x31: {  	[tilespmem:$0x13DE0] =	vst v1  }
0x32: {  	[tilespmem:$0x13DF0] =	vst v1  }
0x33: {  	[tilespmem:$0x13E00] =	vst v1  }
0x34: {  	[tilespmem:$0x13E10] =	vst v1  }
0x35: {  	[tilespmem:$0x13E20] =	vst v1  }
0x36: {  	[tilespmem:$0x13E30] =	vst v1  }
0x37: {  	[tilespmem:$0x13E40] =	vst v1  }
0x38: {  	[tilespmem:$0x13E50] =	vst v1  }
0x39: {  	[tilespmem:$0x13E60] =	vst v1  }
0x3a: {  	[tilespmem:$0x13E70] =	vst v1  }
0x3b: {  	[tilespmem:$0x13E80] =	vst v1  }
0x3c: {  	[tilespmem:$0x13E90] =	vst v1  }
0x3d: {  	[tilespmem:$0x13EA0] =	vst v1  }
0x3e: {  	[tilespmem:$0x13EB0] =	vst v1  }
0x3f: {  	[tilespmem:$0x13EC0] =	vst v1  }
0x40: {  	[tilespmem:$0x13ED0] =	vst v1  }
0x41: {  	[tilespmem:$0x13EE0] =	vst v1  }
0x42: {  	[tilespmem:$0x13EF0] =	vst v1  }
0x43: {  	[tilespmem:$0x13F00] =	vst v1  }
0x44: {  	[tilespmem:$0x13F10] =	vst v1  }
0x45: {  	[tilespmem:$0x13F20] =	vst v1  }
0x46: {  	[tilespmem:$0x13F30] =	vst v1  }
0x47: {  	[tilespmem:$0x13F40] =	vst v1  }
0x48: {  	[tilespmem:$0x13F50] =	vst v1  }
0x49: {  	[tilespmem:$0x13F60] =	vst v1  }
0x4a: {  	[tilespmem:$0x13F70] =	vst v1  }
0x4b: {  	[tilespmem:$0x13F80] =	vst v1  }
0x4c: {  	[tilespmem:$0x13F90] =	vst v1  }
0x4d: {  	[tilespmem:$0x13FA0] =	vst v1  }
0x4e: {  	[tilespmem:$0x13FB0] =	vst v1  }
0x4f: {  	[tilespmem:$0x13FC0] =	vst v1  }
0x50: {  	[tilespmem:$0x13FD0] =	vst v1  }
0x51: {  	[tilespmem:$0x13FE0] =	vst v1  }
0x52: {  	[tilespmem:$0x13FF0] =	vst v1  }
0x53: {  	[tilespmem:$0x11D00] =	vst v2  }
0x54: {  	[tilespmem:$0x11D10] =	vst v2  }
0x55: {  	[tilespmem:$0x11D20] =	vst v2  }
0x56: {  	[tilespmem:$0x11D30] =	vst v2  }
0x57: {  	[tilespmem:$0x11D40] =	vst v2  }
0x58: {  	[tilespmem:$0x11D50] =	vst v2  }
0x59: {  	[tilespmem:$0x11D60] =	vst v2  }
0x5a: {  	s1 =	simm.s32 $0x11D80;
	[tilespmem:$0x11D70] =	vst v2  }
0x5b: {  	[spmem:s17] =	stream.linear.scatter [tilespmem:s1], [sflag:$0xD], $0x2000, $0x38;
	[tilespmem:$0x1E280] =	vst v63  }
0x5c: {  	_ =	swait.ge [sflag:s9], $0x2000  }
0x5d: {  	[sflag:s9] =	ssyncset.done $0x0  }
0x5e: {  	[sflag:s9] =	ssyncadd.s32 $0xFFFFE000  }
0x5f: {  	[spmem:s18] =	stream.linear.scatter [tilespmem:s1], [sflag:$0xD], $0x2000, $0x38;
	[tilespmem:$0x1E280] =	vst v63  }
0x60: {  	_ =	swait.ge [sflag:s9], $0x2000  }
0x61: {  	[sflag:s9] =	ssyncset.done $0x0  }
0x62: {  	[sflag:s9] =	ssyncadd.s32 $0xFFFFE000  }
0x63: {  	[spmem:s19] =	stream.linear.scatter [tilespmem:s1], [sflag:$0xD], $0x2000, $0x38;
	[tilespmem:$0x1E280] =	vst v63  }
0x64: {  	_ =	swait.ge [sflag:s9], $0x2000  }
0x65: {  	[sflag:s9] =	ssyncset.done $0x0  }
0x66: {  	[sflag:s9] =	ssyncadd.s32 $0xFFFFE000  }
0x67: {  	[spmem:s20] =	stream.linear.scatter [tilespmem:s1], [sflag:$0xD], $0x2000, $0x38;
	[tilespmem:$0x1E280] =	vst v63  }
0x68: {  	_ =	swait.ge [sflag:s9], $0x2000  }
0x69: {  	[sflag:s9] =	ssyncset.done $0x0  }
0x6a: {  	[sflag:s9] =	ssyncadd.s32 $0xFFFFE000  }
0x6b: {  	[spmem:s21] =	stream.linear.scatter [tilespmem:s1], [sflag:$0xD], $0x2000, $0x38;
	[tilespmem:$0x1E280] =	vst v63  }
0x6c: {  	_ =	swait.ge [sflag:s9], $0x2000  }
0x6d: {  	[sflag:s9] =	ssyncset.done $0x0  }
0x6e: {  	s18 =	simm.s32 $0x13D80;
	[sflag:s9] =	ssyncadd.s32 $0xFFFFE000  }
0x6f: {  	[spmem:s22] =	stream.linear.scatter [tilespmem:s18], [sflag:$0xD], $0x280, $0x38;
	[tilespmem:$0x1E280] =	vst v63  }
0x70: {  	_ =	swait.ge [sflag:s9], $0x280  }
0x71: {  	[sflag:s9] =	ssyncset.done $0x0  }
0x72: {  	s19 =	simm.s32 $0x0;
	s20 =	rddreg [dreg:$0xc];
	[sflag:s9] =	ssyncadd.s32 $0xFFFFFD80  }
0x73: {  	[tilespmem:s19], [sflag:$0xD] =	stream.linear.gather [hbm4b:s20+s19], $0x9C00, $0x38;
	[tilespmem:$0x1E280] =	vst v63  }
0x74: {  	_ =	swait.ge [sflag:s9], $0x9C00  }
0x75: {  	s6 =	simm.s32 @!p0 $0x0;
	[sflag:s9] =	ssyncset.done $0x0  }
0x76: {  	s7 =	simm.s32 @!p0 $0x9C00;
	s1 =	rddreg [dreg:$0xd];
	[sflag:s9] =	ssyncadd.s32 $0xFFFF6400  }
0x77: {  	[tilespmem:s7], [sflag:$0xD] =	stream.linear.gather @!p0 [hbm4b:s1+s6], $0x100, $0x38;
	[tilespmem:$0x1E280] =	vst v63  }
0x78: {  	s6 =	simm.s32 @!p0 $0xD  }
0x79: {  	_ =	swait.ge @!p0 [sflag:s6], $0x100  }
0x7a: {  	[sflag:s6] =	ssyncset.done @!p0 $0x0  }
0x7b: {  	[sflag:s6] =	ssyncadd.s32 @!p0 $0xFFFFFF00  }
0x7c: {  	[bflag:$0x0] =	sbarrier.arrive $0xFFFF  }
0x7d: {  	v3 =	vld [tilespmem:$0x0]  }
0x7e: {  	v4 =	vld [tilespmem:$0x10]  }
0x7f: {  	v5 =	vld [tilespmem:$0x20]  }
0x80: {  	v6 =	vld [tilespmem:$0x30]  }
0x81: {  	v7 =	vld [tilespmem:$0x40]  }
0x82: {  	v8 =	vld [tilespmem:$0x50];
	v3 =	vshll.u32 v3, $0x1  }
0x83: {  	v9 =	vld [tilespmem:$0x60];
	v4 =	vshll.u32 v4, $0x1;
	v3 =	vor.u32 v0, v3  }
0x84: {  	[tilespmem:$0x0] =	vst v3;
	v3 =	vor.u32 v0, v4;
	v4 =	vshll.u32 v5, $0x1;
	v5 =	vld [tilespmem:$0x70]  }
0x85: {  	[tilespmem:$0x10] =	vst v3;
	v3 =	vor.u32 v0, v4;
	v4 =	vshll.u32 v6, $0x1  }
0x86: {  	[tilespmem:$0x20] =	vst v3;
	v3 =	vor.u32 v0, v4;
	v4 =	vshll.u32 v7, $0x1  }
0x87: {  	[tilespmem:$0x30] =	vst v3;
	v3 =	vor.u32 v0, v4;
	v4 =	vshll.u32 v8, $0x1  }
0x88: {  	[tilespmem:$0x40] =	vst v3;
	v3 =	vor.u32 v0, v4;
	v4 =	vshll.u32 v9, $0x1  }
0x89: {  	[tilespmem:$0x50] =	vst v3;
	v3 =	vor.u32 v0, v4;
	v4 =	vshll.u32 v5, $0x1  }
0x8a: {  	[tilespmem:$0x60] =	vst v3;
	v3 =	vor.u32 v0, v4  }
0x8b: {  	s13 =	simm.s32 $0x0;
	[tilespmem:$0x70] =	vst v3  }
0x8c: {  	[tilespmem:s10], [sflag:$0x1] =	stream.indirect.gather [hbm4b:s5+s24], $0x40, s13, s24, $0xb8;
	[tilespmem:$0x1E280] =	vst v63  }
0x8d: {  	v3 =	vld [tilespmem:$0x100]  }
0x8e: {  	v4 =	vld [tilespmem:$0x110]  }
0x8f: {  	v5 =	vld [tilespmem:$0x120]  }
0x90: {  	v6 =	vld [tilespmem:$0x130]  }
0x91: {  	v7 =	vld [tilespmem:$0x140]  }
0x92: {  	v8 =	vld [tilespmem:$0x150];
	v3 =	vshll.u32 v3, $0x1  }
0x93: {  	v61 =	vld [tilespmem:$0x160];
	v4 =	vshll.u32 v4, $0x1;
	v3 =	vor.u32 v0, v3  }
0x94: {  	[tilespmem:$0x100] =	vst v3;
	v3 =	vor.u32 v0, v4;
	v4 =	vshll.u32 v5, $0x1;
	v5 =	vld [tilespmem:$0x170]  }
0x95: {  	[tilespmem:$0x110] =	vst v3;
	v3 =	vor.u32 v0, v4;
	v4 =	vshll.u32 v6, $0x1  }
0x96: {  	[tilespmem:$0x120] =	vst v3;
	v3 =	vor.u32 v0, v4;
	v4 =	vshll.u32 v7, $0x1  }
0x97: {  	[tilespmem:$0x130] =	vst v3;
	v3 =	vor.u32 v0, v4;
	v4 =	vshll.u32 v8, $0x1  }
0x98: {  	[tilespmem:$0x140] =	vst v3;
	v3 =	vor.u32 v0, v4;
	v4 =	vshll.u32 v61, $0x1  }
0x99: {  	[tilespmem:$0x150] =	vst v3;
	v3 =	vor.u32 v0, v4;
	v4 =	vshll.u32 v5, $0x1  }
0x9a: {  	[tilespmem:$0x160] =	vst v3;
	v3 =	vor.u32 v0, v4  }
0x9b: {  	s21 =	simm.s32 $0x100;
	[tilespmem:$0x170] =	vst v3  }
0x9c: {  	[tilespmem:s11], [sflag:$0x2] =	stream.indirect.gather [hbm4b:s5+s24], $0x40, s21, s24, $0xb8;
	[tilespmem:$0x1E280] =	vst v63  }
0x9d: {  	v3 =	vld [tilespmem:$0x200]  }
0x9e: {  	v4 =	vld [tilespmem:$0x210]  }
0x9f: {  	v5 =	vld [tilespmem:$0x220]  }
0xa0: {  	v6 =	vld [tilespmem:$0x230]  }
0xa1: {  	v7 =	vld [tilespmem:$0x240]  }
0xa2: {  	v8 =	vld [tilespmem:$0x250];
	v3 =	vshll.u32 v3, $0x1  }
0xa3: {  	v62 =	vld [tilespmem:$0x260];
	v4 =	vshll.u32 v4, $0x1;
	v3 =	vor.u32 v0, v3  }
0xa4: {  	[tilespmem:$0x200] =	vst v3;
	v3 =	vor.u32 v0, v4;
	v4 =	vshll.u32 v5, $0x1;
	v5 =	vld [tilespmem:$0x270]  }
0xa5: {  	[tilespmem:$0x210] =	vst v3;
	v3 =	vor.u32 v0, v4;
	v4 =	vshll.u32 v6, $0x1  }
0xa6: {  	[tilespmem:$0x220] =	vst v3;
	v3 =	vor.u32 v0, v4;
	v4 =	vshll.u32 v7, $0x1  }
0xa7: {  	[tilespmem:$0x230] =	vst v3;
	v3 =	vor.u32 v0, v4;
	v4 =	vshll.u32 v8, $0x1  }
0xa8: {  	[tilespmem:$0x240] =	vst v3;
	v3 =	vor.u32 v0, v4;
	v4 =	vshll.u32 v62, $0x1  }
0xa9: {  	[tilespmem:$0x250] =	vst v3;
	v3 =	vor.u32 v0, v4;
	v4 =	vshll.u32 v5, $0x1  }
0xaa: {  	[tilespmem:$0x260] =	vst v3;
	v3 =	vor.u32 v0, v4  }
0xab: {  	s22 =	simm.s32 $0x200;
	[tilespmem:$0x270] =	vst v3  }
0xac: {  	[tilespmem:s30], [sflag:$0x3] =	stream.indirect.gather [hbm4b:s5+s24], $0x40, s22, s24, $0xb8;
	[tilespmem:$0x1E280] =	vst v63  }
0xad: {  	v3 =	vld [tilespmem:$0x300]  }
0xae: {  	v4 =	vld [tilespmem:$0x310]  }
0xaf: {  	v5 =	vld [tilespmem:$0x320]  }
0xb0: {  	v6 =	vld [tilespmem:$0x330]  }
0xb1: {  	v7 =	vld [tilespmem:$0x340]  }
0xb2: {  	v8 =	vld [tilespmem:$0x350];
	v3 =	vshll.u32 v3, $0x1  }
0xb3: {  	v63 =	vld [tilespmem:$0x360];
	v4 =	vshll.u32 v4, $0x1;
	v3 =	vor.u32 v0, v3  }
0xb4: {  	[tilespmem:$0x300] =	vst v3;
	v3 =	vor.u32 v0, v4;
	v4 =	vshll.u32 v5, $0x1;
	v5 =	vld [tilespmem:$0x370]  }
0xb5: {  	[tilespmem:$0x310] =	vst v3;
	v3 =	vor.u32 v0, v4;
	v4 =	vshll.u32 v6, $0x1  }
0xb6: {  	[tilespmem:$0x320] =	vst v3;
	v3 =	vor.u32 v0, v4;
	v4 =	vshll.u32 v7, $0x1  }
0xb7: {  	[tilespmem:$0x330] =	vst v3;
	v3 =	vor.u32 v0, v4;
	v4 =	vshll.u32 v8, $0x1  }
0xb8: {  	[tilespmem:$0x340] =	vst v3;
	v3 =	vor.u32 v0, v4;
	v4 =	vshll.u32 v63, $0x1  }
0xb9: {  	[tilespmem:$0x350] =	vst v3;
	v3 =	vor.u32 v0, v4;
	v4 =	vshll.u32 v5, $0x1  }
0xba: {  	[tilespmem:$0x360] =	vst v3;
	v3 =	vor.u32 v0, v4  }
0xbb: {  	s25 =	simm.s32 $0x300;
	[tilespmem:$0x370] =	vst v3  }
0xbc: {  	[tilespmem:s12], [sflag:$0x4] =	stream.indirect.gather [hbm4b:s5+s24], $0x40, s25, s24, $0xb8;
	[tilespmem:$0x1E280] =	vst v63  }
0xbd: {  	_ =	swait.ge [sflag:s4], $0x2000  }
0xbe: {  	[sflag:s4] =	ssyncset.done $0x0  }
0xbf: {  	s6 =	simm.s32 $0x80;
	[sflag:s4] =	ssyncadd.s32 $0xFFFFE000  }
0xc0: {  	[spmem:s2] =	stream.indirect.scatter.add.f32 [tilespmem:s10], [sflag:$0x5], $0x40, s6, s24, $0xb8;
	[tilespmem:$0x1E280] =	vst v63  }
0xc1: {  	s15 =	simm.s32 @!p1 $0x80;
	s16 =	simm.s32 @!p1 $0x11D00  }
0xc2: {  	[spmem:s3] =	stream.indirect.scatter.add.f32 @!p1 [tilespmem:s16], [sflag:$0x9], $0x1, s6, s15, $0xb8;
	[tilespmem:$0x1E280] =	vst v63  }
0xc3: {  	_ =	swait.ge [sflag:s23], $0x2000  }
0xc4: {  	[sflag:s23] =	ssyncset.done $0x0  }
0xc5: {  	s17 =	simm.s32 @p2 $0x5;
	s7 =	simm.s32 $0x180;
	[sflag:s23] =	ssyncadd.s32 $0xFFFFE000  }
0xc6: {  	[spmem:s2] =	stream.indirect.scatter.add.f32 [tilespmem:s11], [sflag:$0x6], $0x40, s7, s24, $0xb8;
	[tilespmem:$0x1E280] =	vst v63  }
0xc7: {  	_ =	swait.ge @p2 [sflag:s17], $0x2000  }
0xc8: {  	[sflag:s17] =	ssyncset.done @p2 $0x0  }
0xc9: {  	s18 =	simm.s32 @p2 $0x9;
	[sflag:s17] =	ssyncadd.s32 @p2 $0xFFFFE000  }
0xca: {  	_ =	swait.ge @p2 [sflag:s18], $0x80  }
0xcb: {  	s14 =	simm.s32 @!p0 $0x9D;
	s19 =	simm.s32 @!p2 $0x5;
	[sflag:s18] =	ssyncset.done @p2 $0x0  }
0xcc: {  	s20 =	simm.s32 @!p2 $0x80;
	s6 =	simm.s32 @!p2 $0x11D00;
	[sflag:s18] =	ssyncadd.s32 @p2 $0xFFFFFF80  }
0xcd: {  	[spmem:s3] =	stream.indirect.scatter.add.f32 @!p2 [tilespmem:s6], [sflag:$0xA], $0x1, s7, s20, $0xb8;
	[tilespmem:$0x1E280] =	vst v63  }
0xce: {  	s14 =	simm.s32 @p0 $0x9C;
	_ =	swait.ge @!p2 [sflag:s19], $0x2000  }
0xcf: {  	p5 =	sle.u32 s14, $0x4;
	[sflag:s19] =	ssyncset.done @!p2 $0x0  }
0xd0: {  	s7 =	simm.s32 @!p5 $0x0;
	[sflag:s19] =	ssyncadd.s32 @!p2 $0xFFFFE000  }
0xd1: {  	v3 =	vld @!p5 [tilespmem:s7+$0x470]  }
0xd2: {  	v4 =	vld @!p5 [tilespmem:s7+$0x460]  }
0xd3: {  	v5 =	vld @!p5 [tilespmem:s7+$0x450]  }
0xd4: {  	v6 =	vld @!p5 [tilespmem:s7+$0x420]  }
0xd5: {  	v8 =	vld @!p5 [tilespmem:s7+$0x410]  }
0xd6: {  	v7 =	vld @!p5 [tilespmem:s7+$0x430];
	v3 =	vshll.u32 @!p5 v3, $0x1  }
0xd7: {  	v9 =	vld @!p5 [tilespmem:s7+$0x400];
	v4 =	vshll.u32 @!p5 v4, $0x1;
	v3 =	vor.u32 @!p5 v0, v3  }
0xd8: {  	v10 =	vld @!p5 [tilespmem:s7+$0x440];
	v5 =	vshll.u32 @!p5 v5, $0x1;
	v4 =	vor.u32 @!p5 v0, v4;
	[tilespmem:s7+$0x470] =	vst @!p5 v3  }
0xd9: {  	v5 =	vor.u32 @!p5 v0, v5;
	v3 =	vshll.u32 @!p5 v6, $0x1;
	[tilespmem:s7+$0x460] =	vst @!p5 v4  }
0xda: {  	[tilespmem:s7+$0x450] =	vst @!p5 v5;
	v5 =	vshll.u32 @!p5 v8, $0x1;
	v3 =	vor.u32 @!p5 v0, v3  }
0xdb: {  	v4 =	vshll.u32 @!p5 v7, $0x1;
	v5 =	vor.u32 @!p5 v0, v5;
	[tilespmem:s7+$0x420] =	vst @!p5 v3  }
0xdc: {  	v3 =	vor.u32 @!p5 v0, v4;
	v4 =	vshll.u32 @!p5 v9, $0x1;
	[tilespmem:s7+$0x410] =	vst @!p5 v5  }
0xdd: {  	[tilespmem:s7+$0x430] =	vst @!p5 v3;
	v3 =	vor.u32 @!p5 v0, v4;
	v4 =	vshll.u32 @!p5 v10, $0x1  }
0xde: {  	[tilespmem:s7+$0x400] =	vst @!p5 v3;
	v3 =	vor.u32 @!p5 v0, v4  }
0xdf: {  	s8 =	simm.s32 @!p5 $0x400;
	s9 =	simm.s32 @!p5 $0x9D00;
	[tilespmem:s7+$0x440] =	vst @!p5 v3;
	s7 =	simm.s32 @!p5 $0x80  }
0xe0: {  	[tilespmem:s9], [sflag:$0x1] =	stream.indirect.gather @!p5 [hbm4b:s5+s7], $0x40, s8, s7, $0xb8;
	[tilespmem:$0x1E280] =	vst v63  }
0xe1: {  	_ =	swait.ge [sflag:s26], $0x2000  }
0xe2: {  	[sflag:s26] =	ssyncset.done $0x0  }
0xe3: {  	s7 =	simm.s32 @!p2 $0xA;
	[sflag:s26] =	ssyncadd.s32 $0xFFFFE000  }
0xe4: {  	_ =	swait.ge @!p2 [sflag:s7], $0x80  }
0xe5: {  	p5 =	sle.u32 s14, $0x5;
	[sflag:s7] =	ssyncset.done @!p2 $0x0  }
0xe6: {  	s8 =	simm.s32 @!p5 $0x0;
	[sflag:s7] =	ssyncadd.s32 @!p2 $0xFFFFFF80  }
0xe7: {  	v3 =	vld @!p5 [tilespmem:s8+$0x560]  }
0xe8: {  	v4 =	vld @!p5 [tilespmem:s8+$0x520]  }
0xe9: {  	v5 =	vld @!p5 [tilespmem:s8+$0x550]  }
0xea: {  	v6 =	vld @!p5 [tilespmem:s8+$0x570]  }
0xeb: {  	v7 =	vld @!p5 [tilespmem:s8+$0x540]  }
0xec: {  	v8 =	vld @!p5 [tilespmem:s8+$0x500];
	v3 =	vshll.u32 @!p5 v3, $0x1  }
0xed: {  	v9 =	vld @!p5 [tilespmem:s8+$0x530];
	v4 =	vshll.u32 @!p5 v4, $0x1;
	v3 =	vor.u32 @!p5 v0, v3  }
0xee: {  	v10 =	vld @!p5 [tilespmem:s8+$0x510];
	[tilespmem:s8+$0x560] =	vst @!p5 v3;
	v3 =	vor.u32 @!p5 v0, v4;
	v4 =	vshll.u32 @!p5 v5, $0x1  }
0xef: {  	v5 =	vshll.u32 @!p5 v6, $0x1;
	[tilespmem:s8+$0x520] =	vst @!p5 v3;
	v3 =	vor.u32 @!p5 v0, v4  }
0xf0: {  	v4 =	vor.u32 @!p5 v0, v5;
	v5 =	vshll.u32 @!p5 v7, $0x1;
	[tilespmem:s8+$0x550] =	vst @!p5 v3  }
0xf1: {  	v3 =	vor.u32 @!p5 v0, v5;
	v5 =	vshll.u32 @!p5 v8, $0x1;
	[tilespmem:s8+$0x570] =	vst @!p5 v4  }
0xf2: {  	v4 =	vor.u32 @!p5 v0, v5;
	v5 =	vshll.u32 @!p5 v9, $0x1;
	[tilespmem:s8+$0x540] =	vst @!p5 v3  }
0xf3: {  	v3 =	vshll.u32 @!p5 v10, $0x1;
	[tilespmem:s8+$0x500] =	vst @!p5 v4;
	v4 =	vor.u32 @!p5 v0, v5  }
0xf4: {  	v3 =	vor.u32 @!p5 v0, v3;
	[tilespmem:s8+$0x530] =	vst @!p5 v4  }
0xf5: {  	s9 =	simm.s32 @!p5 $0x500;
	s10 =	simm.s32 @!p5 $0xBD00;
	[tilespmem:s8+$0x510] =	vst @!p5 v3;
	s8 =	simm.s32 @!p5 $0x80  }
0xf6: {  	[tilespmem:s10], [sflag:$0x2] =	stream.indirect.gather @!p5 [hbm4b:s5+s8], $0x40, s9, s8, $0xb8;
	[tilespmem:$0x1E280] =	vst v63  }
0xf7: {  	_ =	swait.ge [sflag:s29], $0x2000  }
0xf8: {  	[sflag:s29] =	ssyncset.done $0x0  }
0xf9: {  	s8 =	simm.s32 $0x280;
	[sflag:s29] =	ssyncadd.s32 $0xFFFFE000  }
0xfa: {  	[spmem:s2] =	stream.indirect.scatter.add.f32 [tilespmem:s30], [sflag:$0x7], $0x40, s8, s24, $0xb8;
	[tilespmem:$0x1E280] =	vst v63  }
0xfb: {  	_ = 	snop  }
0xfc: {  	[spmem:s3] =	stream.indirect.scatter.add.f32 @!p1 [tilespmem:s16], [sflag:$0xB], $0x1, s8, s15, $0xb8;
	[tilespmem:$0x1E280] =	vst v63  }
0xfd: {  	_ =	swait.ge [sflag:s31], $0x2000  }
0xfe: {  	[sflag:s31] =	ssyncset.done $0x0  }
0xff: {  	s9 =	simm.s32 @p2 $0x7;
	s8 =	simm.s32 $0x380;
	[sflag:s31] =	ssyncadd.s32 $0xFFFFE000  }
0x100: {  	[spmem:s2] =	stream.indirect.scatter.add.f32 [tilespmem:s12], [sflag:$0x8], $0x40, s8, s24, $0xb8;
	[tilespmem:$0x1E280] =	vst v63  }
0x101: {  	_ =	swait.ge @p2 [sflag:s9], $0x2000  }
0x102: {  	[sflag:s9] =	ssyncset.done @p2 $0x0  }
0x103: {  	s10 =	simm.s32 @p2 $0xB;
	[sflag:s9] =	ssyncadd.s32 @p2 $0xFFFFE000  }
0x104: {  	_ =	swait.ge @p2 [sflag:s10], $0x80  }
0x105: {  	[sflag:s10] =	ssyncset.done @p2 $0x0  }
0x106: {  	s11 =	simm.s32 @!p2 $0x7;
	[sflag:s10] =	ssyncadd.s32 @p2 $0xFFFFFF80  }
0x107: {  	[spmem:s3] =	stream.indirect.scatter.add.f32 @!p2 [tilespmem:s6], [sflag:$0xC], $0x1, s8, s20, $0xb8;
	[tilespmem:$0x1E280] =	vst v63  }
0x108: {  	_ =	swait.ge @!p2 [sflag:s11], $0x2000  }
0x109: {  	p6 =	sle.u32 s14, $0x6;
	[sflag:s11] =	ssyncset.done @!p2 $0x0  }
0x10a: {  	s25 =	simm.s32 @!p6 $0x0;
	[sflag:s11] =	ssyncadd.s32 @!p2 $0xFFFFE000  }
0x10b: {  	v5 =	vld @!p6 [tilespmem:s25+$0x670]  }
0x10c: {  	v6 =	vld @!p6 [tilespmem:s25+$0x640]  }
0x10d: {  	s28 =	simm.s32 @!p6 $0x600;
	v4 =	vld @!p6 [tilespmem:s25+$0x660]  }
0x10e: {  	s21 =	simm.s32 $0x7;
	s12 =	simm.s32 $0x1000;
	s8 =	simm.s32 $0x7;
	v3 =	vld @!p6 [tilespmem:s25+$0x650]  }
.LBB2_4:
0x10f: {  	v7 =	vld @!p6 [tilespmem:s25+$0x600];
	s21 =	sadd.s32 $0x4, s21;
	s30 =	smov.u32 s12;
	s12 =	sadd.s32 $0x1000, s12  }
0x110: {  	p5 =	sne.s32 s12, $0x27000;
	v8 =	vld @!p6 [tilespmem:s25+$0x610];
	v5 =	vshll.u32 @!p6 v5, $0x1  }
0x111: {  	v9 =	vld @!p6 [tilespmem:s25+$0x620];
	v6 =	vshll.u32 @!p6 v6, $0x1;
	v5 =	vor.u32 @!p6 v0, v5  }
0x112: {  	v10 =	vld @!p6 [tilespmem:s25+$0x630];
	v6 =	vor.u32 @!p6 v0, v6;
	v4 =	vshll.u32 @!p6 v4, $0x1  }
0x113: {  	[tilespmem:s25+$0x640] =	vst @!p6 v6;
	v3 =	vshll.u32 @!p6 v3, $0x1;
	v4 =	vor.u32 @!p6 v0, v4  }
0x114: {  	v6 =	vshll.u32 @!p6 v7, $0x1;
	v3 =	vor.u32 @!p6 v0, v3;
	[tilespmem:s25+$0x670] =	vst @!p6 v5  }
0x115: {  	v5 =	vor.u32 @!p6 v0, v6;
	v6 =	vshll.u32 @!p6 v8, $0x1;
	[tilespmem:s25+$0x660] =	vst @!p6 v4  }
0x116: {  	[tilespmem:s25+$0x600] =	vst @!p6 v5;
	v4 =	vor.u32 @!p6 v0, v6;
	v5 =	vshll.u32 @!p6 v9, $0x1  }
0x117: {  	v5 =	vor.u32 @!p6 v0, v5;
	v6 =	vshll.u32 @!p6 v10, $0x1;
	[tilespmem:s25+$0x650] =	vst @!p6 v3  }
0x118: {  	[tilespmem:s25+$0x620] =	vst @!p6 v5;
	v3 =	vor.u32 @!p6 v0, v6  }
0x119: {  	[tilespmem:s25+$0x610] =	vst @!p6 v4  }
0x11a: {  	s22 =	simm.s32 @!p6 $0x80;
	[tilespmem:s25+$0x630] =	vst @!p6 v3;
	s25 =	simm.s32 @!p6 $0xDD00  }
0x11b: {  	[tilespmem:s25], [sflag:$0x3] =	stream.indirect.gather @!p6 [hbm4b:s5+s22], $0x40, s28, s22, $0xb8;
	[tilespmem:$0x1E280] =	vst v63  }
0x11c: {  	_ =	swait.ge [sflag:s0], $0x2000  }
0x11d: {  	[sflag:s0] =	ssyncset.done $0x0  }
0x11e: {  	s22 =	simm.s32 @!p2 $0xC;
	[sflag:s0] =	ssyncadd.s32 $0xFFFFE000  }
0x11f: {  	_ =	swait.ge @!p2 [sflag:s22], $0x80  }
0x120: {  	p6 =	sge.u32 s8, s14;
	s8 =	smov.u32 s21;
	[sflag:s22] =	ssyncset.done @!p2 $0x0  }
0x121: {  	s25 =	sshra.s32 @!p6 s13, $0x2;
	s13 =	smov.u32 s30;
	[sflag:s22] =	ssyncadd.s32 @!p2 $0xFFFFFF80  }
0x122: {  	s28 =	sadd.s32 @!p6 $0x700, s25;
	v3 =	vld @!p6 [tilespmem:s25+$0x700]  }
0x123: {  	v4 =	vld @!p6 [tilespmem:s25+$0x710]  }
0x124: {  	v5 =	vld @!p6 [tilespmem:s25+$0x720]  }
0x125: {  	v6 =	vld @!p6 [tilespmem:s25+$0x730]  }
0x126: {  	v7 =	vld @!p6 [tilespmem:s25+$0x740]  }
0x127: {  	v3 =	vshll.u32 @!p6 v3, $0x1;
	v8 =	vld @!p6 [tilespmem:s25+$0x750]  }
0x128: {  	v3 =	vor.u32 @!p6 v0, v3;
	v4 =	vshll.u32 @!p6 v4, $0x1;
	v9 =	vld @!p6 [tilespmem:s25+$0x760]  }
0x129: {  	[tilespmem:s25+$0x700] =	vst @!p6 v3;
	v3 =	vor.u32 @!p6 v0, v4;
	v4 =	vshll.u32 @!p6 v5, $0x1;
	v5 =	vld @!p6 [tilespmem:s25+$0x770]  }
0x12a: {  	[tilespmem:s25+$0x710] =	vst @!p6 v3;
	v3 =	vor.u32 @!p6 v0, v4;
	v4 =	vshll.u32 @!p6 v6, $0x1  }
0x12b: {  	[tilespmem:s25+$0x720] =	vst @!p6 v3;
	v3 =	vor.u32 @!p6 v0, v4;
	v4 =	vshll.u32 @!p6 v7, $0x1  }
0x12c: {  	[tilespmem:s25+$0x730] =	vst @!p6 v3;
	v3 =	vor.u32 @!p6 v0, v4;
	v4 =	vshll.u32 @!p6 v8, $0x1  }
0x12d: {  	[tilespmem:s25+$0x740] =	vst @!p6 v3;
	v3 =	vor.u32 @!p6 v0, v4;
	v4 =	vshll.u32 @!p6 v9, $0x1  }
0x12e: {  	[tilespmem:s25+$0x750] =	vst @!p6 v3;
	v3 =	vor.u32 @!p6 v0, v4;
	v4 =	vshll.u32 @!p6 v5, $0x1  }
0x12f: {  	[tilespmem:s25+$0x760] =	vst @!p6 v3;
	v3 =	vor.u32 @!p6 v0, v4  }
0x130: {  	s30 =	simm.s32 @!p6 $0xFD00;
	[tilespmem:s25+$0x770] =	vst @!p6 v3;
	s25 =	simm.s32 @!p6 $0x80  }
0x131: {  	[tilespmem:s30], [sflag:$0x4] =	stream.indirect.gather @!p6 [hbm4b:s5+s25], $0x40, s28, s25, $0xb8;
	[tilespmem:$0x1E280] =	vst v63  }
0x132: {  	_ =	sdelay $0x1  }
0x133: {  	_ =	swait.ge [sflag:s4], $0x2000  }
0x134: {  	s25 =	sshra.s32 s13, $0x2;
	[sflag:s4] =	ssyncset.done $0x0  }
0x135: {  	s1 =	simm.s32 $0x9D00;
	s28 =	sadd.s32 $0x80, s25;
	[sflag:s4] =	ssyncadd.s32 $0xFFFFE000  }
0x136: {  	[spmem:s2] =	stream.indirect.scatter.add.f32 [tilespmem:s1], [sflag:$0x5], $0x40, s28, s24, $0xb8;
	[tilespmem:$0x1E280] =	vst v63  }
0x137: {  	_ = 	snop  }
0x138: {  	[spmem:s3] =	stream.indirect.scatter.add.f32 @!p1 [tilespmem:s16], [sflag:$0x9], $0x1, s28, s15, $0xb8;
	[tilespmem:$0x1E280] =	vst v63  }
0x139: {  	_ =	swait.ge [sflag:s23], $0x2000  }
0x13a: {  	[sflag:s23] =	ssyncset.done $0x0  }
0x13b: {  	s1 =	simm.s32 $0xBD00;
	s28 =	sadd.s32 $0x180, s25;
	[sflag:s23] =	ssyncadd.s32 $0xFFFFE000  }
0x13c: {  	[spmem:s2] =	stream.indirect.scatter.add.f32 [tilespmem:s1], [sflag:$0x6], $0x40, s28, s24, $0xb8;
	[tilespmem:$0x1E280] =	vst v63  }
0x13d: {  	_ =	swait.ge @p2 [sflag:s17], $0x2000  }
0x13e: {  	[sflag:s17] =	ssyncset.done @p2 $0x0  }
0x13f: {  	[sflag:s17] =	ssyncadd.s32 @p2 $0xFFFFE000  }
0x140: {  	_ =	swait.ge @p2 [sflag:s18], $0x80  }
0x141: {  	[sflag:s18] =	ssyncset.done @p2 $0x0  }
0x142: {  	[sflag:s18] =	ssyncadd.s32 @p2 $0xFFFFFF80  }
0x143: {  	[spmem:s3] =	stream.indirect.scatter.add.f32 @!p2 [tilespmem:s6], [sflag:$0xA], $0x1, s28, s20, $0xb8;
	[tilespmem:$0x1E280] =	vst v63  }
0x144: {  	s28 =	sadd.s32 $0xFFFFFFFD, s21;
	_ =	swait.ge @!p2 [sflag:s19], $0x2000  }
0x145: {  	p6 =	sge.u32 s28, s14;
	[sflag:s19] =	ssyncset.done @!p2 $0x0  }
0x146: {  	s28 =	sshra.s32 @!p6 s13, $0x2;
	[sflag:s19] =	ssyncadd.s32 @!p2 $0xFFFFE000  }
0x147: {  	s30 =	sadd.s32 @!p6 $0x400, s28;
	v3 =	vld @!p6 [tilespmem:s28+$0x470]  }
0x148: {  	v4 =	vld @!p6 [tilespmem:s28+$0x460]  }
0x149: {  	v5 =	vld @!p6 [tilespmem:s28+$0x450]  }
0x14a: {  	v6 =	vld @!p6 [tilespmem:s28+$0x420]  }
0x14b: {  	v7 =	vld @!p6 [tilespmem:s28+$0x430]  }
0x14c: {  	v8 =	vld @!p6 [tilespmem:s28+$0x410];
	v3 =	vshll.u32 @!p6 v3, $0x1  }
0x14d: {  	v9 =	vld @!p6 [tilespmem:s28+$0x400];
	v4 =	vshll.u32 @!p6 v4, $0x1;
	v3 =	vor.u32 @!p6 v0, v3  }
0x14e: {  	v10 =	vld @!p6 [tilespmem:s28+$0x440];
	v5 =	vshll.u32 @!p6 v5, $0x1;
	v4 =	vor.u32 @!p6 v0, v4;
	[tilespmem:s28+$0x470] =	vst @!p6 v3  }
0x14f: {  	v3 =	vshll.u32 @!p6 v6, $0x1;
	v5 =	vor.u32 @!p6 v0, v5;
	[tilespmem:s28+$0x460] =	vst @!p6 v4  }
0x150: {  	v3 =	vor.u32 @!p6 v0, v3;
	v4 =	vshll.u32 @!p6 v7, $0x1;
	[tilespmem:s28+$0x450] =	vst @!p6 v5  }
0x151: {  	v5 =	vshll.u32 @!p6 v8, $0x1;
	[tilespmem:s28+$0x420] =	vst @!p6 v3;
	v3 =	vor.u32 @!p6 v0, v4  }
0x152: {  	v4 =	vshll.u32 @!p6 v9, $0x1;
	v5 =	vor.u32 @!p6 v0, v5;
	[tilespmem:s28+$0x430] =	vst @!p6 v3  }
0x153: {  	v3 =	vor.u32 @!p6 v0, v4;
	[tilespmem:s28+$0x410] =	vst @!p6 v5;
	v4 =	vshll.u32 @!p6 v10, $0x1  }
0x154: {  	[tilespmem:s28+$0x400] =	vst @!p6 v3;
	v3 =	vor.u32 @!p6 v0, v4  }
0x155: {  	s1 =	simm.s32 @!p6 $0x9D00;
	[tilespmem:s28+$0x440] =	vst @!p6 v3;
	s28 =	simm.s32 @!p6 $0x80  }
0x156: {  	[tilespmem:s1], [sflag:$0x1] =	stream.indirect.gather @!p6 [hbm4b:s5+s28], $0x40, s30, s28, $0xb8;
	[tilespmem:$0x1E280] =	vst v63  }
0x157: {  	_ =	swait.ge [sflag:s26], $0x2000  }
0x158: {  	[sflag:s26] =	ssyncset.done $0x0  }
0x159: {  	[sflag:s26] =	ssyncadd.s32 $0xFFFFE000  }
0x15a: {  	s1 =	sadd.s32 $0xFFFFFFFE, s21;
	_ =	swait.ge @!p2 [sflag:s7], $0x80  }
0x15b: {  	p6 =	sge.u32 s1, s14;
	[sflag:s7] =	ssyncset.done @!p2 $0x0  }
0x15c: {  	s1 =	sshra.s32 @!p6 s13, $0x2;
	[sflag:s7] =	ssyncadd.s32 @!p2 $0xFFFFFF80  }
0x15d: {  	v3 =	vld @!p6 [tilespmem:s1+$0x560]  }
0x15e: {  	v4 =	vld @!p6 [tilespmem:s1+$0x520]  }
0x15f: {  	v5 =	vld @!p6 [tilespmem:s1+$0x570]  }
0x160: {  	v6 =	vld @!p6 [tilespmem:s1+$0x550]  }
0x161: {  	v7 =	vld @!p6 [tilespmem:s1+$0x540]  }
0x162: {  	v8 =	vld @!p6 [tilespmem:s1+$0x510];
	v3 =	vshll.u32 @!p6 v3, $0x1  }
0x163: {  	v9 =	vld @!p6 [tilespmem:s1+$0x500];
	v3 =	vor.u32 @!p6 v0, v3  }
0x164: {  	v4 =	vshll.u32 @!p6 v4, $0x1;
	v10 =	vld @!p6 [tilespmem:s1+$0x530];
	[tilespmem:s1+$0x560] =	vst @!p6 v3;
	v3 =	vshll.u32 @!p6 v5, $0x1  }
0x165: {  	v4 =	vor.u32 @!p6 v0, v4;
	v5 =	vshll.u32 @!p6 v6, $0x1;
	v3 =	vor.u32 @!p6 v0, v3  }
0x166: {  	[tilespmem:s1+$0x520] =	vst @!p6 v4;
	v4 =	vshll.u32 @!p6 v7, $0x1;
	v5 =	vor.u32 @!p6 v0, v5  }
0x167: {  	v6 =	vshll.u32 @!p6 v8, $0x1;
	v4 =	vor.u32 @!p6 v0, v4;
	[tilespmem:s1+$0x550] =	vst @!p6 v5  }
0x168: {  	v5 =	vshll.u32 @!p6 v9, $0x1;
	v6 =	vor.u32 @!p6 v0, v6;
	[tilespmem:s1+$0x570] =	vst @!p6 v3  }
0x169: {  	v3 =	vor.u32 @!p6 v0, v5;
	v5 =	vshll.u32 @!p6 v10, $0x1;
	[tilespmem:s1+$0x540] =	vst @!p6 v4  }
0x16a: {  	[tilespmem:s1+$0x500] =	vst @!p6 v3;
	v3 =	vor.u32 @!p6 v0, v5  }
0x16b: {  	[tilespmem:s1+$0x530] =	vst @!p6 v3  }
0x16c: {  	s30 =	simm.s32 @!p6 $0xBD00;
	s28 =	sadd.s32 @!p6 $0x500, s1;
	[tilespmem:s1+$0x510] =	vst @!p6 v6;
	s1 =	simm.s32 @!p6 $0x80  }
0x16d: {  	[tilespmem:s30], [sflag:$0x2] =	stream.indirect.gather @!p6 [hbm4b:s5+s1], $0x40, s28, s1, $0xb8;
	[tilespmem:$0x1E280] =	vst v63  }
0x16e: {  	s30 =	simm.s32 $0xDD00  }
0x16f: {  	_ =	swait.ge [sflag:s29], $0x2000  }
0x170: {  	[sflag:s29] =	ssyncset.done $0x0  }
0x171: {  	s1 =	sadd.s32 $0x280, s25;
	[sflag:s29] =	ssyncadd.s32 $0xFFFFE000  }
0x172: {  	[spmem:s2] =	stream.indirect.scatter.add.f32 [tilespmem:s30], [sflag:$0x7], $0x40, s1, s24, $0xb8;
	[tilespmem:$0x1E280] =	vst v63  }
0x173: {  	_ = 	snop  }
0x174: {  	[spmem:s3] =	stream.indirect.scatter.add.f32 @!p1 [tilespmem:s16], [sflag:$0xB], $0x1, s1, s15, $0xb8;
	[tilespmem:$0x1E280] =	vst v63  }
0x175: {  	_ =	swait.ge [sflag:s31], $0x2000  }
0x176: {  	[sflag:s31] =	ssyncset.done $0x0  }
0x177: {  	s1 =	sadd.s32 $0x380, s25;
	s25 =	simm.s32 $0xFD00;
	[sflag:s31] =	ssyncadd.s32 $0xFFFFE000  }
0x178: {  	[spmem:s2] =	stream.indirect.scatter.add.f32 [tilespmem:s25], [sflag:$0x8], $0x40, s1, s24, $0xb8;
	[tilespmem:$0x1E280] =	vst v63  }
0x179: {  	_ =	swait.ge @p2 [sflag:s9], $0x2000  }
0x17a: {  	[sflag:s9] =	ssyncset.done @p2 $0x0  }
0x17b: {  	[sflag:s9] =	ssyncadd.s32 @p2 $0xFFFFE000  }
0x17c: {  	_ =	swait.ge @p2 [sflag:s10], $0x80  }
0x17d: {  	[sflag:s10] =	ssyncset.done @p2 $0x0  }
0x17e: {  	[sflag:s10] =	ssyncadd.s32 @p2 $0xFFFFFF80  }
0x17f: {  	[spmem:s3] =	stream.indirect.scatter.add.f32 @!p2 [tilespmem:s6], [sflag:$0xC], $0x1, s1, s20, $0xb8;
	[tilespmem:$0x1E280] =	vst v63  }
0x180: {  	s1 =	sadd.s32 $0xFFFFFFFF, s21;
	_ =	swait.ge @!p2 [sflag:s11], $0x2000  }
0x181: {  	p6 =	sge.u32 s1, s14;
	[sflag:s11] =	ssyncset.done @!p2 $0x0  }
.Ltmp1:
0x182: {  	s25 =	sshra.s32 @!p6 s13, $0x2;
	[sflag:s11] =	ssyncadd.s32 @!p2 $0xFFFFE000;
	(pc) =	sbr.rel @p5 .LBB2_4-.Ltmp1, $4  }
0x183: {  	s28 =	sadd.s32 @!p6 $0x600, s25;
	v5 =	vld @!p6 [tilespmem:s25+$0x670]  }
0x184: {  	v6 =	vld @!p6 [tilespmem:s25+$0x640]  }
0x185: {  	v4 =	vld @!p6 [tilespmem:s25+$0x660]  }
0x186: {  	v3 =	vld @!p6 [tilespmem:s25+$0x650]  }
0x187: {  	v7 =	vld @!p6 [tilespmem:s25+$0x600]  }
0x188: {  	v9 =	vld @!p6 [tilespmem:s25+$0x620];
	v5 =	vshll.u32 @!p6 v5, $0x1  }
0x189: {  	v8 =	vld @!p6 [tilespmem:s25+$0x610];
	v6 =	vshll.u32 @!p6 v6, $0x1;
	v5 =	vor.u32 @!p6 v0, v5  }
0x18a: {  	v10 =	vld @!p6 [tilespmem:s25+$0x630];
	v6 =	vor.u32 @!p6 v0, v6;
	v4 =	vshll.u32 @!p6 v4, $0x1;
	[tilespmem:s25+$0x670] =	vst @!p6 v5  }
0x18b: {  	[tilespmem:s25+$0x640] =	vst @!p6 v6;
	v4 =	vor.u32 @!p6 v0, v4;
	v3 =	vshll.u32 @!p6 v3, $0x1  }
0x18c: {  	v6 =	vshll.u32 @!p6 v7, $0x1;
	[tilespmem:s25+$0x660] =	vst @!p6 v4;
	v3 =	vor.u32 @!p6 v0, v3  }
0x18d: {  	v4 =	vshll.u32 @!p6 v9, $0x1;
	v5 =	vor.u32 @!p6 v0, v6;
	[tilespmem:s25+$0x650] =	vst @!p6 v3  }
0x18e: {  	v4 =	vor.u32 @!p6 v0, v4;
	[tilespmem:s25+$0x600] =	vst @!p6 v5;
	v5 =	vshll.u32 @!p6 v8, $0x1  }
0x18f: {  	[tilespmem:s25+$0x620] =	vst @!p6 v4;
	v3 =	vor.u32 @!p6 v0, v5;
	v5 =	vshll.u32 @!p6 v10, $0x1  }
0x190: {  	v4 =	vor.u32 @!p6 v0, v5;
	[tilespmem:s25+$0x610] =	vst @!p6 v3  }
0x191: {  	s1 =	simm.s32 @!p6 $0x80;
	s6 =	simm.s32 @!p6 $0xDD00;
	[tilespmem:s25+$0x630] =	vst @!p6 v4  }
0x192: {  	[tilespmem:s6], [sflag:$0x3] =	stream.indirect.gather @!p6 [hbm4b:s5+s1], $0x40, s28, s1, $0xb8;
	[tilespmem:$0x1E280] =	vst v63  }
0x193: {  	_ =	swait.ge [sflag:s0], $0x2000  }
0x194: {  	[sflag:s0] =	ssyncset.done $0x0  }
0x195: {  	[sflag:s0] =	ssyncadd.s32 $0xFFFFE000  }
0x196: {  	_ =	swait.ge @!p2 [sflag:s22], $0x80  }
0x197: {  	p5 =	sge.u32 s8, s14;
	[sflag:s22] =	ssyncset.done @!p2 $0x0  }
0x198: {  	s1 =	sshra.s32 @!p5 s13, $0x2;
	[sflag:s22] =	ssyncadd.s32 @!p2 $0xFFFFFF80  }
0x199: {  	v3 =	vld @!p5 [tilespmem:s1+$0x700]  }
0x19a: {  	v4 =	vld @!p5 [tilespmem:s1+$0x710]  }
0x19b: {  	v5 =	vld @!p5 [tilespmem:s1+$0x720]  }
0x19c: {  	v6 =	vld @!p5 [tilespmem:s1+$0x730]  }
0x19d: {  	v7 =	vld @!p5 [tilespmem:s1+$0x740]  }
0x19e: {  	v8 =	vld @!p5 [tilespmem:s1+$0x750];
	v3 =	vshll.u32 @!p5 v3, $0x1  }
0x19f: {  	v9 =	vld @!p5 [tilespmem:s1+$0x760];
	v4 =	vshll.u32 @!p5 v4, $0x1;
	v3 =	vor.u32 @!p5 v0, v3  }
0x1a0: {  	[tilespmem:s1+$0x700] =	vst @!p5 v3;
	v3 =	vor.u32 @!p5 v0, v4;
	v4 =	vshll.u32 @!p5 v5, $0x1;
	v5 =	vld @!p5 [tilespmem:s1+$0x770]  }
0x1a1: {  	[tilespmem:s1+$0x710] =	vst @!p5 v3;
	v3 =	vor.u32 @!p5 v0, v4;
	v4 =	vshll.u32 @!p5 v6, $0x1  }
0x1a2: {  	[tilespmem:s1+$0x720] =	vst @!p5 v3;
	v3 =	vor.u32 @!p5 v0, v4;
	v4 =	vshll.u32 @!p5 v7, $0x1  }
0x1a3: {  	[tilespmem:s1+$0x730] =	vst @!p5 v3;
	v3 =	vor.u32 @!p5 v0, v4;
	v4 =	vshll.u32 @!p5 v8, $0x1  }
0x1a4: {  	[tilespmem:s1+$0x740] =	vst @!p5 v3;
	v3 =	vor.u32 @!p5 v0, v4;
	v4 =	vshll.u32 @!p5 v9, $0x1  }
0x1a5: {  	[tilespmem:s1+$0x750] =	vst @!p5 v3;
	v3 =	vor.u32 @!p5 v0, v4;
	v4 =	vshll.u32 @!p5 v5, $0x1  }
0x1a6: {  	[tilespmem:s1+$0x760] =	vst @!p5 v3;
	v3 =	vor.u32 @!p5 v0, v4  }
0x1a7: {  	s7 =	simm.s32 @!p5 $0xFD00;
	s6 =	sadd.s32 @!p5 $0x700, s1;
	[tilespmem:s1+$0x770] =	vst @!p5 v3;
	s1 =	simm.s32 @!p5 $0x80  }
0x1a8: {  	[tilespmem:s7], [sflag:$0x4] =	stream.indirect.gather @!p5 [hbm4b:s5+s1], $0x40, s6, s1, $0xb8;
	[tilespmem:$0x1E280] =	vst v63  }
0x1a9: {  	s1 =	simm.s32 @!p0 $0x1  }
0x1aa: {  	_ =	swait.ge @!p0 [sflag:s1], $0x2000  }
0x1ab: {  	s6 =	simm.s32 @!p0 $0x9C80;
	[sflag:s1] =	ssyncset.done @!p0 $0x0  }
0x1ac: {  	s7 =	simm.s32 @!p0 $0x9D00;
	[sflag:s1] =	ssyncadd.s32 @!p0 $0xFFFFE000;
	s1 =	simm.s32 @!p0 $0x80  }
0x1ad: {  	[spmem:s2] =	stream.indirect.scatter.add.f32 @!p0 [tilespmem:s7], [sflag:$0x5], $0x40, s6, s1, $0xb8;
	[tilespmem:$0x1E280] =	vst v63  }
0x1ae: {  	s1 =	simm.s32 @!p3 $0x5  }
0x1af: {  	_ =	swait.ge @!p3 [sflag:s1], $0x2000  }
0x1b0: {  	s6 =	simm.s32 @!p4 $0x9C80;
	[sflag:s1] =	ssyncset.done @!p3 $0x0  }
0x1b1: {  	s7 =	simm.s32 @!p4 $0x11D00;
	[sflag:s1] =	ssyncadd.s32 @!p3 $0xFFFFE000;
	s1 =	simm.s32 @!p4 $0x80  }
0x1b2: {  	[spmem:s3] =	stream.indirect.scatter.add.f32 @!p4 [tilespmem:s7], [sflag:$0x9], $0x1, s6, s1, $0xb8;
	[tilespmem:$0x1E280] =	vst v63  }
0x1b3: {  	s1 =	simm.s32 @!p4 $0x5  }
0x1b4: {  	_ =	swait.ge @!p4 [sflag:s1], $0x2000  }
0x1b5: {  	[sflag:s1] =	ssyncset.done @!p4 $0x0  }
0x1b6: {  	[sflag:s1] =	ssyncadd.s32 @!p4 $0xFFFFE000;
	s1 =	simm.s32 @!p4 $0x9  }
0x1b7: {  	_ =	swait.ge @!p4 [sflag:s1], $0x80  }
0x1b8: {  	[sflag:s1] =	ssyncset.done @!p4 $0x0  }
0x1b9: {  	[sflag:s1] =	ssyncadd.s32 @!p4 $0xFFFFFF80  }
0x1ba: {  	s20 =	stileid.u32;
	[bflag:$0x0] =	sbarrier.arrive $0xFFFF  }
0x1bb: {  	s9 =	simm.s32 $0xD;
	s1 =	sshll.u32 s20, $0x6;
	s17 =	rddreg [dreg:$0x6]  }
0x1bc: {  	s1 =	sor.u32 $0x1C0D, s1;
	s22 =	rddreg [dreg:$0xe];
	s21 =	sshrl.u32 s17, $0x3  }
0x1bd: {  	[hbm:s22], [sflag:s1] =	dma.local [spmem:s21], $0x400  }
0x1be: {  	_ =	swait.ge [sflag:s9], $0x400  }
0x1bf: {  	[sflag:s9] =	ssyncset.done $0x0;
	s18 =	rddreg [dreg:$0x7]  }
0x1c0: {  	s28 =	rddreg [dreg:$0xf];
	[sflag:s9] =	ssyncadd.s32 $0xFFFFFC00;
	s25 =	sshrl.u32 s18, $0x3  }
0x1c1: {  	[hbm:s28], [sflag:s1] =	dma.local [spmem:s25], $0x400  }
0x1c2: {  	_ =	swait.ge [sflag:s9], $0x400  }
0x1c3: {  	[sflag:s9] =	ssyncset.done $0x0;
	s19 =	rddreg [dreg:$0x8]  }
0x1c4: {  	s10 =	rddreg [dreg:$0x10];
	[sflag:s9] =	ssyncadd.s32 $0xFFFFFC00;
	s8 =	sshrl.u32 s19, $0x3  }
0x1c5: {  	[hbm:s10], [sflag:s1] =	dma.local [spmem:s8], $0x400  }
0x1c6: {  	_ =	swait.ge [sflag:s9], $0x400  }
0x1c7: {  	[sflag:s9] =	ssyncset.done $0x0;
	s20 =	rddreg [dreg:$0x9]  }
0x1c8: {  	s12 =	rddreg [dreg:$0x11];
	[sflag:s9] =	ssyncadd.s32 $0xFFFFFC00;
	s11 =	sshrl.u32 s20, $0x3  }
0x1c9: {  	[hbm:s12], [sflag:s1] =	dma.local [spmem:s11], $0x400  }
0x1ca: {  	_ =	swait.ge [sflag:s9], $0x400  }
0x1cb: {  	[sflag:s9] =	ssyncset.done $0x0;
	s21 =	rddreg [dreg:$0xa]  }
0x1cc: {  	s14 =	rddreg [dreg:$0x12];
	[sflag:s9] =	ssyncadd.s32 $0xFFFFFC00;
	s13 =	sshrl.u32 s21, $0x3  }
0x1cd: {  	[hbm:s14], [sflag:s1] =	dma.local [spmem:s13], $0x400  }
0x1ce: {  	_ =	swait.ge [sflag:s9], $0x400  }
0x1cf: {  	[sflag:s9] =	ssyncset.done $0x0;
	s22 =	rddreg [dreg:$0xb]  }
0x1d0: {  	s16 =	rddreg [dreg:$0x13];
	[sflag:s9] =	ssyncadd.s32 $0xFFFFFC00;
	s15 =	sshrl.u32 s22, $0x3  }
0x1d1: {  	[hbm:s16], [sflag:s1] =	dma.local [spmem:s15], $0x50  }
0x1d2: {  	_ =	swait.ge [sflag:s9], $0x50  }
0x1d3: {  	s25 =	rddreg [dreg:$0x15]  }
0x1d4: {  	s28 =	rddreg [dreg:$0x14];
	s6 =	sadd.s32 $0x1, s25  }
0x1d5: {  	p5 =	sne.s32 s6, s28  }
.Ltmp2:
0x1d6: {  	_ = 	snop;
	(pc) =	sbr.rel @p5 .LBB2_1-.Ltmp2, $3  }
0x1d7: {  	_ =	sdelay $0x1  }
0x1d8: {  	s10 =	simm.s32 $0x9D00;
	[sflag:s9] =	ssyncset.done $0x0  }
0x1d9: {  	s11 =	simm.s32 $0xBD00;
	s12 =	simm.s32 $0xFD00;
	[sflag:s9] =	ssyncadd.s32 $0xFFFFFFB0  }
0x1da: {  	_ =	sfence.sel $0x180000  }
0x1db: {  	[bflag:$0x0] =	sbarrier.arrive $0xFFFF  }
0x1dc: {  	_ =	strace $0x90000047  }
0x1dd: {  	s0 =	stileid.u32;
	[bflag:$0x2] =	sbarrier.arrive $0xFFFF  }
0x1de: {  	p0 =	sne.s32 s0, $0x0;
	s0 =	rddreg [dreg:$0x5]  }
0x1df: {  	s0 =	sadd.s32 @!p0 $0x100000, s0  }
0x1e0: {  	[sflag:s0] =	ssyncadd.tile.s32 @!p0 $0x1;
	_ =	shalt  }
.Lfunc_end2:
_tile_overlayer_lowered:
.L_overlay_start_2:
0x1e1: {  	(tag) =	ssettag $0x2  }
0x1e2: {  	s0 =	rddreg [dreg:$0x0];
	s2 =	stileid.u32  }
0x1e3: {  	s1 =	rddreg [dreg:$0x1];
	p0 =	sne.s32 s2, $0x0  }
0x1e4: {  	s3 =	rddreg [dreg:$0x2];
	[bflag:$0x3] =	sbarrier.arrive $0xFFFF;
	s2 =	simm.s32 @!p0 $0x1C0D  }
0x1e5: {  	[timem:s3], [sflag:s2] =	dma.local @!p0 [hbm:s0], s1  }
0x1e6: {  	s0 =	simm.s32 @!p0 $0xD  }
0x1e7: {  	_ =	swait.ge @!p0 [sflag:s0], s1  }
0x1e8: {  	s1 =	ssub.s32 @!p0 $0x0, s1;
	[sflag:s0] =	ssyncset.done @!p0 $0x0  }
0x1e9: {  	[sflag:s0] =	ssyncadd.s32 @!p0 s1  }
0x1ea: {  	[bflag:$0x3] =	sbarrier.arrive $0xFFFF  }
0x1eb: {  	_ =	shalt  }

</sc_bundles>
